<compile_context>
chip_gen: v7x
topology: tpu7x:2x2x1
jax: 0.10.2.dev20260603
libtpu: 0.0.44.dev20260713+nightly
codegen_flags: <defaults>
</compile_context>

<pallas_src>
import functools

import jax
import jax.numpy as jnp
from jax import lax
from jax.experimental import pallas as pl
from jax.experimental.pallas import tpu as pltpu
from jax.experimental.pallas import tpu_sc as plsc

N_GROUP = 8
TOPK_GROUP = 4
TOP_K = 8
NUM_WORKERS = 32
N_CHUNK = 1
MASKED = -1.0e30
REMOVED = -2.0e30


def _logits_body(grid_n, tok_ref, wt_ref, ml_ref, accn_ref):
    i = pl.program_id(0)
    B = tok_ref.shape[0]
    E = wt_ref.shape[1]
    eg = E // N_GROUP
    NEGBIG = jnp.float32(-3.0e38)

    logits = jnp.dot(tok_ref[...], wt_ref[...], preferred_element_type=jnp.float32)
    lt = logits.T

    gm = jnp.concatenate(
        [jnp.max(lt[g * eg:(g + 1) * eg], axis=0, keepdims=True)
         for g in range(N_GROUP)], axis=0)
    grow = jax.lax.broadcasted_iota(jnp.int32, (N_GROUP, B), 0)
    gwork = gm
    gsel = jnp.zeros((N_GROUP, B), jnp.bool_)
    for _ in range(TOPK_GROUP):
        m = jnp.max(gwork, axis=0, keepdims=True)
        selg = jnp.min(jnp.where(gwork == m, grow, N_GROUP), axis=0, keepdims=True)
        hit = grow == selg
        gsel = gsel | hit
        gwork = jnp.where(hit, NEGBIG, gwork)

    masked = jnp.concatenate(
        [jnp.where(gsel[g:g + 1], lt[g * eg:(g + 1) * eg], jnp.float32(MASKED))
         for g in range(N_GROUP)], axis=0)
    spb = ml_ref.shape[0]
    tpw = B // spb
    for wslab in range(spb):
        ml_ref[wslab] = masked[:, wslab * tpw:(wslab + 1) * tpw]

    scores = jax.nn.sigmoid(lt)
    ssum = jnp.maximum(jnp.sum(scores, axis=0, keepdims=True), jnp.float32(1e-9))

    @pl.when(i == 0)
    def _init():
        accn_ref[...] = jnp.zeros_like(accn_ref)

    accn_ref[...] += scores / ssum


def _route_body(tpw, ml_hbm, idx_hbm, w_hbm, accc_hbm, lv, idxv, wv, acccv):
    E = 64
    wid = lax.axis_index("s") * 2 + lax.axis_index("c")
    pltpu.sync_copy(ml_hbm.at[wid], lv)

    zero16 = jnp.zeros((16,), jnp.float32)
    for e in range(E):
        acccv[pl.ds(e * 16, 16)] = zero16
    lane = jax.lax.broadcasted_iota(jnp.int32, (16,), 0)
    ones16 = jnp.ones((16,), jnp.float32)
    rem16 = jnp.full((16,), REMOVED, jnp.float32)

    def tourney(nodes):
        while len(nodes) > 1:
            nxt = []
            for a, b in zip(nodes[0::2], nodes[1::2]):
                t = b[0] > a[0]
                nxt.append((jnp.where(t, b[0], a[0]),
                            jnp.where(t, b[1], a[1])))
            nodes = nxt
        return nodes[0]

    def chunk(j, carry):
        off = j * 16
        ms = []
        mis = []
        gvals = []
        gidxs = []
        for g in range(N_GROUP):
            gv, gi = tourney(
                [(lv[pl.ds((g * 8 + r) * tpw + off, 16)],
                  jnp.full((16,), g * 8 + r, jnp.int32)) for r in range(8)])
            gvals.append(gv)
            gidxs.append(gi)
        for _k in range(TOP_K):
            m, mi = tourney(list(zip(gvals, gidxs)))
            plsc.store_scatter(lv, [mi * tpw + (off + lane)], rem16)
            plsc.addupdate_scatter(acccv, [mi * 16 + lane], ones16)
            ms.append(m)
            mis.append(mi)
            if _k == TOP_K - 1:
                break
            gwin = lax.shift_right_logical(mi, 3)
            gw8 = gwin * 8
            base = gwin * (8 * tpw) + (off + lane)
            nv, ni = tourney(
                [(plsc.load_gather(lv, [base + r * tpw]), gw8 + r)
                 for r in range(8)])
            for g in range(N_GROUP):
                isg = gwin == g
                gvals[g] = jnp.where(isg, nv, gvals[g])
                gidxs[g] = jnp.where(isg, ni, gidxs[g])
        ws = [jnp.float32(1.0) / (jnp.float32(1.0) + jnp.exp(-m)) for m in ms]
        denom = ws[0]
        for w in ws[1:]:
            denom = denom + w
        inv = jnp.float32(1.0) / jnp.maximum(denom, jnp.float32(1e-9))
        for k in range(TOP_K):
            idxv[pl.ds(k * tpw + off, 16)] = mis[k]
            wv[pl.ds(k * tpw + off, 16)] = ws[k] * inv
        return carry

    lax.fori_loop(0, tpw // 16, chunk, 0)

    pltpu.sync_copy(idxv, idx_hbm.at[wid])
    pltpu.sync_copy(wv, w_hbm.at[wid])
    pltpu.sync_copy(acccv, accc_hbm.at[wid])


def _aux_body(T, n_in, *refs):
    accn_refs = refs[:n_in]
    accc_refs = refs[n_in:2 * n_in]
    aux_ref = refs[2 * n_in]
    E = accn_refs[0].shape[0]
    a2 = jnp.zeros((E, 1), jnp.float32)
    for r in accn_refs:
        a2 = a2 + jnp.sum(r[...], axis=1, keepdims=True)
    s2 = jnp.zeros((E, 1), jnp.float32)
    for r in accc_refs:
        s1 = jnp.sum(r[...], axis=0)
        s2 = s2 + jnp.sum(s1, axis=1, keepdims=True)
    scale = jnp.float32(E) / (jnp.float32(T) * jnp.float32(T) * jnp.float32(TOP_K))
    aux_ref[...] = jnp.full((1, 1), jnp.sum(s2 * a2) * scale, jnp.float32)


def kernel(tokens, W):
    T, H = tokens.shape
    E = W.shape[0]
    B = 512
    tc = T // N_CHUNK
    grid_n = tc // B
    tpw = tc // NUM_WORKERS
    spb = B // tpw
    Wt = W.T

    mesh = plsc.VectorSubcoreMesh(core_axis_name="c", subcore_axis_name="s",
                                  num_cores=2, num_subcores=16)
    route = pl.kernel(
        functools.partial(_route_body, tpw),
        out_type=[
            jax.ShapeDtypeStruct((NUM_WORKERS, TOP_K * tpw), jnp.int32),
            jax.ShapeDtypeStruct((NUM_WORKERS, TOP_K * tpw), jnp.float32),
            jax.ShapeDtypeStruct((NUM_WORKERS, E * 16), jnp.float32),
        ],
        mesh=mesh,
        scratch_types=[
            pltpu.VMEM((E * tpw,), jnp.float32),
            pltpu.VMEM((TOP_K * tpw,), jnp.int32),
            pltpu.VMEM((TOP_K * tpw,), jnp.float32),
            pltpu.VMEM((E * 16,), jnp.float32),
        ],
        compiler_params=pltpu.CompilerParams(needs_layout_passes=False),
    )

    accns = []
    acccs = []
    idxs = []
    wss = []
    for ch in range(N_CHUNK):
        ml, accn = pl.pallas_call(
            functools.partial(_logits_body, grid_n),
            grid=(grid_n,),
            in_specs=[
                pl.BlockSpec((B, H), lambda i, ch=ch: (ch * grid_n + i, 0)),
                pl.BlockSpec((H, E), lambda i: (0, 0)),
            ],
            out_specs=[
                pl.BlockSpec((spb, E, tpw), lambda i: (i, 0, 0)),
                pl.BlockSpec((E, B), lambda i: (0, 0)),
            ],
            out_shape=[
                jax.ShapeDtypeStruct((NUM_WORKERS, E, tpw), jnp.float32),
                jax.ShapeDtypeStruct((E, B), jnp.float32),
            ],
            compiler_params=pltpu.CompilerParams(
                dimension_semantics=("arbitrary",),
            ),
        )(tokens, Wt)
        idx3, w3, accc = route(ml.reshape(NUM_WORKERS, E * tpw))
        accns.append(accn)
        acccs.append(accc.reshape(NUM_WORKERS, E, 16))
        idxs.append(jnp.transpose(idx3.reshape(NUM_WORKERS, TOP_K, tpw),
                                  (0, 2, 1)).reshape(tc, TOP_K))
        wss.append(jnp.transpose(w3.reshape(NUM_WORKERS, TOP_K, tpw),
                                 (0, 2, 1)).reshape(tc, TOP_K))

    aux = pl.pallas_call(
        functools.partial(_aux_body, T, N_CHUNK),
        out_shape=jax.ShapeDtypeStruct((1, 1), jnp.float32),
    )(*accns, *acccs)

    idx = jnp.concatenate(idxs, axis=0)
    w = jnp.concatenate(wss, axis=0)
    return (idx, w, aux[0, 0])

# --- scband reference (transcript-rebuilt; emitter-appended) ---
"""Pipeline reference for scband-top-krouter-60644938219690 (READ-ONLY COPY).

The authoritative reference and input builder live on the scoring server;
editing this copy changes nothing except your own understanding.
"""

import jax, jax.numpy as jnp
import numpy as np

NUM_TOKENS = 16384
HIDDEN = 4096
NUM_EXPERTS = 64
TOP_K = 8
N_GROUP = 8
TOPK_GROUP = 4
ROUTED_SCALING = 1.0


def setup_inputs(seed: int = 0) -> dict:
    key = jax.random.key(seed)
    k1, k2 = jax.random.split(key)
    tokens = jax.random.normal(k1, (NUM_TOKENS, HIDDEN), dtype=jnp.float32)
    # torch Linear weight layout: [out_features, in_features]
    W = jax.random.normal(k2, (NUM_EXPERTS, HIDDEN), dtype=jnp.float32) * (1.0 / np.sqrt(HIDDEN))
    return {"tokens": tokens, "W": W}


def reference(tokens, W):
    num_tokens = tokens.shape[0]
    experts_per_group = NUM_EXPERTS // N_GROUP
    # router linear (no bias)
    logits = tokens @ W.T
    # sigmoid scoring
    scores = jax.nn.sigmoid(logits)
    # DeepSeek-style group routing (n_group=8, topk_group=4 < n_group -> active)
    grouped_scores = scores.reshape(num_tokens, N_GROUP, experts_per_group)
    group_scores = grouped_scores.max(axis=-1)
    _, selected_groups = jax.lax.top_k(group_scores, TOPK_GROUP)
    group_mask = jnp.zeros((num_tokens, N_GROUP), dtype=bool)
    group_mask = group_mask.at[jnp.arange(num_tokens)[:, None], selected_groups].set(True)
    expert_mask = jnp.repeat(group_mask, experts_per_group, axis=1)
    routed_scores = jnp.where(expert_mask, scores, jnp.zeros_like(scores))
    # top-k expert selection
    topk_weights, topk_indices = jax.lax.top_k(routed_scores, TOP_K)
    # sigmoid + norm_topk_prob normalization
    denom = jnp.clip(topk_weights.sum(axis=-1, keepdims=True), 1e-9, None)
    topk_weights = topk_weights / denom
    topk_weights = topk_weights * ROUTED_SCALING
    # aux load-balancing loss
    normed_scores = scores / jnp.clip(scores.sum(axis=-1, keepdims=True), 1e-9, None)
    assignments = jax.nn.one_hot(topk_indices, NUM_EXPERTS, dtype=jnp.float32)
    assignments = assignments.mean(axis=1)
    expert_fraction = assignments.mean(axis=0)
    expert_prob = normed_scores.mean(axis=0)
    aux_loss = (expert_fraction * expert_prob).sum() * float(NUM_EXPERTS)
    return (topk_indices, topk_weights, aux_loss)

if __name__ == "__main__":
    import jax
    _d = setup_inputs()
    print(jax.jit(kernel)(*tuple(_d.values())))

</pallas_src>

<mosaic_0001>
#map = affine_map<(d0, d1) -> (0, 0)>
module attributes {stable_mosaic.version = 14 : i64} {
  func.func @_route_body(%arg0: i32, %arg1: i32, %arg2: memref<32x32768xf32, #tpu.memory_space<hbm>>, %arg3: memref<32x4096xi32, #tpu.memory_space<hbm>>, %arg4: memref<32x4096xf32, #tpu.memory_space<hbm>>, %arg5: memref<32x1024xf32, #tpu.memory_space<hbm>>, %arg6: memref<32768xf32, #tpu.memory_space<vmem>>, %arg7: memref<4096xi32, #tpu.memory_space<vmem>>, %arg8: memref<4096xf32, #tpu.memory_space<vmem>>, %arg9: memref<1024xf32, #tpu.memory_space<vmem>>) attributes {dimension_semantics = [#tpu.dimension_semantics<core_parallel>, #tpu.dimension_semantics<subcore_parallel>], iteration_bounds = array<i64: 2, 16>, scalar_prefetch = 0 : i64, scratch_operands = 4 : i64, tpu.core_type = #tpu.core_type<sc_vector_subcore>, window_params = [{transform_indices = #map}, {transform_indices = #map}, {transform_indices = #map}, {transform_indices = #map}]} {
    %mul3A = arith.constant 2 : i32
    %mul3A_0 = arith.muli %arg1, %mul3A : i32
    %add3A = arith.addi %mul3A_0, %arg0 : i32
    "tpu.region"() ({
      %run_scoped3A = tpu.sem_alloc : memref<!tpu.dma_semaphore, #tpu.memory_space<semaphore_mem>>
      %dma_start3A = arith.constant 0 : i32
      %dma_start3A_138 = tpu.memref_slice %arg2[%add3A, %dma_start3A] : memref<32x32768xf32, #tpu.memory_space<hbm>> -> memref<1x32768xf32, #tpu.memory_space<hbm>>
      %dma_start3A_139 = tpu.memref_squeeze %dma_start3A_138 : memref<1x32768xf32, #tpu.memory_space<hbm>> -> memref<32768xf32, #tpu.memory_space<hbm>>
      %dma_start3A_140 = arith.constant 0 : i32
      %dma_start3A_141 = tpu.memref_slice %arg2[%add3A, %dma_start3A_140] : memref<32x32768xf32, #tpu.memory_space<hbm>> -> memref<1x32768xf32, #tpu.memory_space<hbm>>
      %dma_start3A_142 = tpu.memref_squeeze %dma_start3A_141 : memref<1x32768xf32, #tpu.memory_space<hbm>> -> memref<32768xf32, #tpu.memory_space<hbm>>
      tpu.enqueue_dma source(%dma_start3A_142 : memref<32768xf32, #tpu.memory_space<hbm>>) target(%arg6 : memref<32768xf32, #tpu.memory_space<vmem>>) target_semaphore(%run_scoped3A : memref<!tpu.dma_semaphore, #tpu.memory_space<semaphore_mem>>)
      %dma_wait3A = arith.constant 0 : i32
      %dma_wait3A_143 = tpu.memref_slice %arg2[%add3A, %dma_wait3A] : memref<32x32768xf32, #tpu.memory_space<hbm>> -> memref<1x32768xf32, #tpu.memory_space<hbm>>
      %dma_wait3A_144 = tpu.memref_squeeze %dma_wait3A_143 : memref<1x32768xf32, #tpu.memory_space<hbm>> -> memref<32768xf32, #tpu.memory_space<hbm>>
      %dma_wait3A_145 = arith.constant 0 : i32
      %dma_wait3A_146 = tpu.memref_slice %arg2[%add3A, %dma_wait3A_145] : memref<32x32768xf32, #tpu.memory_space<hbm>> -> memref<1x32768xf32, #tpu.memory_space<hbm>>
      %dma_wait3A_147 = tpu.memref_squeeze %dma_wait3A_146 : memref<1x32768xf32, #tpu.memory_space<hbm>> -> memref<32768xf32, #tpu.memory_space<hbm>>
      tpu.wait_dma2 semaphore(%run_scoped3A : memref<!tpu.dma_semaphore, #tpu.memory_space<semaphore_mem>>) src(%dma_wait3A_147 : memref<32768xf32, #tpu.memory_space<hbm>>) dst(%arg6 : memref<32768xf32, #tpu.memory_space<vmem>>)
      tpu.yield
    }) : () -> ()
    %broadcast_in_dim3A = arith.constant 0.000000e+00 : f32
    %broadcast_in_dim3A_1 = vector.broadcast %broadcast_in_dim3A : f32 to vector<16xf32>
    %swap3A = arith.constant 0 : index
    %swap3A_2 = tpu.vector_load %arg9[%swap3A] {strides = array<i32>} : memref<1024xf32, #tpu.memory_space<vmem>>, vector<16xf32>,
    tpu.vector_store %arg9[%swap3A], %broadcast_in_dim3A_1 {strides = array<i32>} : memref<1024xf32, #tpu.memory_space<vmem>>, vector<16xf32>,
    %swap3A_3 = arith.constant 16 : index
    %swap3A_4 = tpu.vector_load %arg9[%swap3A_3] {strides = array<i32>} : memref<1024xf32, #tpu.memory_space<vmem>>, vector<16xf32>,
    tpu.vector_store %arg9[%swap3A_3], %broadcast_in_dim3A_1 {strides = array<i32>} : memref<1024xf32, #tpu.memory_space<vmem>>, vector<16xf32>,
    %swap3A_5 = arith.constant 32 : index
    %swap3A_6 = tpu.vector_load %arg9[%swap3A_5] {strides = array<i32>} : memref<1024xf32, #tpu.memory_space<vmem>>, vector<16xf32>,
    tpu.vector_store %arg9[%swap3A_5], %broadcast_in_dim3A_1 {strides = array<i32>} : memref<1024xf32, #tpu.memory_space<vmem>>, vector<16xf32>,
    %swap3A_7 = arith.constant 48 : index
    %swap3A_8 = tpu.vector_load %arg9[%swap3A_7] {strides = array<i32>} : memref<1024xf32, #tpu.memory_space<vmem>>, vector<16xf32>,
    tpu.vector_store %arg9[%swap3A_7], %broadcast_in_dim3A_1 {strides = array<i32>} : memref<1024xf32, #tpu.memory_space<vmem>>, vector<16xf32>,
    %swap3A_9 = arith.constant 64 : index
    %swap3A_10 = tpu.vector_load %arg9[%swap3A_9] {strides = array<i32>} : memref<1024xf32, #tpu.memory_space<vmem>>, vector<16xf32>,
    tpu.vector_store %arg9[%swap3A_9], %broadcast_in_dim3A_1 {strides = array<i32>} : memref<1024xf32, #tpu.memory_space<vmem>>, vector<16xf32>,
    %swap3A_11 = arith.constant 80 : index
    %swap3A_12 = tpu.vector_load %arg9[%swap3A_11] {strides = array<i32>} : memref<1024xf32, #tpu.memory_space<vmem>>, vector<16xf32>,
    tpu.vector_store %arg9[%swap3A_11], %broadcast_in_dim3A_1 {strides = array<i32>} : memref<1024xf32, #tpu.memory_space<vmem>>, vector<16xf32>,
    %swap3A_13 = arith.constant 96 : index
    %swap3A_14 = tpu.vector_load %arg9[%swap3A_13] {strides = array<i32>} : memref<1024xf32, #tpu.memory_space<vmem>>, vector<16xf32>,
    tpu.vector_store %arg9[%swap3A_13], %broadcast_in_dim3A_1 {strides = array<i32>} : memref<1024xf32, #tpu.memory_space<vmem>>, vector<16xf32>,
    %swap3A_15 = arith.constant 112 : index
    %swap3A_16 = tpu.vector_load %arg9[%swap3A_15] {strides = array<i32>} : memref<1024xf32, #tpu.memory_space<vmem>>, vector<16xf32>,
    tpu.vector_store %arg9[%swap3A_15], %broadcast_in_dim3A_1 {strides = array<i32>} : memref<1024xf32, #tpu.memory_space<vmem>>, vector<16xf32>,
    %swap3A_17 = arith.constant 128 : index
    %swap3A_18 = tpu.vector_load %arg9[%swap3A_17] {strides = array<i32>} : memref<1024xf32, #tpu.memory_space<vmem>>, vector<16xf32>,
    tpu.vector_store %arg9[%swap3A_17], %broadcast_in_dim3A_1 {strides = array<i32>} : memref<1024xf32, #tpu.memory_space<vmem>>, vector<16xf32>,
    %swap3A_19 = arith.constant 144 : index
    %swap3A_20 = tpu.vector_load %arg9[%swap3A_19] {strides = array<i32>} : memref<1024xf32, #tpu.memory_space<vmem>>, vector<16xf32>,
    tpu.vector_store %arg9[%swap3A_19], %broadcast_in_dim3A_1 {strides = array<i32>} : memref<1024xf32, #tpu.memory_space<vmem>>, vector<16xf32>,
    %swap3A_21 = arith.constant 160 : index
    %swap3A_22 = tpu.vector_load %arg9[%swap3A_21] {strides = array<i32>} : memref<1024xf32, #tpu.memory_space<vmem>>, vector<16xf32>,
    tpu.vector_store %arg9[%swap3A_21], %broadcast_in_dim3A_1 {strides = array<i32>} : memref<1024xf32, #tpu.memory_space<vmem>>, vector<16xf32>,
    %swap3A_23 = arith.constant 176 : index
    %swap3A_24 = tpu.vector_load %arg9[%swap3A_23] {strides = array<i32>} : memref<1024xf32, #tpu.memory_space<vmem>>, vector<16xf32>,
    tpu.vector_store %arg9[%swap3A_23], %broadcast_in_dim3A_1 {strides = array<i32>} : memref<1024xf32, #tpu.memory_space<vmem>>, vector<16xf32>,
    %swap3A_25 = arith.constant 192 : index
    %swap3A_26 = tpu.vector_load %arg9[%swap3A_25] {strides = array<i32>} : memref<1024xf32, #tpu.memory_space<vmem>>, vector<16xf32>,
    tpu.vector_store %arg9[%swap3A_25], %broadcast_in_dim3A_1 {strides = array<i32>} : memref<1024xf32, #tpu.memory_space<vmem>>, vector<16xf32>,
    %swap3A_27 = arith.constant 208 : index
    %swap3A_28 = tpu.vector_load %arg9[%swap3A_27] {strides = array<i32>} : memref<1024xf32, #tpu.memory_space<vmem>>, vector<16xf32>,
    tpu.vector_store %arg9[%swap3A_27], %broadcast_in_dim3A_1 {strides = array<i32>} : memref<1024xf32, #tpu.memory_space<vmem>>, vector<16xf32>,
    %swap3A_29 = arith.constant 224 : index
    %swap3A_30 = tpu.vector_load %arg9[%swap3A_29] {strides = array<i32>} : memref<1024xf32, #tpu.memory_space<vmem>>, vector<16xf32>,
    tpu.vector_store %arg9[%swap3A_29], %broadcast_in_dim3A_1 {strides = array<i32>} : memref<1024xf32, #tpu.memory_space<vmem>>, vector<16xf32>,
    %swap3A_31 = arith.constant 240 : index
    %swap3A_32 = tpu.vector_load %arg9[%swap3A_31] {strides = array<i32>} : memref<1024xf32, #tpu.memory_space<vmem>>, vector<16xf32>,
    tpu.vector_store %arg9[%swap3A_31], %broadcast_in_dim3A_1 {strides = array<i32>} : memref<1024xf32, #tpu.memory_space<vmem>>, vector<16xf32>,
    %swap3A_33 = arith.constant 256 : index
    %swap3A_34 = tpu.vector_load %arg9[%swap3A_33] {strides = array<i32>} : memref<1024xf32, #tpu.memory_space<vmem>>, vector<16xf32>,
    tpu.vector_store %arg9[%swap3A_33], %broadcast_in_dim3A_1 {strides = array<i32>} : memref<1024xf32, #tpu.memory_space<vmem>>, vector<16xf32>,
    %swap3A_35 = arith.constant 272 : index
    %swap3A_36 = tpu.vector_load %arg9[%swap3A_35] {strides = array<i32>} : memref<1024xf32, #tpu.memory_space<vmem>>, vector<16xf32>,
    tpu.vector_store %arg9[%swap3A_35], %broadcast_in_dim3A_1 {strides = array<i32>} : memref<1024xf32, #tpu.memory_space<vmem>>, vector<16xf32>,
    %swap3A_37 = arith.constant 288 : index
    %swap3A_38 = tpu.vector_load %arg9[%swap3A_37] {strides = array<i32>} : memref<1024xf32, #tpu.memory_space<vmem>>, vector<16xf32>,
    tpu.vector_store %arg9[%swap3A_37], %broadcast_in_dim3A_1 {strides = array<i32>} : memref<1024xf32, #tpu.memory_space<vmem>>, vector<16xf32>,
    %swap3A_39 = arith.constant 304 : index
    %swap3A_40 = tpu.vector_load %arg9[%swap3A_39] {strides = array<i32>} : memref<1024xf32, #tpu.memory_space<vmem>>, vector<16xf32>,
    tpu.vector_store %arg9[%swap3A_39], %broadcast_in_dim3A_1 {strides = array<i32>} : memref<1024xf32, #tpu.memory_space<vmem>>, vector<16xf32>,
    %swap3A_41 = arith.constant 320 : index
    %swap3A_42 = tpu.vector_load %arg9[%swap3A_41] {strides = array<i32>} : memref<1024xf32, #tpu.memory_space<vmem>>, vector<16xf32>,
    tpu.vector_store %arg9[%swap3A_41], %broadcast_in_dim3A_1 {strides = array<i32>} : memref<1024xf32, #tpu.memory_space<vmem>>, vector<16xf32>,
    %swap3A_43 = arith.constant 336 : index
    %swap3A_44 = tpu.vector_load %arg9[%swap3A_43] {strides = array<i32>} : memref<1024xf32, #tpu.memory_space<vmem>>, vector<16xf32>,
    tpu.vector_store %arg9[%swap3A_43], %broadcast_in_dim3A_1 {strides = array<i32>} : memref<1024xf32, #tpu.memory_space<vmem>>, vector<16xf32>,
    %swap3A_45 = arith.constant 352 : index
    %swap3A_46 = tpu.vector_load %arg9[%swap3A_45] {strides = array<i32>} : memref<1024xf32, #tpu.memory_space<vmem>>, vector<16xf32>,
    tpu.vector_store %arg9[%swap3A_45], %broadcast_in_dim3A_1 {strides = array<i32>} : memref<1024xf32, #tpu.memory_space<vmem>>, vector<16xf32>,
    %swap3A_47 = arith.constant 368 : index
    %swap3A_48 = tpu.vector_load %arg9[%swap3A_47] {strides = array<i32>} : memref<1024xf32, #tpu.memory_space<vmem>>, vector<16xf32>,
    tpu.vector_store %arg9[%swap3A_47], %broadcast_in_dim3A_1 {strides = array<i32>} : memref<1024xf32, #tpu.memory_space<vmem>>, vector<16xf32>,
    %swap3A_49 = arith.constant 384 : index
    %swap3A_50 = tpu.vector_load %arg9[%swap3A_49] {strides = array<i32>} : memref<1024xf32, #tpu.memory_space<vmem>>, vector<16xf32>,
    tpu.vector_store %arg9[%swap3A_49], %broadcast_in_dim3A_1 {strides = array<i32>} : memref<1024xf32, #tpu.memory_space<vmem>>, vector<16xf32>,
    %swap3A_51 = arith.constant 400 : index
    %swap3A_52 = tpu.vector_load %arg9[%swap3A_51] {strides = array<i32>} : memref<1024xf32, #tpu.memory_space<vmem>>, vector<16xf32>,
    tpu.vector_store %arg9[%swap3A_51], %broadcast_in_dim3A_1 {strides = array<i32>} : memref<1024xf32, #tpu.memory_space<vmem>>, vector<16xf32>,
    %swap3A_53 = arith.constant 416 : index
    %swap3A_54 = tpu.vector_load %arg9[%swap3A_53] {strides = array<i32>} : memref<1024xf32, #tpu.memory_space<vmem>>, vector<16xf32>,
    tpu.vector_store %arg9[%swap3A_53], %broadcast_in_dim3A_1 {strides = array<i32>} : memref<1024xf32, #tpu.memory_space<vmem>>, vector<16xf32>,
    %swap3A_55 = arith.constant 432 : index
    %swap3A_56 = tpu.vector_load %arg9[%swap3A_55] {strides = array<i32>} : memref<1024xf32, #tpu.memory_space<vmem>>, vector<16xf32>,
    tpu.vector_store %arg9[%swap3A_55], %broadcast_in_dim3A_1 {strides = array<i32>} : memref<1024xf32, #tpu.memory_space<vmem>>, vector<16xf32>,
    %swap3A_57 = arith.constant 448 : index
    %swap3A_58 = tpu.vector_load %arg9[%swap3A_57] {strides = array<i32>} : memref<1024xf32, #tpu.memory_space<vmem>>, vector<16xf32>,
    tpu.vector_store %arg9[%swap3A_57], %broadcast_in_dim3A_1 {strides = array<i32>} : memref<1024xf32, #tpu.memory_space<vmem>>, vector<16xf32>,
    %swap3A_59 = arith.constant 464 : index
    %swap3A_60 = tpu.vector_load %arg9[%swap3A_59] {strides = array<i32>} : memref<1024xf32, #tpu.memory_space<vmem>>, vector<16xf32>,
    tpu.vector_store %arg9[%swap3A_59], %broadcast_in_dim3A_1 {strides = array<i32>} : memref<1024xf32, #tpu.memory_space<vmem>>, vector<16xf32>,
    %swap3A_61 = arith.constant 480 : index
    %swap3A_62 = tpu.vector_load %arg9[%swap3A_61] {strides = array<i32>} : memref<1024xf32, #tpu.memory_space<vmem>>, vector<16xf32>,
    tpu.vector_store %arg9[%swap3A_61], %broadcast_in_dim3A_1 {strides = array<i32>} : memref<1024xf32, #tpu.memory_space<vmem>>, vector<16xf32>,
    %swap3A_63 = arith.constant 496 : index
    %swap3A_64 = tpu.vector_load %arg9[%swap3A_63] {strides = array<i32>} : memref<1024xf32, #tpu.memory_space<vmem>>, vector<16xf32>,
    tpu.vector_store %arg9[%swap3A_63], %broadcast_in_dim3A_1 {strides = array<i32>} : memref<1024xf32, #tpu.memory_space<vmem>>, vector<16xf32>,
    %swap3A_65 = arith.constant 512 : index
    %swap3A_66 = tpu.vector_load %arg9[%swap3A_65] {strides = array<i32>} : memref<1024xf32, #tpu.memory_space<vmem>>, vector<16xf32>,
    tpu.vector_store %arg9[%swap3A_65], %broadcast_in_dim3A_1 {strides = array<i32>} : memref<1024xf32, #tpu.memory_space<vmem>>, vector<16xf32>,
    %swap3A_67 = arith.constant 528 : index
    %swap3A_68 = tpu.vector_load %arg9[%swap3A_67] {strides = array<i32>} : memref<1024xf32, #tpu.memory_space<vmem>>, vector<16xf32>,
    tpu.vector_store %arg9[%swap3A_67], %broadcast_in_dim3A_1 {strides = array<i32>} : memref<1024xf32, #tpu.memory_space<vmem>>, vector<16xf32>,
    %swap3A_69 = arith.constant 544 : index
    %swap3A_70 = tpu.vector_load %arg9[%swap3A_69] {strides = array<i32>} : memref<1024xf32, #tpu.memory_space<vmem>>, vector<16xf32>,
    tpu.vector_store %arg9[%swap3A_69], %broadcast_in_dim3A_1 {strides = array<i32>} : memref<1024xf32, #tpu.memory_space<vmem>>, vector<16xf32>,
    %swap3A_71 = arith.constant 560 : index
    %swap3A_72 = tpu.vector_load %arg9[%swap3A_71] {strides = array<i32>} : memref<1024xf32, #tpu.memory_space<vmem>>, vector<16xf32>,
    tpu.vector_store %arg9[%swap3A_71], %broadcast_in_dim3A_1 {strides = array<i32>} : memref<1024xf32, #tpu.memory_space<vmem>>, vector<16xf32>,
    %swap3A_73 = arith.constant 576 : index
    %swap3A_74 = tpu.vector_load %arg9[%swap3A_73] {strides = array<i32>} : memref<1024xf32, #tpu.memory_space<vmem>>, vector<16xf32>,
    tpu.vector_store %arg9[%swap3A_73], %broadcast_in_dim3A_1 {strides = array<i32>} : memref<1024xf32, #tpu.memory_space<vmem>>, vector<16xf32>,
    %swap3A_75 = arith.constant 592 : index
    %swap3A_76 = tpu.vector_load %arg9[%swap3A_75] {strides = array<i32>} : memref<1024xf32, #tpu.memory_space<vmem>>, vector<16xf32>,
    tpu.vector_store %arg9[%swap3A_75], %broadcast_in_dim3A_1 {strides = array<i32>} : memref<1024xf32, #tpu.memory_space<vmem>>, vector<16xf32>,
    %swap3A_77 = arith.constant 608 : index
    %swap3A_78 = tpu.vector_load %arg9[%swap3A_77] {strides = array<i32>} : memref<1024xf32, #tpu.memory_space<vmem>>, vector<16xf32>,
    tpu.vector_store %arg9[%swap3A_77], %broadcast_in_dim3A_1 {strides = array<i32>} : memref<1024xf32, #tpu.memory_space<vmem>>, vector<16xf32>,
    %swap3A_79 = arith.constant 624 : index
    %swap3A_80 = tpu.vector_load %arg9[%swap3A_79] {strides = array<i32>} : memref<1024xf32, #tpu.memory_space<vmem>>, vector<16xf32>,
    tpu.vector_store %arg9[%swap3A_79], %broadcast_in_dim3A_1 {strides = array<i32>} : memref<1024xf32, #tpu.memory_space<vmem>>, vector<16xf32>,
    %swap3A_81 = arith.constant 640 : index
    %swap3A_82 = tpu.vector_load %arg9[%swap3A_81] {strides = array<i32>} : memref<1024xf32, #tpu.memory_space<vmem>>, vector<16xf32>,
    tpu.vector_store %arg9[%swap3A_81], %broadcast_in_dim3A_1 {strides = array<i32>} : memref<1024xf32, #tpu.memory_space<vmem>>, vector<16xf32>,
    %swap3A_83 = arith.constant 656 : index
    %swap3A_84 = tpu.vector_load %arg9[%swap3A_83] {strides = array<i32>} : memref<1024xf32, #tpu.memory_space<vmem>>, vector<16xf32>,
    tpu.vector_store %arg9[%swap3A_83], %broadcast_in_dim3A_1 {strides = array<i32>} : memref<1024xf32, #tpu.memory_space<vmem>>, vector<16xf32>,
    %swap3A_85 = arith.constant 672 : index
    %swap3A_86 = tpu.vector_load %arg9[%swap3A_85] {strides = array<i32>} : memref<1024xf32, #tpu.memory_space<vmem>>, vector<16xf32>,
    tpu.vector_store %arg9[%swap3A_85], %broadcast_in_dim3A_1 {strides = array<i32>} : memref<1024xf32, #tpu.memory_space<vmem>>, vector<16xf32>,
    %swap3A_87 = arith.constant 688 : index
    %swap3A_88 = tpu.vector_load %arg9[%swap3A_87] {strides = array<i32>} : memref<1024xf32, #tpu.memory_space<vmem>>, vector<16xf32>,
    tpu.vector_store %arg9[%swap3A_87], %broadcast_in_dim3A_1 {strides = array<i32>} : memref<1024xf32, #tpu.memory_space<vmem>>, vector<16xf32>,
    %swap3A_89 = arith.constant 704 : index
    %swap3A_90 = tpu.vector_load %arg9[%swap3A_89] {strides = array<i32>} : memref<1024xf32, #tpu.memory_space<vmem>>, vector<16xf32>,
    tpu.vector_store %arg9[%swap3A_89], %broadcast_in_dim3A_1 {strides = array<i32>} : memref<1024xf32, #tpu.memory_space<vmem>>, vector<16xf32>,
    %swap3A_91 = arith.constant 720 : index
    %swap3A_92 = tpu.vector_load %arg9[%swap3A_91] {strides = array<i32>} : memref<1024xf32, #tpu.memory_space<vmem>>, vector<16xf32>,
    tpu.vector_store %arg9[%swap3A_91], %broadcast_in_dim3A_1 {strides = array<i32>} : memref<1024xf32, #tpu.memory_space<vmem>>, vector<16xf32>,
    %swap3A_93 = arith.constant 736 : index
    %swap3A_94 = tpu.vector_load %arg9[%swap3A_93] {strides = array<i32>} : memref<1024xf32, #tpu.memory_space<vmem>>, vector<16xf32>,
    tpu.vector_store %arg9[%swap3A_93], %broadcast_in_dim3A_1 {strides = array<i32>} : memref<1024xf32, #tpu.memory_space<vmem>>, vector<16xf32>,
    %swap3A_95 = arith.constant 752 : index
    %swap3A_96 = tpu.vector_load %arg9[%swap3A_95] {strides = array<i32>} : memref<1024xf32, #tpu.memory_space<vmem>>, vector<16xf32>,
    tpu.vector_store %arg9[%swap3A_95], %broadcast_in_dim3A_1 {strides = array<i32>} : memref<1024xf32, #tpu.memory_space<vmem>>, vector<16xf32>,
    %swap3A_97 = arith.constant 768 : index
    %swap3A_98 = tpu.vector_load %arg9[%swap3A_97] {strides = array<i32>} : memref<1024xf32, #tpu.memory_space<vmem>>, vector<16xf32>,
    tpu.vector_store %arg9[%swap3A_97], %broadcast_in_dim3A_1 {strides = array<i32>} : memref<1024xf32, #tpu.memory_space<vmem>>, vector<16xf32>,
    %swap3A_99 = arith.constant 784 : index
    %swap3A_100 = tpu.vector_load %arg9[%swap3A_99] {strides = array<i32>} : memref<1024xf32, #tpu.memory_space<vmem>>, vector<16xf32>,
    tpu.vector_store %arg9[%swap3A_99], %broadcast_in_dim3A_1 {strides = array<i32>} : memref<1024xf32, #tpu.memory_space<vmem>>, vector<16xf32>,
    %swap3A_101 = arith.constant 800 : index
    %swap3A_102 = tpu.vector_load %arg9[%swap3A_101] {strides = array<i32>} : memref<1024xf32, #tpu.memory_space<vmem>>, vector<16xf32>,
    tpu.vector_store %arg9[%swap3A_101], %broadcast_in_dim3A_1 {strides = array<i32>} : memref<1024xf32, #tpu.memory_space<vmem>>, vector<16xf32>,
    %swap3A_103 = arith.constant 816 : index
    %swap3A_104 = tpu.vector_load %arg9[%swap3A_103] {strides = array<i32>} : memref<1024xf32, #tpu.memory_space<vmem>>, vector<16xf32>,
    tpu.vector_store %arg9[%swap3A_103], %broadcast_in_dim3A_1 {strides = array<i32>} : memref<1024xf32, #tpu.memory_space<vmem>>, vector<16xf32>,
    %swap3A_105 = arith.constant 832 : index
    %swap3A_106 = tpu.vector_load %arg9[%swap3A_105] {strides = array<i32>} : memref<1024xf32, #tpu.memory_space<vmem>>, vector<16xf32>,
    tpu.vector_store %arg9[%swap3A_105], %broadcast_in_dim3A_1 {strides = array<i32>} : memref<1024xf32, #tpu.memory_space<vmem>>, vector<16xf32>,
    %swap3A_107 = arith.constant 848 : index
    %swap3A_108 = tpu.vector_load %arg9[%swap3A_107] {strides = array<i32>} : memref<1024xf32, #tpu.memory_space<vmem>>, vector<16xf32>,
    tpu.vector_store %arg9[%swap3A_107], %broadcast_in_dim3A_1 {strides = array<i32>} : memref<1024xf32, #tpu.memory_space<vmem>>, vector<16xf32>,
    %swap3A_109 = arith.constant 864 : index
    %swap3A_110 = tpu.vector_load %arg9[%swap3A_109] {strides = array<i32>} : memref<1024xf32, #tpu.memory_space<vmem>>, vector<16xf32>,
    tpu.vector_store %arg9[%swap3A_109], %broadcast_in_dim3A_1 {strides = array<i32>} : memref<1024xf32, #tpu.memory_space<vmem>>, vector<16xf32>,
    %swap3A_111 = arith.constant 880 : index
    %swap3A_112 = tpu.vector_load %arg9[%swap3A_111] {strides = array<i32>} : memref<1024xf32, #tpu.memory_space<vmem>>, vector<16xf32>,
    tpu.vector_store %arg9[%swap3A_111], %broadcast_in_dim3A_1 {strides = array<i32>} : memref<1024xf32, #tpu.memory_space<vmem>>, vector<16xf32>,
    %swap3A_113 = arith.constant 896 : index
    %swap3A_114 = tpu.vector_load %arg9[%swap3A_113] {strides = array<i32>} : memref<1024xf32, #tpu.memory_space<vmem>>, vector<16xf32>,
    tpu.vector_store %arg9[%swap3A_113], %broadcast_in_dim3A_1 {strides = array<i32>} : memref<1024xf32, #tpu.memory_space<vmem>>, vector<16xf32>,
    %swap3A_115 = arith.constant 912 : index
    %swap3A_116 = tpu.vector_load %arg9[%swap3A_115] {strides = array<i32>} : memref<1024xf32, #tpu.memory_space<vmem>>, vector<16xf32>,
    tpu.vector_store %arg9[%swap3A_115], %broadcast_in_dim3A_1 {strides = array<i32>} : memref<1024xf32, #tpu.memory_space<vmem>>, vector<16xf32>,
    %swap3A_117 = arith.constant 928 : index
    %swap3A_118 = tpu.vector_load %arg9[%swap3A_117] {strides = array<i32>} : memref<1024xf32, #tpu.memory_space<vmem>>, vector<16xf32>,
    tpu.vector_store %arg9[%swap3A_117], %broadcast_in_dim3A_1 {strides = array<i32>} : memref<1024xf32, #tpu.memory_space<vmem>>, vector<16xf32>,
    %swap3A_119 = arith.constant 944 : index
    %swap3A_120 = tpu.vector_load %arg9[%swap3A_119] {strides = array<i32>} : memref<1024xf32, #tpu.memory_space<vmem>>, vector<16xf32>,
    tpu.vector_store %arg9[%swap3A_119], %broadcast_in_dim3A_1 {strides = array<i32>} : memref<1024xf32, #tpu.memory_space<vmem>>, vector<16xf32>,
    %swap3A_121 = arith.constant 960 : index
    %swap3A_122 = tpu.vector_load %arg9[%swap3A_121] {strides = array<i32>} : memref<1024xf32, #tpu.memory_space<vmem>>, vector<16xf32>,
    tpu.vector_store %arg9[%swap3A_121], %broadcast_in_dim3A_1 {strides = array<i32>} : memref<1024xf32, #tpu.memory_space<vmem>>, vector<16xf32>,
    %swap3A_123 = arith.constant 976 : index
    %swap3A_124 = tpu.vector_load %arg9[%swap3A_123] {strides = array<i32>} : memref<1024xf32, #tpu.memory_space<vmem>>, vector<16xf32>,
    tpu.vector_store %arg9[%swap3A_123], %broadcast_in_dim3A_1 {strides = array<i32>} : memref<1024xf32, #tpu.memory_space<vmem>>, vector<16xf32>,
    %swap3A_125 = arith.constant 992 : index
    %swap3A_126 = tpu.vector_load %arg9[%swap3A_125] {strides = array<i32>} : memref<1024xf32, #tpu.memory_space<vmem>>, vector<16xf32>,
    tpu.vector_store %arg9[%swap3A_125], %broadcast_in_dim3A_1 {strides = array<i32>} : memref<1024xf32, #tpu.memory_space<vmem>>, vector<16xf32>,
    %swap3A_127 = arith.constant 1008 : index
    %swap3A_128 = tpu.vector_load %arg9[%swap3A_127] {strides = array<i32>} : memref<1024xf32, #tpu.memory_space<vmem>>, vector<16xf32>,
    tpu.vector_store %arg9[%swap3A_127], %broadcast_in_dim3A_1 {strides = array<i32>} : memref<1024xf32, #tpu.memory_space<vmem>>, vector<16xf32>,
    %iota3A = tpu.iota {dimensions = array<i32: 0>} : vector<16xi32>
    %broadcast_in_dim3A_129 = arith.constant 1.000000e+00 : f32
    %broadcast_in_dim3A_130 = vector.broadcast %broadcast_in_dim3A_129 : f32 to vector<16xf32>
    %broadcast_in_dim3A_131 = arith.constant -2.000000e+30 : f32
    %broadcast_in_dim3A_132 = vector.broadcast %broadcast_in_dim3A_131 : f32 to vector<16xf32>
    %scan3A = arith.constant 0 : i32
    %scan3A_133 = arith.constant 0 : i32
    %scan3A_134 = arith.constant 32 : i32
    %scan3A_135 = arith.addi %scan3A_133, %scan3A_134 : i32
    %scan3A_136 = arith.constant 1 : i32
    scf.for %scan3A_138 = %scan3A_133 to %scan3A_135 step %scan3A_136  : i32 {
      %mul3A_139 = arith.constant 16 : i32
      %mul3A_140 = arith.muli %scan3A_138, %mul3A_139 : i32
      %add3A_141 = arith.constant 0 : i32
      %add3A_142 = arith.addi %add3A_141, %mul3A_140 : i32
      %get3A = arith.index_cast %add3A_142 : i32 to index
      %get3A_143 = tpu.vector_load %arg6[%get3A] {strides = array<i32>} : memref<32768xf32, #tpu.memory_space<vmem>>, vector<16xf32>,
      %broadcast_in_dim3A_144 = arith.constant 0 : i32
      %broadcast_in_dim3A_145 = vector.broadcast %broadcast_in_dim3A_144 : i32 to vector<16xi32>
      %add3A_146 = arith.constant 512 : i32
      %add3A_147 = arith.addi %add3A_146, %mul3A_140 : i32
      %get3A_148 = arith.index_cast %add3A_147 : i32 to index
      %get3A_149 = tpu.vector_load %arg6[%get3A_148] {strides = array<i32>} : memref<32768xf32, #tpu.memory_space<vmem>>, vector<16xf32>,
      %broadcast_in_dim3A_150 = arith.constant 1 : i32
      %broadcast_in_dim3A_151 = vector.broadcast %broadcast_in_dim3A_150 : i32 to vector<16xi32>
      %add3A_152 = arith.constant 1024 : i32
      %add3A_153 = arith.addi %add3A_152, %mul3A_140 : i32
      %get3A_154 = arith.index_cast %add3A_153 : i32 to index
      %get3A_155 = tpu.vector_load %arg6[%get3A_154] {strides = array<i32>} : memref<32768xf32, #tpu.memory_space<vmem>>, vector<16xf32>,
      %broadcast_in_dim3A_156 = arith.constant 2 : i32
      %broadcast_in_dim3A_157 = vector.broadcast %broadcast_in_dim3A_156 : i32 to vector<16xi32>
      %add3A_158 = arith.constant 1536 : i32
      %add3A_159 = arith.addi %add3A_158, %mul3A_140 : i32
      %get3A_160 = arith.index_cast %add3A_159 : i32 to index
      %get3A_161 = tpu.vector_load %arg6[%get3A_160] {strides = array<i32>} : memref<32768xf32, #tpu.memory_space<vmem>>, vector<16xf32>,
      %broadcast_in_dim3A_162 = arith.constant 3 : i32
      %broadcast_in_dim3A_163 = vector.broadcast %broadcast_in_dim3A_162 : i32 to vector<16xi32>
      %add3A_164 = arith.constant 2048 : i32
      %add3A_165 = arith.addi %add3A_164, %mul3A_140 : i32
      %get3A_166 = arith.index_cast %add3A_165 : i32 to index
      %get3A_167 = tpu.vector_load %arg6[%get3A_166] {strides = array<i32>} : memref<32768xf32, #tpu.memory_space<vmem>>, vector<16xf32>,
      %broadcast_in_dim3A_168 = arith.constant 4 : i32
      %broadcast_in_dim3A_169 = vector.broadcast %broadcast_in_dim3A_168 : i32 to vector<16xi32>
      %add3A_170 = arith.constant 2560 : i32
      %add3A_171 = arith.addi %add3A_170, %mul3A_140 : i32
      %get3A_172 = arith.index_cast %add3A_171 : i32 to index
      %get3A_173 = tpu.vector_load %arg6[%get3A_172] {strides = array<i32>} : memref<32768xf32, #tpu.memory_space<vmem>>, vector<16xf32>,
      %broadcast_in_dim3A_174 = arith.constant 5 : i32
      %broadcast_in_dim3A_175 = vector.broadcast %broadcast_in_dim3A_174 : i32 to vector<16xi32>
      %add3A_176 = arith.constant 3072 : i32
      %add3A_177 = arith.addi %add3A_176, %mul3A_140 : i32
      %get3A_178 = arith.index_cast %add3A_177 : i32 to index
      %get3A_179 = tpu.vector_load %arg6[%get3A_178] {strides = array<i32>} : memref<32768xf32, #tpu.memory_space<vmem>>, vector<16xf32>,
      %broadcast_in_dim3A_180 = arith.constant 6 : i32
      %broadcast_in_dim3A_181 = vector.broadcast %broadcast_in_dim3A_180 : i32 to vector<16xi32>
      %add3A_182 = arith.constant 3584 : i32
      %add3A_183 = arith.addi %add3A_182, %mul3A_140 : i32
      %get3A_184 = arith.index_cast %add3A_183 : i32 to index
      %get3A_185 = tpu.vector_load %arg6[%get3A_184] {strides = array<i32>} : memref<32768xf32, #tpu.memory_space<vmem>>, vector<16xf32>,
      %broadcast_in_dim3A_186 = arith.constant 7 : i32
      %broadcast_in_dim3A_187 = vector.broadcast %broadcast_in_dim3A_186 : i32 to vector<16xi32>
      %gt3A = arith.cmpf ogt, %get3A_149, %get3A_143 : vector<16xf32>
      %select_n3A = arith.select %gt3A, %get3A_149, %get3A_143 : vector<16xi1>, vector<16xf32>
      %select_n3A_188 = arith.select %gt3A, %broadcast_in_dim3A_151, %broadcast_in_dim3A_145 : vector<16xi1>, vector<16xi32>
      %gt3A_189 = arith.cmpf ogt, %get3A_161, %get3A_155 : vector<16xf32>
      %select_n3A_190 = arith.select %gt3A_189, %get3A_161, %get3A_155 : vector<16xi1>, vector<16xf32>
      %select_n3A_191 = arith.select %gt3A_189, %broadcast_in_dim3A_163, %broadcast_in_dim3A_157 : vector<16xi1>, vector<16xi32>
      %gt3A_192 = arith.cmpf ogt, %get3A_173, %get3A_167 : vector<16xf32>
      %select_n3A_193 = arith.select %gt3A_192, %get3A_173, %get3A_167 : vector<16xi1>, vector<16xf32>
      %select_n3A_194 = arith.select %gt3A_192, %broadcast_in_dim3A_175, %broadcast_in_dim3A_169 : vector<16xi1>, vector<16xi32>
      %gt3A_195 = arith.cmpf ogt, %get3A_185, %get3A_179 : vector<16xf32>
      %select_n3A_196 = arith.select %gt3A_195, %get3A_185, %get3A_179 : vector<16xi1>, vector<16xf32>
      %select_n3A_197 = arith.select %gt3A_195, %broadcast_in_dim3A_187, %broadcast_in_dim3A_181 : vector<16xi1>, vector<16xi32>
      %gt3A_198 = arith.cmpf ogt, %select_n3A_190, %select_n3A : vector<16xf32>
      %select_n3A_199 = arith.select %gt3A_198, %select_n3A_190, %select_n3A : vector<16xi1>, vector<16xf32>
      %select_n3A_200 = arith.select %gt3A_198, %select_n3A_191, %select_n3A_188 : vector<16xi1>, vector<16xi32>
      %gt3A_201 = arith.cmpf ogt, %select_n3A_196, %select_n3A_193 : vector<16xf32>
      %select_n3A_202 = arith.select %gt3A_201, %select_n3A_196, %select_n3A_193 : vector<16xi1>, vector<16xf32>
      %select_n3A_203 = arith.select %gt3A_201, %select_n3A_197, %select_n3A_194 : vector<16xi1>, vector<16xi32>
      %gt3A_204 = arith.cmpf ogt, %select_n3A_202, %select_n3A_199 : vector<16xf32>
      %select_n3A_205 = arith.select %gt3A_204, %select_n3A_202, %select_n3A_199 : vector<16xi1>, vector<16xf32>
      %select_n3A_206 = arith.select %gt3A_204, %select_n3A_203, %select_n3A_200 : vector<16xi1>, vector<16xi32>
      %add3A_207 = arith.constant 4096 : i32
      %add3A_208 = arith.addi %add3A_207, %mul3A_140 : i32
      %get3A_209 = arith.index_cast %add3A_208 : i32 to index
      %get3A_210 = tpu.vector_load %arg6[%get3A_209] {strides = array<i32>} : memref<32768xf32, #tpu.memory_space<vmem>>, vector<16xf32>,
      %broadcast_in_dim3A_211 = arith.constant 8 : i32
      %broadcast_in_dim3A_212 = vector.broadcast %broadcast_in_dim3A_211 : i32 to vector<16xi32>
      %add3A_213 = arith.constant 4608 : i32
      %add3A_214 = arith.addi %add3A_213, %mul3A_140 : i32
      %get3A_215 = arith.index_cast %add3A_214 : i32 to index
      %get3A_216 = tpu.vector_load %arg6[%get3A_215] {strides = array<i32>} : memref<32768xf32, #tpu.memory_space<vmem>>, vector<16xf32>,
      %broadcast_in_dim3A_217 = arith.constant 9 : i32
      %broadcast_in_dim3A_218 = vector.broadcast %broadcast_in_dim3A_217 : i32 to vector<16xi32>
      %add3A_219 = arith.constant 5120 : i32
      %add3A_220 = arith.addi %add3A_219, %mul3A_140 : i32
      %get3A_221 = arith.index_cast %add3A_220 : i32 to index
      %get3A_222 = tpu.vector_load %arg6[%get3A_221] {strides = array<i32>} : memref<32768xf32, #tpu.memory_space<vmem>>, vector<16xf32>,
      %broadcast_in_dim3A_223 = arith.constant 10 : i32
      %broadcast_in_dim3A_224 = vector.broadcast %broadcast_in_dim3A_223 : i32 to vector<16xi32>
      %add3A_225 = arith.constant 5632 : i32
      %add3A_226 = arith.addi %add3A_225, %mul3A_140 : i32
      %get3A_227 = arith.index_cast %add3A_226 : i32 to index
      %get3A_228 = tpu.vector_load %arg6[%get3A_227] {strides = array<i32>} : memref<32768xf32, #tpu.memory_space<vmem>>, vector<16xf32>,
      %broadcast_in_dim3A_229 = arith.constant 11 : i32
      %broadcast_in_dim3A_230 = vector.broadcast %broadcast_in_dim3A_229 : i32 to vector<16xi32>
      %add3A_231 = arith.constant 6144 : i32
      %add3A_232 = arith.addi %add3A_231, %mul3A_140 : i32
      %get3A_233 = arith.index_cast %add3A_232 : i32 to index
      %get3A_234 = tpu.vector_load %arg6[%get3A_233] {strides = array<i32>} : memref<32768xf32, #tpu.memory_space<vmem>>, vector<16xf32>,
      %broadcast_in_dim3A_235 = arith.constant 12 : i32
      %broadcast_in_dim3A_236 = vector.broadcast %broadcast_in_dim3A_235 : i32 to vector<16xi32>
      %add3A_237 = arith.constant 6656 : i32
      %add3A_238 = arith.addi %add3A_237, %mul3A_140 : i32
      %get3A_239 = arith.index_cast %add3A_238 : i32 to index
      %get3A_240 = tpu.vector_load %arg6[%get3A_239] {strides = array<i32>} : memref<32768xf32, #tpu.memory_space<vmem>>, vector<16xf32>,
      %broadcast_in_dim3A_241 = arith.constant 13 : i32
      %broadcast_in_dim3A_242 = vector.broadcast %broadcast_in_dim3A_241 : i32 to vector<16xi32>
      %add3A_243 = arith.constant 7168 : i32
      %add3A_244 = arith.addi %add3A_243, %mul3A_140 : i32
      %get3A_245 = arith.index_cast %add3A_244 : i32 to index
      %get3A_246 = tpu.vector_load %arg6[%get3A_245] {strides = array<i32>} : memref<32768xf32, #tpu.memory_space<vmem>>, vector<16xf32>,
      %broadcast_in_dim3A_247 = arith.constant 14 : i32
      %broadcast_in_dim3A_248 = vector.broadcast %broadcast_in_dim3A_247 : i32 to vector<16xi32>
      %add3A_249 = arith.constant 7680 : i32
      %add3A_250 = arith.addi %add3A_249, %mul3A_140 : i32
      %get3A_251 = arith.index_cast %add3A_250 : i32 to index
      %get3A_252 = tpu.vector_load %arg6[%get3A_251] {strides = array<i32>} : memref<32768xf32, #tpu.memory_space<vmem>>, vector<16xf32>,
      %broadcast_in_dim3A_253 = arith.constant 15 : i32
      %broadcast_in_dim3A_254 = vector.broadcast %broadcast_in_dim3A_253 : i32 to vector<16xi32>
      %gt3A_255 = arith.cmpf ogt, %get3A_216, %get3A_210 : vector<16xf32>
      %select_n3A_256 = arith.select %gt3A_255, %get3A_216, %get3A_210 : vector<16xi1>, vector<16xf32>
      %select_n3A_257 = arith.select %gt3A_255, %broadcast_in_dim3A_218, %broadcast_in_dim3A_212 : vector<16xi1>, vector<16xi32>
      %gt3A_258 = arith.cmpf ogt, %get3A_228, %get3A_222 : vector<16xf32>
      %select_n3A_259 = arith.select %gt3A_258, %get3A_228, %get3A_222 : vector<16xi1>, vector<16xf32>
      %select_n3A_260 = arith.select %gt3A_258, %broadcast_in_dim3A_230, %broadcast_in_dim3A_224 : vector<16xi1>, vector<16xi32>
      %gt3A_261 = arith.cmpf ogt, %get3A_240, %get3A_234 : vector<16xf32>
      %select_n3A_262 = arith.select %gt3A_261, %get3A_240, %get3A_234 : vector<16xi1>, vector<16xf32>
      %select_n3A_263 = arith.select %gt3A_261, %broadcast_in_dim3A_242, %broadcast_in_dim3A_236 : vector<16xi1>, vector<16xi32>
      %gt3A_264 = arith.cmpf ogt, %get3A_252, %get3A_246 : vector<16xf32>
      %select_n3A_265 = arith.select %gt3A_264, %get3A_252, %get3A_246 : vector<16xi1>, vector<16xf32>
      %select_n3A_266 = arith.select %gt3A_264, %broadcast_in_dim3A_254, %broadcast_in_dim3A_248 : vector<16xi1>, vector<16xi32>
      %gt3A_267 = arith.cmpf ogt, %select_n3A_259, %select_n3A_256 : vector<16xf32>
      %select_n3A_268 = arith.select %gt3A_267, %select_n3A_259, %select_n3A_256 : vector<16xi1>, vector<16xf32>
      %select_n3A_269 = arith.select %gt3A_267, %select_n3A_260, %select_n3A_257 : vector<16xi1>, vector<16xi32>
      %gt3A_270 = arith.cmpf ogt, %select_n3A_265, %select_n3A_262 : vector<16xf32>
      %select_n3A_271 = arith.select %gt3A_270, %select_n3A_265, %select_n3A_262 : vector<16xi1>, vector<16xf32>
      %select_n3A_272 = arith.select %gt3A_270, %select_n3A_266, %select_n3A_263 : vector<16xi1>, vector<16xi32>
      %gt3A_273 = arith.cmpf ogt, %select_n3A_271, %select_n3A_268 : vector<16xf32>
      %select_n3A_274 = arith.select %gt3A_273, %select_n3A_271, %select_n3A_268 : vector<16xi1>, vector<16xf32>
      %select_n3A_275 = arith.select %gt3A_273, %select_n3A_272, %select_n3A_269 : vector<16xi1>, vector<16xi32>
      %add3A_276 = arith.constant 8192 : i32
      %add3A_277 = arith.addi %add3A_276, %mul3A_140 : i32
      %get3A_278 = arith.index_cast %add3A_277 : i32 to index
      %get3A_279 = tpu.vector_load %arg6[%get3A_278] {strides = array<i32>} : memref<32768xf32, #tpu.memory_space<vmem>>, vector<16xf32>,
      %broadcast_in_dim3A_280 = arith.constant 16 : i32
      %broadcast_in_dim3A_281 = vector.broadcast %broadcast_in_dim3A_280 : i32 to vector<16xi32>
      %add3A_282 = arith.constant 8704 : i32
      %add3A_283 = arith.addi %add3A_282, %mul3A_140 : i32
      %get3A_284 = arith.index_cast %add3A_283 : i32 to index
      %get3A_285 = tpu.vector_load %arg6[%get3A_284] {strides = array<i32>} : memref<32768xf32, #tpu.memory_space<vmem>>, vector<16xf32>,
      %broadcast_in_dim3A_286 = arith.constant 17 : i32
      %broadcast_in_dim3A_287 = vector.broadcast %broadcast_in_dim3A_286 : i32 to vector<16xi32>
      %add3A_288 = arith.constant 9216 : i32
      %add3A_289 = arith.addi %add3A_288, %mul3A_140 : i32
      %get3A_290 = arith.index_cast %add3A_289 : i32 to index
      %get3A_291 = tpu.vector_load %arg6[%get3A_290] {strides = array<i32>} : memref<32768xf32, #tpu.memory_space<vmem>>, vector<16xf32>,
      %broadcast_in_dim3A_292 = arith.constant 18 : i32
      %broadcast_in_dim3A_293 = vector.broadcast %broadcast_in_dim3A_292 : i32 to vector<16xi32>
      %add3A_294 = arith.constant 9728 : i32
      %add3A_295 = arith.addi %add3A_294, %mul3A_140 : i32
      %get3A_296 = arith.index_cast %add3A_295 : i32 to index
      %get3A_297 = tpu.vector_load %arg6[%get3A_296] {strides = array<i32>} : memref<32768xf32, #tpu.memory_space<vmem>>, vector<16xf32>,
      %broadcast_in_dim3A_298 = arith.constant 19 : i32
      %broadcast_in_dim3A_299 = vector.broadcast %broadcast_in_dim3A_298 : i32 to vector<16xi32>
      %add3A_300 = arith.constant 10240 : i32
      %add3A_301 = arith.addi %add3A_300, %mul3A_140 : i32
      %get3A_302 = arith.index_cast %add3A_301 : i32 to index
      %get3A_303 = tpu.vector_load %arg6[%get3A_302] {strides = array<i32>} : memref<32768xf32, #tpu.memory_space<vmem>>, vector<16xf32>,
      %broadcast_in_dim3A_304 = arith.constant 20 : i32
      %broadcast_in_dim3A_305 = vector.broadcast %broadcast_in_dim3A_304 : i32 to vector<16xi32>
      %add3A_306 = arith.constant 10752 : i32
      %add3A_307 = arith.addi %add3A_306, %mul3A_140 : i32
      %get3A_308 = arith.index_cast %add3A_307 : i32 to index
      %get3A_309 = tpu.vector_load %arg6[%get3A_308] {strides = array<i32>} : memref<32768xf32, #tpu.memory_space<vmem>>, vector<16xf32>,
      %broadcast_in_dim3A_310 = arith.constant 21 : i32
      %broadcast_in_dim3A_311 = vector.broadcast %broadcast_in_dim3A_310 : i32 to vector<16xi32>
      %add3A_312 = arith.constant 11264 : i32
      %add3A_313 = arith.addi %add3A_312, %mul3A_140 : i32
      %get3A_314 = arith.index_cast %add3A_313 : i32 to index
      %get3A_315 = tpu.vector_load %arg6[%get3A_314] {strides = array<i32>} : memref<32768xf32, #tpu.memory_space<vmem>>, vector<16xf32>,
      %broadcast_in_dim3A_316 = arith.constant 22 : i32
      %broadcast_in_dim3A_317 = vector.broadcast %broadcast_in_dim3A_316 : i32 to vector<16xi32>
      %add3A_318 = arith.constant 11776 : i32
      %add3A_319 = arith.addi %add3A_318, %mul3A_140 : i32
      %get3A_320 = arith.index_cast %add3A_319 : i32 to index
      %get3A_321 = tpu.vector_load %arg6[%get3A_320] {strides = array<i32>} : memref<32768xf32, #tpu.memory_space<vmem>>, vector<16xf32>,
      %broadcast_in_dim3A_322 = arith.constant 23 : i32
      %broadcast_in_dim3A_323 = vector.broadcast %broadcast_in_dim3A_322 : i32 to vector<16xi32>
      %gt3A_324 = arith.cmpf ogt, %get3A_285, %get3A_279 : vector<16xf32>
      %select_n3A_325 = arith.select %gt3A_324, %get3A_285, %get3A_279 : vector<16xi1>, vector<16xf32>
      %select_n3A_326 = arith.select %gt3A_324, %broadcast_in_dim3A_287, %broadcast_in_dim3A_281 : vector<16xi1>, vector<16xi32>
      %gt3A_327 = arith.cmpf ogt, %get3A_297, %get3A_291 : vector<16xf32>
      %select_n3A_328 = arith.select %gt3A_327, %get3A_297, %get3A_291 : vector<16xi1>, vector<16xf32>
      %select_n3A_329 = arith.select %gt3A_327, %broadcast_in_dim3A_299, %broadcast_in_dim3A_293 : vector<16xi1>, vector<16xi32>
      %gt3A_330 = arith.cmpf ogt, %get3A_309, %get3A_303 : vector<16xf32>
      %select_n3A_331 = arith.select %gt3A_330, %get3A_309, %get3A_303 : vector<16xi1>, vector<16xf32>
      %select_n3A_332 = arith.select %gt3A_330, %broadcast_in_dim3A_311, %broadcast_in_dim3A_305 : vector<16xi1>, vector<16xi32>
      %gt3A_333 = arith.cmpf ogt, %get3A_321, %get3A_315 : vector<16xf32>
      %select_n3A_334 = arith.select %gt3A_333, %get3A_321, %get3A_315 : vector<16xi1>, vector<16xf32>
      %select_n3A_335 = arith.select %gt3A_333, %broadcast_in_dim3A_323, %broadcast_in_dim3A_317 : vector<16xi1>, vector<16xi32>
      %gt3A_336 = arith.cmpf ogt, %select_n3A_328, %select_n3A_325 : vector<16xf32>
      %select_n3A_337 = arith.select %gt3A_336, %select_n3A_328, %select_n3A_325 : vector<16xi1>, vector<16xf32>
      %select_n3A_338 = arith.select %gt3A_336, %select_n3A_329, %select_n3A_326 : vector<16xi1>, vector<16xi32>
      %gt3A_339 = arith.cmpf ogt, %select_n3A_334, %select_n3A_331 : vector<16xf32>
      %select_n3A_340 = arith.select %gt3A_339, %select_n3A_334, %select_n3A_331 : vector<16xi1>, vector<16xf32>
      %select_n3A_341 = arith.select %gt3A_339, %select_n3A_335, %select_n3A_332 : vector<16xi1>, vector<16xi32>
      %gt3A_342 = arith.cmpf ogt, %select_n3A_340, %select_n3A_337 : vector<16xf32>
      %select_n3A_343 = arith.select %gt3A_342, %select_n3A_340, %select_n3A_337 : vector<16xi1>, vector<16xf32>
      %select_n3A_344 = arith.select %gt3A_342, %select_n3A_341, %select_n3A_338 : vector<16xi1>, vector<16xi32>
      %add3A_345 = arith.constant 12288 : i32
      %add3A_346 = arith.addi %add3A_345, %mul3A_140 : i32
      %get3A_347 = arith.index_cast %add3A_346 : i32 to index
      %get3A_348 = tpu.vector_load %arg6[%get3A_347] {strides = array<i32>} : memref<32768xf32, #tpu.memory_space<vmem>>, vector<16xf32>,
      %broadcast_in_dim3A_349 = arith.constant 24 : i32
      %broadcast_in_dim3A_350 = vector.broadcast %broadcast_in_dim3A_349 : i32 to vector<16xi32>
      %add3A_351 = arith.constant 12800 : i32
      %add3A_352 = arith.addi %add3A_351, %mul3A_140 : i32
      %get3A_353 = arith.index_cast %add3A_352 : i32 to index
      %get3A_354 = tpu.vector_load %arg6[%get3A_353] {strides = array<i32>} : memref<32768xf32, #tpu.memory_space<vmem>>, vector<16xf32>,
      %broadcast_in_dim3A_355 = arith.constant 25 : i32
      %broadcast_in_dim3A_356 = vector.broadcast %broadcast_in_dim3A_355 : i32 to vector<16xi32>
      %add3A_357 = arith.constant 13312 : i32
      %add3A_358 = arith.addi %add3A_357, %mul3A_140 : i32
      %get3A_359 = arith.index_cast %add3A_358 : i32 to index
      %get3A_360 = tpu.vector_load %arg6[%get3A_359] {strides = array<i32>} : memref<32768xf32, #tpu.memory_space<vmem>>, vector<16xf32>,
      %broadcast_in_dim3A_361 = arith.constant 26 : i32
      %broadcast_in_dim3A_362 = vector.broadcast %broadcast_in_dim3A_361 : i32 to vector<16xi32>
      %add3A_363 = arith.constant 13824 : i32
      %add3A_364 = arith.addi %add3A_363, %mul3A_140 : i32
      %get3A_365 = arith.index_cast %add3A_364 : i32 to index
      %get3A_366 = tpu.vector_load %arg6[%get3A_365] {strides = array<i32>} : memref<32768xf32, #tpu.memory_space<vmem>>, vector<16xf32>,
      %broadcast_in_dim3A_367 = arith.constant 27 : i32
      %broadcast_in_dim3A_368 = vector.broadcast %broadcast_in_dim3A_367 : i32 to vector<16xi32>
      %add3A_369 = arith.constant 14336 : i32
      %add3A_370 = arith.addi %add3A_369, %mul3A_140 : i32
      %get3A_371 = arith.index_cast %add3A_370 : i32 to index
      %get3A_372 = tpu.vector_load %arg6[%get3A_371] {strides = array<i32>} : memref<32768xf32, #tpu.memory_space<vmem>>, vector<16xf32>,
      %broadcast_in_dim3A_373 = arith.constant 28 : i32
      %broadcast_in_dim3A_374 = vector.broadcast %broadcast_in_dim3A_373 : i32 to vector<16xi32>
      %add3A_375 = arith.constant 14848 : i32
      %add3A_376 = arith.addi %add3A_375, %mul3A_140 : i32
      %get3A_377 = arith.index_cast %add3A_376 : i32 to index
      %get3A_378 = tpu.vector_load %arg6[%get3A_377] {strides = array<i32>} : memref<32768xf32, #tpu.memory_space<vmem>>, vector<16xf32>,
      %broadcast_in_dim3A_379 = arith.constant 29 : i32
      %broadcast_in_dim3A_380 = vector.broadcast %broadcast_in_dim3A_379 : i32 to vector<16xi32>
      %add3A_381 = arith.constant 15360 : i32
      %add3A_382 = arith.addi %add3A_381, %mul3A_140 : i32
      %get3A_383 = arith.index_cast %add3A_382 : i32 to index
      %get3A_384 = tpu.vector_load %arg6[%get3A_383] {strides = array<i32>} : memref<32768xf32, #tpu.memory_space<vmem>>, vector<16xf32>,
      %broadcast_in_dim3A_385 = arith.constant 30 : i32
      %broadcast_in_dim3A_386 = vector.broadcast %broadcast_in_dim3A_385 : i32 to vector<16xi32>
      %add3A_387 = arith.constant 15872 : i32
      %add3A_388 = arith.addi %add3A_387, %mul3A_140 : i32
      %get3A_389 = arith.index_cast %add3A_388 : i32 to index
      %get3A_390 = tpu.vector_load %arg6[%get3A_389] {strides = array<i32>} : memref<32768xf32, #tpu.memory_space<vmem>>, vector<16xf32>,
      %broadcast_in_dim3A_391 = arith.constant 31 : i32
      %broadcast_in_dim3A_392 = vector.broadcast %broadcast_in_dim3A_391 : i32 to vector<16xi32>
      %gt3A_393 = arith.cmpf ogt, %get3A_354, %get3A_348 : vector<16xf32>
      %select_n3A_394 = arith.select %gt3A_393, %get3A_354, %get3A_348 : vector<16xi1>, vector<16xf32>
      %select_n3A_395 = arith.select %gt3A_393, %broadcast_in_dim3A_356, %broadcast_in_dim3A_350 : vector<16xi1>, vector<16xi32>
      %gt3A_396 = arith.cmpf ogt, %get3A_366, %get3A_360 : vector<16xf32>
      %select_n3A_397 = arith.select %gt3A_396, %get3A_366, %get3A_360 : vector<16xi1>, vector<16xf32>
      %select_n3A_398 = arith.select %gt3A_396, %broadcast_in_dim3A_368, %broadcast_in_dim3A_362 : vector<16xi1>, vector<16xi32>
      %gt3A_399 = arith.cmpf ogt, %get3A_378, %get3A_372 : vector<16xf32>
      %select_n3A_400 = arith.select %gt3A_399, %get3A_378, %get3A_372 : vector<16xi1>, vector<16xf32>
      %select_n3A_401 = arith.select %gt3A_399, %broadcast_in_dim3A_380, %broadcast_in_dim3A_374 : vector<16xi1>, vector<16xi32>
      %gt3A_402 = arith.cmpf ogt, %get3A_390, %get3A_384 : vector<16xf32>
      %select_n3A_403 = arith.select %gt3A_402, %get3A_390, %get3A_384 : vector<16xi1>, vector<16xf32>
      %select_n3A_404 = arith.select %gt3A_402, %broadcast_in_dim3A_392, %broadcast_in_dim3A_386 : vector<16xi1>, vector<16xi32>
      %gt3A_405 = arith.cmpf ogt, %select_n3A_397, %select_n3A_394 : vector<16xf32>
      %select_n3A_406 = arith.select %gt3A_405, %select_n3A_397, %select_n3A_394 : vector<16xi1>, vector<16xf32>
      %select_n3A_407 = arith.select %gt3A_405, %select_n3A_398, %select_n3A_395 : vector<16xi1>, vector<16xi32>
      %gt3A_408 = arith.cmpf ogt, %select_n3A_403, %select_n3A_400 : vector<16xf32>
      %select_n3A_409 = arith.select %gt3A_408, %select_n3A_403, %select_n3A_400 : vector<16xi1>, vector<16xf32>
      %select_n3A_410 = arith.select %gt3A_408, %select_n3A_404, %select_n3A_401 : vector<16xi1>, vector<16xi32>
      %gt3A_411 = arith.cmpf ogt, %select_n3A_409, %select_n3A_406 : vector<16xf32>
      %select_n3A_412 = arith.select %gt3A_411, %select_n3A_409, %select_n3A_406 : vector<16xi1>, vector<16xf32>
      %select_n3A_413 = arith.select %gt3A_411, %select_n3A_410, %select_n3A_407 : vector<16xi1>, vector<16xi32>
      %add3A_414 = arith.constant 16384 : i32
      %add3A_415 = arith.addi %add3A_414, %mul3A_140 : i32
      %get3A_416 = arith.index_cast %add3A_415 : i32 to index
      %get3A_417 = tpu.vector_load %arg6[%get3A_416] {strides = array<i32>} : memref<32768xf32, #tpu.memory_space<vmem>>, vector<16xf32>,
      %broadcast_in_dim3A_418 = arith.constant 32 : i32
      %broadcast_in_dim3A_419 = vector.broadcast %broadcast_in_dim3A_418 : i32 to vector<16xi32>
      %add3A_420 = arith.constant 16896 : i32
      %add3A_421 = arith.addi %add3A_420, %mul3A_140 : i32
      %get3A_422 = arith.index_cast %add3A_421 : i32 to index
      %get3A_423 = tpu.vector_load %arg6[%get3A_422] {strides = array<i32>} : memref<32768xf32, #tpu.memory_space<vmem>>, vector<16xf32>,
      %broadcast_in_dim3A_424 = arith.constant 33 : i32
      %broadcast_in_dim3A_425 = vector.broadcast %broadcast_in_dim3A_424 : i32 to vector<16xi32>
      %add3A_426 = arith.constant 17408 : i32
      %add3A_427 = arith.addi %add3A_426, %mul3A_140 : i32
      %get3A_428 = arith.index_cast %add3A_427 : i32 to index
      %get3A_429 = tpu.vector_load %arg6[%get3A_428] {strides = array<i32>} : memref<32768xf32, #tpu.memory_space<vmem>>, vector<16xf32>,
      %broadcast_in_dim3A_430 = arith.constant 34 : i32
      %broadcast_in_dim3A_431 = vector.broadcast %broadcast_in_dim3A_430 : i32 to vector<16xi32>
      %add3A_432 = arith.constant 17920 : i32
      %add3A_433 = arith.addi %add3A_432, %mul3A_140 : i32
      %get3A_434 = arith.index_cast %add3A_433 : i32 to index
      %get3A_435 = tpu.vector_load %arg6[%get3A_434] {strides = array<i32>} : memref<32768xf32, #tpu.memory_space<vmem>>, vector<16xf32>,
      %broadcast_in_dim3A_436 = arith.constant 35 : i32
      %broadcast_in_dim3A_437 = vector.broadcast %broadcast_in_dim3A_436 : i32 to vector<16xi32>
      %add3A_438 = arith.constant 18432 : i32
      %add3A_439 = arith.addi %add3A_438, %mul3A_140 : i32
      %get3A_440 = arith.index_cast %add3A_439 : i32 to index
      %get3A_441 = tpu.vector_load %arg6[%get3A_440] {strides = array<i32>} : memref<32768xf32, #tpu.memory_space<vmem>>, vector<16xf32>,
      %broadcast_in_dim3A_442 = arith.constant 36 : i32
      %broadcast_in_dim3A_443 = vector.broadcast %broadcast_in_dim3A_442 : i32 to vector<16xi32>
      %add3A_444 = arith.constant 18944 : i32
      %add3A_445 = arith.addi %add3A_444, %mul3A_140 : i32
      %get3A_446 = arith.index_cast %add3A_445 : i32 to index
      %get3A_447 = tpu.vector_load %arg6[%get3A_446] {strides = array<i32>} : memref<32768xf32, #tpu.memory_space<vmem>>, vector<16xf32>,
      %broadcast_in_dim3A_448 = arith.constant 37 : i32
      %broadcast_in_dim3A_449 = vector.broadcast %broadcast_in_dim3A_448 : i32 to vector<16xi32>
      %add3A_450 = arith.constant 19456 : i32
      %add3A_451 = arith.addi %add3A_450, %mul3A_140 : i32
      %get3A_452 = arith.index_cast %add3A_451 : i32 to index
      %get3A_453 = tpu.vector_load %arg6[%get3A_452] {strides = array<i32>} : memref<32768xf32, #tpu.memory_space<vmem>>, vector<16xf32>,
      %broadcast_in_dim3A_454 = arith.constant 38 : i32
      %broadcast_in_dim3A_455 = vector.broadcast %broadcast_in_dim3A_454 : i32 to vector<16xi32>
      %add3A_456 = arith.constant 19968 : i32
      %add3A_457 = arith.addi %add3A_456, %mul3A_140 : i32
      %get3A_458 = arith.index_cast %add3A_457 : i32 to index
      %get3A_459 = tpu.vector_load %arg6[%get3A_458] {strides = array<i32>} : memref<32768xf32, #tpu.memory_space<vmem>>, vector<16xf32>,
      %broadcast_in_dim3A_460 = arith.constant 39 : i32
      %broadcast_in_dim3A_461 = vector.broadcast %broadcast_in_dim3A_460 : i32 to vector<16xi32>
      %gt3A_462 = arith.cmpf ogt, %get3A_423, %get3A_417 : vector<16xf32>
      %select_n3A_463 = arith.select %gt3A_462, %get3A_423, %get3A_417 : vector<16xi1>, vector<16xf32>
      %select_n3A_464 = arith.select %gt3A_462, %broadcast_in_dim3A_425, %broadcast_in_dim3A_419 : vector<16xi1>, vector<16xi32>
      %gt3A_465 = arith.cmpf ogt, %get3A_435, %get3A_429 : vector<16xf32>
      %select_n3A_466 = arith.select %gt3A_465, %get3A_435, %get3A_429 : vector<16xi1>, vector<16xf32>
      %select_n3A_467 = arith.select %gt3A_465, %broadcast_in_dim3A_437, %broadcast_in_dim3A_431 : vector<16xi1>, vector<16xi32>
      %gt3A_468 = arith.cmpf ogt, %get3A_447, %get3A_441 : vector<16xf32>
      %select_n3A_469 = arith.select %gt3A_468, %get3A_447, %get3A_441 : vector<16xi1>, vector<16xf32>
      %select_n3A_470 = arith.select %gt3A_468, %broadcast_in_dim3A_449, %broadcast_in_dim3A_443 : vector<16xi1>, vector<16xi32>
      %gt3A_471 = arith.cmpf ogt, %get3A_459, %get3A_453 : vector<16xf32>
      %select_n3A_472 = arith.select %gt3A_471, %get3A_459, %get3A_453 : vector<16xi1>, vector<16xf32>
      %select_n3A_473 = arith.select %gt3A_471, %broadcast_in_dim3A_461, %broadcast_in_dim3A_455 : vector<16xi1>, vector<16xi32>
      %gt3A_474 = arith.cmpf ogt, %select_n3A_466, %select_n3A_463 : vector<16xf32>
      %select_n3A_475 = arith.select %gt3A_474, %select_n3A_466, %select_n3A_463 : vector<16xi1>, vector<16xf32>
      %select_n3A_476 = arith.select %gt3A_474, %select_n3A_467, %select_n3A_464 : vector<16xi1>, vector<16xi32>
      %gt3A_477 = arith.cmpf ogt, %select_n3A_472, %select_n3A_469 : vector<16xf32>
      %select_n3A_478 = arith.select %gt3A_477, %select_n3A_472, %select_n3A_469 : vector<16xi1>, vector<16xf32>
      %select_n3A_479 = arith.select %gt3A_477, %select_n3A_473, %select_n3A_470 : vector<16xi1>, vector<16xi32>
      %gt3A_480 = arith.cmpf ogt, %select_n3A_478, %select_n3A_475 : vector<16xf32>
      %select_n3A_481 = arith.select %gt3A_480, %select_n3A_478, %select_n3A_475 : vector<16xi1>, vector<16xf32>
      %select_n3A_482 = arith.select %gt3A_480, %select_n3A_479, %select_n3A_476 : vector<16xi1>, vector<16xi32>
      %add3A_483 = arith.constant 20480 : i32
      %add3A_484 = arith.addi %add3A_483, %mul3A_140 : i32
      %get3A_485 = arith.index_cast %add3A_484 : i32 to index
      %get3A_486 = tpu.vector_load %arg6[%get3A_485] {strides = array<i32>} : memref<32768xf32, #tpu.memory_space<vmem>>, vector<16xf32>,
      %broadcast_in_dim3A_487 = arith.constant 40 : i32
      %broadcast_in_dim3A_488 = vector.broadcast %broadcast_in_dim3A_487 : i32 to vector<16xi32>
      %add3A_489 = arith.constant 20992 : i32
      %add3A_490 = arith.addi %add3A_489, %mul3A_140 : i32
      %get3A_491 = arith.index_cast %add3A_490 : i32 to index
      %get3A_492 = tpu.vector_load %arg6[%get3A_491] {strides = array<i32>} : memref<32768xf32, #tpu.memory_space<vmem>>, vector<16xf32>,
      %broadcast_in_dim3A_493 = arith.constant 41 : i32
      %broadcast_in_dim3A_494 = vector.broadcast %broadcast_in_dim3A_493 : i32 to vector<16xi32>
      %add3A_495 = arith.constant 21504 : i32
      %add3A_496 = arith.addi %add3A_495, %mul3A_140 : i32
      %get3A_497 = arith.index_cast %add3A_496 : i32 to index
      %get3A_498 = tpu.vector_load %arg6[%get3A_497] {strides = array<i32>} : memref<32768xf32, #tpu.memory_space<vmem>>, vector<16xf32>,
      %broadcast_in_dim3A_499 = arith.constant 42 : i32
      %broadcast_in_dim3A_500 = vector.broadcast %broadcast_in_dim3A_499 : i32 to vector<16xi32>
      %add3A_501 = arith.constant 22016 : i32
      %add3A_502 = arith.addi %add3A_501, %mul3A_140 : i32
      %get3A_503 = arith.index_cast %add3A_502 : i32 to index
      %get3A_504 = tpu.vector_load %arg6[%get3A_503] {strides = array<i32>} : memref<32768xf32, #tpu.memory_space<vmem>>, vector<16xf32>,
      %broadcast_in_dim3A_505 = arith.constant 43 : i32
      %broadcast_in_dim3A_506 = vector.broadcast %broadcast_in_dim3A_505 : i32 to vector<16xi32>
      %add3A_507 = arith.constant 22528 : i32
      %add3A_508 = arith.addi %add3A_507, %mul3A_140 : i32
      %get3A_509 = arith.index_cast %add3A_508 : i32 to index
      %get3A_510 = tpu.vector_load %arg6[%get3A_509] {strides = array<i32>} : memref<32768xf32, #tpu.memory_space<vmem>>, vector<16xf32>,
      %broadcast_in_dim3A_511 = arith.constant 44 : i32
      %broadcast_in_dim3A_512 = vector.broadcast %broadcast_in_dim3A_511 : i32 to vector<16xi32>
      %add3A_513 = arith.constant 23040 : i32
      %add3A_514 = arith.addi %add3A_513, %mul3A_140 : i32
      %get3A_515 = arith.index_cast %add3A_514 : i32 to index
      %get3A_516 = tpu.vector_load %arg6[%get3A_515] {strides = array<i32>} : memref<32768xf32, #tpu.memory_space<vmem>>, vector<16xf32>,
      %broadcast_in_dim3A_517 = arith.constant 45 : i32
      %broadcast_in_dim3A_518 = vector.broadcast %broadcast_in_dim3A_517 : i32 to vector<16xi32>
      %add3A_519 = arith.constant 23552 : i32
      %add3A_520 = arith.addi %add3A_519, %mul3A_140 : i32
      %get3A_521 = arith.index_cast %add3A_520 : i32 to index
      %get3A_522 = tpu.vector_load %arg6[%get3A_521] {strides = array<i32>} : memref<32768xf32, #tpu.memory_space<vmem>>, vector<16xf32>,
      %broadcast_in_dim3A_523 = arith.constant 46 : i32
      %broadcast_in_dim3A_524 = vector.broadcast %broadcast_in_dim3A_523 : i32 to vector<16xi32>
      %add3A_525 = arith.constant 24064 : i32
      %add3A_526 = arith.addi %add3A_525, %mul3A_140 : i32
      %get3A_527 = arith.index_cast %add3A_526 : i32 to index
      %get3A_528 = tpu.vector_load %arg6[%get3A_527] {strides = array<i32>} : memref<32768xf32, #tpu.memory_space<vmem>>, vector<16xf32>,
      %broadcast_in_dim3A_529 = arith.constant 47 : i32
      %broadcast_in_dim3A_530 = vector.broadcast %broadcast_in_dim3A_529 : i32 to vector<16xi32>
      %gt3A_531 = arith.cmpf ogt, %get3A_492, %get3A_486 : vector<16xf32>
      %select_n3A_532 = arith.select %gt3A_531, %get3A_492, %get3A_486 : vector<16xi1>, vector<16xf32>
      %select_n3A_533 = arith.select %gt3A_531, %broadcast_in_dim3A_494, %broadcast_in_dim3A_488 : vector<16xi1>, vector<16xi32>
      %gt3A_534 = arith.cmpf ogt, %get3A_504, %get3A_498 : vector<16xf32>
      %select_n3A_535 = arith.select %gt3A_534, %get3A_504, %get3A_498 : vector<16xi1>, vector<16xf32>
      %select_n3A_536 = arith.select %gt3A_534, %broadcast_in_dim3A_506, %broadcast_in_dim3A_500 : vector<16xi1>, vector<16xi32>
      %gt3A_537 = arith.cmpf ogt, %get3A_516, %get3A_510 : vector<16xf32>
      %select_n3A_538 = arith.select %gt3A_537, %get3A_516, %get3A_510 : vector<16xi1>, vector<16xf32>
      %select_n3A_539 = arith.select %gt3A_537, %broadcast_in_dim3A_518, %broadcast_in_dim3A_512 : vector<16xi1>, vector<16xi32>
      %gt3A_540 = arith.cmpf ogt, %get3A_528, %get3A_522 : vector<16xf32>
      %select_n3A_541 = arith.select %gt3A_540, %get3A_528, %get3A_522 : vector<16xi1>, vector<16xf32>
      %select_n3A_542 = arith.select %gt3A_540, %broadcast_in_dim3A_530, %broadcast_in_dim3A_524 : vector<16xi1>, vector<16xi32>
      %gt3A_543 = arith.cmpf ogt, %select_n3A_535, %select_n3A_532 : vector<16xf32>
      %select_n3A_544 = arith.select %gt3A_543, %select_n3A_535, %select_n3A_532 : vector<16xi1>, vector<16xf32>
      %select_n3A_545 = arith.select %gt3A_543, %select_n3A_536, %select_n3A_533 : vector<16xi1>, vector<16xi32>
      %gt3A_546 = arith.cmpf ogt, %select_n3A_541, %select_n3A_538 : vector<16xf32>
      %select_n3A_547 = arith.select %gt3A_546, %select_n3A_541, %select_n3A_538 : vector<16xi1>, vector<16xf32>
      %select_n3A_548 = arith.select %gt3A_546, %select_n3A_542, %select_n3A_539 : vector<16xi1>, vector<16xi32>
      %gt3A_549 = arith.cmpf ogt, %select_n3A_547, %select_n3A_544 : vector<16xf32>
      %select_n3A_550 = arith.select %gt3A_549, %select_n3A_547, %select_n3A_544 : vector<16xi1>, vector<16xf32>
      %select_n3A_551 = arith.select %gt3A_549, %select_n3A_548, %select_n3A_545 : vector<16xi1>, vector<16xi32>
      %add3A_552 = arith.constant 24576 : i32
      %add3A_553 = arith.addi %add3A_552, %mul3A_140 : i32
      %get3A_554 = arith.index_cast %add3A_553 : i32 to index
      %get3A_555 = tpu.vector_load %arg6[%get3A_554] {strides = array<i32>} : memref<32768xf32, #tpu.memory_space<vmem>>, vector<16xf32>,
      %broadcast_in_dim3A_556 = arith.constant 48 : i32
      %broadcast_in_dim3A_557 = vector.broadcast %broadcast_in_dim3A_556 : i32 to vector<16xi32>
      %add3A_558 = arith.constant 25088 : i32
      %add3A_559 = arith.addi %add3A_558, %mul3A_140 : i32
      %get3A_560 = arith.index_cast %add3A_559 : i32 to index
      %get3A_561 = tpu.vector_load %arg6[%get3A_560] {strides = array<i32>} : memref<32768xf32, #tpu.memory_space<vmem>>, vector<16xf32>,
      %broadcast_in_dim3A_562 = arith.constant 49 : i32
      %broadcast_in_dim3A_563 = vector.broadcast %broadcast_in_dim3A_562 : i32 to vector<16xi32>
      %add3A_564 = arith.constant 25600 : i32
      %add3A_565 = arith.addi %add3A_564, %mul3A_140 : i32
      %get3A_566 = arith.index_cast %add3A_565 : i32 to index
      %get3A_567 = tpu.vector_load %arg6[%get3A_566] {strides = array<i32>} : memref<32768xf32, #tpu.memory_space<vmem>>, vector<16xf32>,
      %broadcast_in_dim3A_568 = arith.constant 50 : i32
      %broadcast_in_dim3A_569 = vector.broadcast %broadcast_in_dim3A_568 : i32 to vector<16xi32>
      %add3A_570 = arith.constant 26112 : i32
      %add3A_571 = arith.addi %add3A_570, %mul3A_140 : i32
      %get3A_572 = arith.index_cast %add3A_571 : i32 to index
      %get3A_573 = tpu.vector_load %arg6[%get3A_572] {strides = array<i32>} : memref<32768xf32, #tpu.memory_space<vmem>>, vector<16xf32>,
      %broadcast_in_dim3A_574 = arith.constant 51 : i32
      %broadcast_in_dim3A_575 = vector.broadcast %broadcast_in_dim3A_574 : i32 to vector<16xi32>
      %add3A_576 = arith.constant 26624 : i32
      %add3A_577 = arith.addi %add3A_576, %mul3A_140 : i32
      %get3A_578 = arith.index_cast %add3A_577 : i32 to index
      %get3A_579 = tpu.vector_load %arg6[%get3A_578] {strides = array<i32>} : memref<32768xf32, #tpu.memory_space<vmem>>, vector<16xf32>,
      %broadcast_in_dim3A_580 = arith.constant 52 : i32
      %broadcast_in_dim3A_581 = vector.broadcast %broadcast_in_dim3A_580 : i32 to vector<16xi32>
      %add3A_582 = arith.constant 27136 : i32
      %add3A_583 = arith.addi %add3A_582, %mul3A_140 : i32
      %get3A_584 = arith.index_cast %add3A_583 : i32 to index
      %get3A_585 = tpu.vector_load %arg6[%get3A_584] {strides = array<i32>} : memref<32768xf32, #tpu.memory_space<vmem>>, vector<16xf32>,
      %broadcast_in_dim3A_586 = arith.constant 53 : i32
      %broadcast_in_dim3A_587 = vector.broadcast %broadcast_in_dim3A_586 : i32 to vector<16xi32>
      %add3A_588 = arith.constant 27648 : i32
      %add3A_589 = arith.addi %add3A_588, %mul3A_140 : i32
      %get3A_590 = arith.index_cast %add3A_589 : i32 to index
      %get3A_591 = tpu.vector_load %arg6[%get3A_590] {strides = array<i32>} : memref<32768xf32, #tpu.memory_space<vmem>>, vector<16xf32>,
      %broadcast_in_dim3A_592 = arith.constant 54 : i32
      %broadcast_in_dim3A_593 = vector.broadcast %broadcast_in_dim3A_592 : i32 to vector<16xi32>
      %add3A_594 = arith.constant 28160 : i32
      %add3A_595 = arith.addi %add3A_594, %mul3A_140 : i32
      %get3A_596 = arith.index_cast %add3A_595 : i32 to index
      %get3A_597 = tpu.vector_load %arg6[%get3A_596] {strides = array<i32>} : memref<32768xf32, #tpu.memory_space<vmem>>, vector<16xf32>,
      %broadcast_in_dim3A_598 = arith.constant 55 : i32
      %broadcast_in_dim3A_599 = vector.broadcast %broadcast_in_dim3A_598 : i32 to vector<16xi32>
      %gt3A_600 = arith.cmpf ogt, %get3A_561, %get3A_555 : vector<16xf32>
      %select_n3A_601 = arith.select %gt3A_600, %get3A_561, %get3A_555 : vector<16xi1>, vector<16xf32>
      %select_n3A_602 = arith.select %gt3A_600, %broadcast_in_dim3A_563, %broadcast_in_dim3A_557 : vector<16xi1>, vector<16xi32>
      %gt3A_603 = arith.cmpf ogt, %get3A_573, %get3A_567 : vector<16xf32>
      %select_n3A_604 = arith.select %gt3A_603, %get3A_573, %get3A_567 : vector<16xi1>, vector<16xf32>
      %select_n3A_605 = arith.select %gt3A_603, %broadcast_in_dim3A_575, %broadcast_in_dim3A_569 : vector<16xi1>, vector<16xi32>
      %gt3A_606 = arith.cmpf ogt, %get3A_585, %get3A_579 : vector<16xf32>
      %select_n3A_607 = arith.select %gt3A_606, %get3A_585, %get3A_579 : vector<16xi1>, vector<16xf32>
      %select_n3A_608 = arith.select %gt3A_606, %broadcast_in_dim3A_587, %broadcast_in_dim3A_581 : vector<16xi1>, vector<16xi32>
      %gt3A_609 = arith.cmpf ogt, %get3A_597, %get3A_591 : vector<16xf32>
      %select_n3A_610 = arith.select %gt3A_609, %get3A_597, %get3A_591 : vector<16xi1>, vector<16xf32>
      %select_n3A_611 = arith.select %gt3A_609, %broadcast_in_dim3A_599, %broadcast_in_dim3A_593 : vector<16xi1>, vector<16xi32>
      %gt3A_612 = arith.cmpf ogt, %select_n3A_604, %select_n3A_601 : vector<16xf32>
      %select_n3A_613 = arith.select %gt3A_612, %select_n3A_604, %select_n3A_601 : vector<16xi1>, vector<16xf32>
      %select_n3A_614 = arith.select %gt3A_612, %select_n3A_605, %select_n3A_602 : vector<16xi1>, vector<16xi32>
      %gt3A_615 = arith.cmpf ogt, %select_n3A_610, %select_n3A_607 : vector<16xf32>
      %select_n3A_616 = arith.select %gt3A_615, %select_n3A_610, %select_n3A_607 : vector<16xi1>, vector<16xf32>
      %select_n3A_617 = arith.select %gt3A_615, %select_n3A_611, %select_n3A_608 : vector<16xi1>, vector<16xi32>
      %gt3A_618 = arith.cmpf ogt, %select_n3A_616, %select_n3A_613 : vector<16xf32>
      %select_n3A_619 = arith.select %gt3A_618, %select_n3A_616, %select_n3A_613 : vector<16xi1>, vector<16xf32>
      %select_n3A_620 = arith.select %gt3A_618, %select_n3A_617, %select_n3A_614 : vector<16xi1>, vector<16xi32>
      %add3A_621 = arith.constant 28672 : i32
      %add3A_622 = arith.addi %add3A_621, %mul3A_140 : i32
      %get3A_623 = arith.index_cast %add3A_622 : i32 to index
      %get3A_624 = tpu.vector_load %arg6[%get3A_623] {strides = array<i32>} : memref<32768xf32, #tpu.memory_space<vmem>>, vector<16xf32>,
      %broadcast_in_dim3A_625 = arith.constant 56 : i32
      %broadcast_in_dim3A_626 = vector.broadcast %broadcast_in_dim3A_625 : i32 to vector<16xi32>
      %add3A_627 = arith.constant 29184 : i32
      %add3A_628 = arith.addi %add3A_627, %mul3A_140 : i32
      %get3A_629 = arith.index_cast %add3A_628 : i32 to index
      %get3A_630 = tpu.vector_load %arg6[%get3A_629] {strides = array<i32>} : memref<32768xf32, #tpu.memory_space<vmem>>, vector<16xf32>,
      %broadcast_in_dim3A_631 = arith.constant 57 : i32
      %broadcast_in_dim3A_632 = vector.broadcast %broadcast_in_dim3A_631 : i32 to vector<16xi32>
      %add3A_633 = arith.constant 29696 : i32
      %add3A_634 = arith.addi %add3A_633, %mul3A_140 : i32
      %get3A_635 = arith.index_cast %add3A_634 : i32 to index
      %get3A_636 = tpu.vector_load %arg6[%get3A_635] {strides = array<i32>} : memref<32768xf32, #tpu.memory_space<vmem>>, vector<16xf32>,
      %broadcast_in_dim3A_637 = arith.constant 58 : i32
      %broadcast_in_dim3A_638 = vector.broadcast %broadcast_in_dim3A_637 : i32 to vector<16xi32>
      %add3A_639 = arith.constant 30208 : i32
      %add3A_640 = arith.addi %add3A_639, %mul3A_140 : i32
      %get3A_641 = arith.index_cast %add3A_640 : i32 to index
      %get3A_642 = tpu.vector_load %arg6[%get3A_641] {strides = array<i32>} : memref<32768xf32, #tpu.memory_space<vmem>>, vector<16xf32>,
      %broadcast_in_dim3A_643 = arith.constant 59 : i32
      %broadcast_in_dim3A_644 = vector.broadcast %broadcast_in_dim3A_643 : i32 to vector<16xi32>
      %add3A_645 = arith.constant 30720 : i32
      %add3A_646 = arith.addi %add3A_645, %mul3A_140 : i32
      %get3A_647 = arith.index_cast %add3A_646 : i32 to index
      %get3A_648 = tpu.vector_load %arg6[%get3A_647] {strides = array<i32>} : memref<32768xf32, #tpu.memory_space<vmem>>, vector<16xf32>,
      %broadcast_in_dim3A_649 = arith.constant 60 : i32
      %broadcast_in_dim3A_650 = vector.broadcast %broadcast_in_dim3A_649 : i32 to vector<16xi32>
      %add3A_651 = arith.constant 31232 : i32
      %add3A_652 = arith.addi %add3A_651, %mul3A_140 : i32
      %get3A_653 = arith.index_cast %add3A_652 : i32 to index
      %get3A_654 = tpu.vector_load %arg6[%get3A_653] {strides = array<i32>} : memref<32768xf32, #tpu.memory_space<vmem>>, vector<16xf32>,
      %broadcast_in_dim3A_655 = arith.constant 61 : i32
      %broadcast_in_dim3A_656 = vector.broadcast %broadcast_in_dim3A_655 : i32 to vector<16xi32>
      %add3A_657 = arith.constant 31744 : i32
      %add3A_658 = arith.addi %add3A_657, %mul3A_140 : i32
      %get3A_659 = arith.index_cast %add3A_658 : i32 to index
      %get3A_660 = tpu.vector_load %arg6[%get3A_659] {strides = array<i32>} : memref<32768xf32, #tpu.memory_space<vmem>>, vector<16xf32>,
      %broadcast_in_dim3A_661 = arith.constant 62 : i32
      %broadcast_in_dim3A_662 = vector.broadcast %broadcast_in_dim3A_661 : i32 to vector<16xi32>
      %add3A_663 = arith.constant 32256 : i32
      %add3A_664 = arith.addi %add3A_663, %mul3A_140 : i32
      %get3A_665 = arith.index_cast %add3A_664 : i32 to index
      %get3A_666 = tpu.vector_load %arg6[%get3A_665] {strides = array<i32>} : memref<32768xf32, #tpu.memory_space<vmem>>, vector<16xf32>,
      %broadcast_in_dim3A_667 = arith.constant 63 : i32
      %broadcast_in_dim3A_668 = vector.broadcast %broadcast_in_dim3A_667 : i32 to vector<16xi32>
      %gt3A_669 = arith.cmpf ogt, %get3A_630, %get3A_624 : vector<16xf32>
      %select_n3A_670 = arith.select %gt3A_669, %get3A_630, %get3A_624 : vector<16xi1>, vector<16xf32>
      %select_n3A_671 = arith.select %gt3A_669, %broadcast_in_dim3A_632, %broadcast_in_dim3A_626 : vector<16xi1>, vector<16xi32>
      %gt3A_672 = arith.cmpf ogt, %get3A_642, %get3A_636 : vector<16xf32>
      %select_n3A_673 = arith.select %gt3A_672, %get3A_642, %get3A_636 : vector<16xi1>, vector<16xf32>
      %select_n3A_674 = arith.select %gt3A_672, %broadcast_in_dim3A_644, %broadcast_in_dim3A_638 : vector<16xi1>, vector<16xi32>
      %gt3A_675 = arith.cmpf ogt, %get3A_654, %get3A_648 : vector<16xf32>
      %select_n3A_676 = arith.select %gt3A_675, %get3A_654, %get3A_648 : vector<16xi1>, vector<16xf32>
      %select_n3A_677 = arith.select %gt3A_675, %broadcast_in_dim3A_656, %broadcast_in_dim3A_650 : vector<16xi1>, vector<16xi32>
      %gt3A_678 = arith.cmpf ogt, %get3A_666, %get3A_660 : vector<16xf32>
      %select_n3A_679 = arith.select %gt3A_678, %get3A_666, %get3A_660 : vector<16xi1>, vector<16xf32>
      %select_n3A_680 = arith.select %gt3A_678, %broadcast_in_dim3A_668, %broadcast_in_dim3A_662 : vector<16xi1>, vector<16xi32>
      %gt3A_681 = arith.cmpf ogt, %select_n3A_673, %select_n3A_670 : vector<16xf32>
      %select_n3A_682 = arith.select %gt3A_681, %select_n3A_673, %select_n3A_670 : vector<16xi1>, vector<16xf32>
      %select_n3A_683 = arith.select %gt3A_681, %select_n3A_674, %select_n3A_671 : vector<16xi1>, vector<16xi32>
      %gt3A_684 = arith.cmpf ogt, %select_n3A_679, %select_n3A_676 : vector<16xf32>
      %select_n3A_685 = arith.select %gt3A_684, %select_n3A_679, %select_n3A_676 : vector<16xi1>, vector<16xf32>
      %select_n3A_686 = arith.select %gt3A_684, %select_n3A_680, %select_n3A_677 : vector<16xi1>, vector<16xi32>
      %gt3A_687 = arith.cmpf ogt, %select_n3A_685, %select_n3A_682 : vector<16xf32>
      %select_n3A_688 = arith.select %gt3A_687, %select_n3A_685, %select_n3A_682 : vector<16xi1>, vector<16xf32>
      %select_n3A_689 = arith.select %gt3A_687, %select_n3A_686, %select_n3A_683 : vector<16xi1>, vector<16xi32>
      %gt3A_690 = arith.cmpf ogt, %select_n3A_274, %select_n3A_205 : vector<16xf32>
      %select_n3A_691 = arith.select %gt3A_690, %select_n3A_274, %select_n3A_205 : vector<16xi1>, vector<16xf32>
      %select_n3A_692 = arith.select %gt3A_690, %select_n3A_275, %select_n3A_206 : vector<16xi1>, vector<16xi32>
      %gt3A_693 = arith.cmpf ogt, %select_n3A_412, %select_n3A_343 : vector<16xf32>
      %select_n3A_694 = arith.select %gt3A_693, %select_n3A_412, %select_n3A_343 : vector<16xi1>, vector<16xf32>
      %select_n3A_695 = arith.select %gt3A_693, %select_n3A_413, %select_n3A_344 : vector<16xi1>, vector<16xi32>
      %gt3A_696 = arith.cmpf ogt, %select_n3A_550, %select_n3A_481 : vector<16xf32>
      %select_n3A_697 = arith.select %gt3A_696, %select_n3A_550, %select_n3A_481 : vector<16xi1>, vector<16xf32>
      %select_n3A_698 = arith.select %gt3A_696, %select_n3A_551, %select_n3A_482 : vector<16xi1>, vector<16xi32>
      %gt3A_699 = arith.cmpf ogt, %select_n3A_688, %select_n3A_619 : vector<16xf32>
      %select_n3A_700 = arith.select %gt3A_699, %select_n3A_688, %select_n3A_619 : vector<16xi1>, vector<16xf32>
      %select_n3A_701 = arith.select %gt3A_699, %select_n3A_689, %select_n3A_620 : vector<16xi1>, vector<16xi32>
      %gt3A_702 = arith.cmpf ogt, %select_n3A_694, %select_n3A_691 : vector<16xf32>
      %select_n3A_703 = arith.select %gt3A_702, %select_n3A_694, %select_n3A_691 : vector<16xi1>, vector<16xf32>
      %select_n3A_704 = arith.select %gt3A_702, %select_n3A_695, %select_n3A_692 : vector<16xi1>, vector<16xi32>
      %gt3A_705 = arith.cmpf ogt, %select_n3A_700, %select_n3A_697 : vector<16xf32>
      %select_n3A_706 = arith.select %gt3A_705, %select_n3A_700, %select_n3A_697 : vector<16xi1>, vector<16xf32>
      %select_n3A_707 = arith.select %gt3A_705, %select_n3A_701, %select_n3A_698 : vector<16xi1>, vector<16xi32>
      %gt3A_708 = arith.cmpf ogt, %select_n3A_706, %select_n3A_703 : vector<16xf32>
      %select_n3A_709 = arith.select %gt3A_708, %select_n3A_706, %select_n3A_703 : vector<16xi1>, vector<16xf32>
      %select_n3A_710 = arith.select %gt3A_708, %select_n3A_707, %select_n3A_704 : vector<16xi1>, vector<16xi32>
      %mul3A_711 = arith.constant 512 : i32
      %mul3A_712 = vector.broadcast %mul3A_711 : i32 to vector<16xi32>
      %mul3A_713 = arith.muli %select_n3A_710, %mul3A_712 : vector<16xi32>
      %add3A_714 = vector.broadcast %mul3A_140 : i32 to vector<16xi32>
      %add3A_715 = arith.addi %add3A_714, %iota3A : vector<16xi32>
      %add3A_716 = arith.addi %mul3A_713, %add3A_715 : vector<16xi32>
      tpu.vector_store_idx %arg6[%add3A_716], %broadcast_in_dim3A_132 : memref<32768xf32, #tpu.memory_space<vmem>>[vector<16xi32>], vector<16xf32>,
      %mul3A_717 = arith.constant 16 : i32
      %mul3A_718 = vector.broadcast %mul3A_717 : i32 to vector<16xi32>
      %mul3A_719 = arith.muli %select_n3A_710, %mul3A_718 : vector<16xi32>
      %add3A_720 = arith.addi %mul3A_719, %iota3A : vector<16xi32>
      tpu.vector_store_idx %arg9[%add3A_720], %broadcast_in_dim3A_130 {add = true} : memref<1024xf32, #tpu.memory_space<vmem>>[vector<16xi32>], vector<16xf32>,
      %shift_right_logical3A = arith.constant 3 : i32
      %shift_right_logical3A_721 = vector.broadcast %shift_right_logical3A : i32 to vector<16xi32>
      %shift_right_logical3A_722 = arith.shrui %select_n3A_710, %shift_right_logical3A_721 : vector<16xi32>
      %mul3A_723 = arith.constant 8 : i32
      %mul3A_724 = vector.broadcast %mul3A_723 : i32 to vector<16xi32>
      %mul3A_725 = arith.muli %shift_right_logical3A_722, %mul3A_724 : vector<16xi32>
      %mul3A_726 = arith.constant 4096 : i32
      %mul3A_727 = vector.broadcast %mul3A_726 : i32 to vector<16xi32>
      %mul3A_728 = arith.muli %shift_right_logical3A_722, %mul3A_727 : vector<16xi32>
      %add3A_729 = vector.broadcast %mul3A_140 : i32 to vector<16xi32>
      %add3A_730 = arith.addi %add3A_729, %iota3A : vector<16xi32>
      %add3A_731 = arith.addi %mul3A_728, %add3A_730 : vector<16xi32>
      %add3A_732 = arith.constant 0 : i32
      %add3A_733 = vector.broadcast %add3A_732 : i32 to vector<16xi32>
      %add3A_734 = arith.addi %add3A_731, %add3A_733 : vector<16xi32>
      %gather3A = tpu.vector_load_idx %arg6[%add3A_734] : memref<32768xf32, #tpu.memory_space<vmem>>[vector<16xi32>], vector<16xf32>,
      %add3A_735 = arith.constant 0 : i32
      %add3A_736 = vector.broadcast %add3A_735 : i32 to vector<16xi32>
      %add3A_737 = arith.addi %mul3A_725, %add3A_736 : vector<16xi32>
      %add3A_738 = arith.constant 512 : i32
      %add3A_739 = vector.broadcast %add3A_738 : i32 to vector<16xi32>
      %add3A_740 = arith.addi %add3A_731, %add3A_739 : vector<16xi32>
      %gather3A_741 = tpu.vector_load_idx %arg6[%add3A_740] : memref<32768xf32, #tpu.memory_space<vmem>>[vector<16xi32>], vector<16xf32>,
      %add3A_742 = arith.constant 1 : i32
      %add3A_743 = vector.broadcast %add3A_742 : i32 to vector<16xi32>
      %add3A_744 = arith.addi %mul3A_725, %add3A_743 : vector<16xi32>
      %add3A_745 = arith.constant 1024 : i32
      %add3A_746 = vector.broadcast %add3A_745 : i32 to vector<16xi32>
      %add3A_747 = arith.addi %add3A_731, %add3A_746 : vector<16xi32>
      %gather3A_748 = tpu.vector_load_idx %arg6[%add3A_747] : memref<32768xf32, #tpu.memory_space<vmem>>[vector<16xi32>], vector<16xf32>,
      %add3A_749 = arith.constant 2 : i32
      %add3A_750 = vector.broadcast %add3A_749 : i32 to vector<16xi32>
      %add3A_751 = arith.addi %mul3A_725, %add3A_750 : vector<16xi32>
      %add3A_752 = arith.constant 1536 : i32
      %add3A_753 = vector.broadcast %add3A_752 : i32 to vector<16xi32>
      %add3A_754 = arith.addi %add3A_731, %add3A_753 : vector<16xi32>
      %gather3A_755 = tpu.vector_load_idx %arg6[%add3A_754] : memref<32768xf32, #tpu.memory_space<vmem>>[vector<16xi32>], vector<16xf32>,
      %add3A_756 = arith.constant 3 : i32
      %add3A_757 = vector.broadcast %add3A_756 : i32 to vector<16xi32>
      %add3A_758 = arith.addi %mul3A_725, %add3A_757 : vector<16xi32>
      %add3A_759 = arith.constant 2048 : i32
      %add3A_760 = vector.broadcast %add3A_759 : i32 to vector<16xi32>
      %add3A_761 = arith.addi %add3A_731, %add3A_760 : vector<16xi32>
      %gather3A_762 = tpu.vector_load_idx %arg6[%add3A_761] : memref<32768xf32, #tpu.memory_space<vmem>>[vector<16xi32>], vector<16xf32>,
      %add3A_763 = arith.constant 4 : i32
      %add3A_764 = vector.broadcast %add3A_763 : i32 to vector<16xi32>
      %add3A_765 = arith.addi %mul3A_725, %add3A_764 : vector<16xi32>
      %add3A_766 = arith.constant 2560 : i32
      %add3A_767 = vector.broadcast %add3A_766 : i32 to vector<16xi32>
      %add3A_768 = arith.addi %add3A_731, %add3A_767 : vector<16xi32>
      %gather3A_769 = tpu.vector_load_idx %arg6[%add3A_768] : memref<32768xf32, #tpu.memory_space<vmem>>[vector<16xi32>], vector<16xf32>,
      %add3A_770 = arith.constant 5 : i32
      %add3A_771 = vector.broadcast %add3A_770 : i32 to vector<16xi32>
      %add3A_772 = arith.addi %mul3A_725, %add3A_771 : vector<16xi32>
      %add3A_773 = arith.constant 3072 : i32
      %add3A_774 = vector.broadcast %add3A_773 : i32 to vector<16xi32>
      %add3A_775 = arith.addi %add3A_731, %add3A_774 : vector<16xi32>
      %gather3A_776 = tpu.vector_load_idx %arg6[%add3A_775] : memref<32768xf32, #tpu.memory_space<vmem>>[vector<16xi32>], vector<16xf32>,
      %add3A_777 = arith.constant 6 : i32
      %add3A_778 = vector.broadcast %add3A_777 : i32 to vector<16xi32>
      %add3A_779 = arith.addi %mul3A_725, %add3A_778 : vector<16xi32>
      %add3A_780 = arith.constant 3584 : i32
      %add3A_781 = vector.broadcast %add3A_780 : i32 to vector<16xi32>
      %add3A_782 = arith.addi %add3A_731, %add3A_781 : vector<16xi32>
      %gather3A_783 = tpu.vector_load_idx %arg6[%add3A_782] : memref<32768xf32, #tpu.memory_space<vmem>>[vector<16xi32>], vector<16xf32>,
      %add3A_784 = arith.constant 7 : i32
      %add3A_785 = vector.broadcast %add3A_784 : i32 to vector<16xi32>
      %add3A_786 = arith.addi %mul3A_725, %add3A_785 : vector<16xi32>
      %gt3A_787 = arith.cmpf ogt, %gather3A_741, %gather3A : vector<16xf32>
      %select_n3A_788 = arith.select %gt3A_787, %gather3A_741, %gather3A : vector<16xi1>, vector<16xf32>
      %select_n3A_789 = arith.select %gt3A_787, %add3A_744, %add3A_737 : vector<16xi1>, vector<16xi32>
      %gt3A_790 = arith.cmpf ogt, %gather3A_755, %gather3A_748 : vector<16xf32>
      %select_n3A_791 = arith.select %gt3A_790, %gather3A_755, %gather3A_748 : vector<16xi1>, vector<16xf32>
      %select_n3A_792 = arith.select %gt3A_790, %add3A_758, %add3A_751 : vector<16xi1>, vector<16xi32>
      %gt3A_793 = arith.cmpf ogt, %gather3A_769, %gather3A_762 : vector<16xf32>
      %select_n3A_794 = arith.select %gt3A_793, %gather3A_769, %gather3A_762 : vector<16xi1>, vector<16xf32>
      %select_n3A_795 = arith.select %gt3A_793, %add3A_772, %add3A_765 : vector<16xi1>, vector<16xi32>
      %gt3A_796 = arith.cmpf ogt, %gather3A_783, %gather3A_776 : vector<16xf32>
      %select_n3A_797 = arith.select %gt3A_796, %gather3A_783, %gather3A_776 : vector<16xi1>, vector<16xf32>
      %select_n3A_798 = arith.select %gt3A_796, %add3A_786, %add3A_779 : vector<16xi1>, vector<16xi32>
      %gt3A_799 = arith.cmpf ogt, %select_n3A_791, %select_n3A_788 : vector<16xf32>
      %select_n3A_800 = arith.select %gt3A_799, %select_n3A_791, %select_n3A_788 : vector<16xi1>, vector<16xf32>
      %select_n3A_801 = arith.select %gt3A_799, %select_n3A_792, %select_n3A_789 : vector<16xi1>, vector<16xi32>
      %gt3A_802 = arith.cmpf ogt, %select_n3A_797, %select_n3A_794 : vector<16xf32>
      %select_n3A_803 = arith.select %gt3A_802, %select_n3A_797, %select_n3A_794 : vector<16xi1>, vector<16xf32>
      %select_n3A_804 = arith.select %gt3A_802, %select_n3A_798, %select_n3A_795 : vector<16xi1>, vector<16xi32>
      %gt3A_805 = arith.cmpf ogt, %select_n3A_803, %select_n3A_800 : vector<16xf32>
      %select_n3A_806 = arith.select %gt3A_805, %select_n3A_803, %select_n3A_800 : vector<16xi1>, vector<16xf32>
      %select_n3A_807 = arith.select %gt3A_805, %select_n3A_804, %select_n3A_801 : vector<16xi1>, vector<16xi32>
      %eq3A = arith.constant 0 : i32
      %eq3A_808 = vector.broadcast %eq3A : i32 to vector<16xi32>
      %eq3A_809 = arith.cmpi eq, %shift_right_logical3A_722, %eq3A_808 : vector<16xi32>
      %select_n3A_810 = arith.select %eq3A_809, %select_n3A_806, %select_n3A_205 : vector<16xi1>, vector<16xf32>
      %select_n3A_811 = arith.select %eq3A_809, %select_n3A_807, %select_n3A_206 : vector<16xi1>, vector<16xi32>
      %eq3A_812 = arith.constant 1 : i32
      %eq3A_813 = vector.broadcast %eq3A_812 : i32 to vector<16xi32>
      %eq3A_814 = arith.cmpi eq, %shift_right_logical3A_722, %eq3A_813 : vector<16xi32>
      %select_n3A_815 = arith.select %eq3A_814, %select_n3A_806, %select_n3A_274 : vector<16xi1>, vector<16xf32>
      %select_n3A_816 = arith.select %eq3A_814, %select_n3A_807, %select_n3A_275 : vector<16xi1>, vector<16xi32>
      %eq3A_817 = arith.constant 2 : i32
      %eq3A_818 = vector.broadcast %eq3A_817 : i32 to vector<16xi32>
      %eq3A_819 = arith.cmpi eq, %shift_right_logical3A_722, %eq3A_818 : vector<16xi32>
      %select_n3A_820 = arith.select %eq3A_819, %select_n3A_806, %select_n3A_343 : vector<16xi1>, vector<16xf32>
      %select_n3A_821 = arith.select %eq3A_819, %select_n3A_807, %select_n3A_344 : vector<16xi1>, vector<16xi32>
      %eq3A_822 = arith.constant 3 : i32
      %eq3A_823 = vector.broadcast %eq3A_822 : i32 to vector<16xi32>
      %eq3A_824 = arith.cmpi eq, %shift_right_logical3A_722, %eq3A_823 : vector<16xi32>
      %select_n3A_825 = arith.select %eq3A_824, %select_n3A_806, %select_n3A_412 : vector<16xi1>, vector<16xf32>
      %select_n3A_826 = arith.select %eq3A_824, %select_n3A_807, %select_n3A_413 : vector<16xi1>, vector<16xi32>
      %eq3A_827 = arith.constant 4 : i32
      %eq3A_828 = vector.broadcast %eq3A_827 : i32 to vector<16xi32>
      %eq3A_829 = arith.cmpi eq, %shift_right_logical3A_722, %eq3A_828 : vector<16xi32>
      %select_n3A_830 = arith.select %eq3A_829, %select_n3A_806, %select_n3A_481 : vector<16xi1>, vector<16xf32>
      %select_n3A_831 = arith.select %eq3A_829, %select_n3A_807, %select_n3A_482 : vector<16xi1>, vector<16xi32>
      %eq3A_832 = arith.constant 5 : i32
      %eq3A_833 = vector.broadcast %eq3A_832 : i32 to vector<16xi32>
      %eq3A_834 = arith.cmpi eq, %shift_right_logical3A_722, %eq3A_833 : vector<16xi32>
      %select_n3A_835 = arith.select %eq3A_834, %select_n3A_806, %select_n3A_550 : vector<16xi1>, vector<16xf32>
      %select_n3A_836 = arith.select %eq3A_834, %select_n3A_807, %select_n3A_551 : vector<16xi1>, vector<16xi32>
      %eq3A_837 = arith.constant 6 : i32
      %eq3A_838 = vector.broadcast %eq3A_837 : i32 to vector<16xi32>
      %eq3A_839 = arith.cmpi eq, %shift_right_logical3A_722, %eq3A_838 : vector<16xi32>
      %select_n3A_840 = arith.select %eq3A_839, %select_n3A_806, %select_n3A_619 : vector<16xi1>, vector<16xf32>
      %select_n3A_841 = arith.select %eq3A_839, %select_n3A_807, %select_n3A_620 : vector<16xi1>, vector<16xi32>
      %eq3A_842 = arith.constant 7 : i32
      %eq3A_843 = vector.broadcast %eq3A_842 : i32 to vector<16xi32>
      %eq3A_844 = arith.cmpi eq, %shift_right_logical3A_722, %eq3A_843 : vector<16xi32>
      %select_n3A_845 = arith.select %eq3A_844, %select_n3A_806, %select_n3A_688 : vector<16xi1>, vector<16xf32>
      %select_n3A_846 = arith.select %eq3A_844, %select_n3A_807, %select_n3A_689 : vector<16xi1>, vector<16xi32>
      %gt3A_847 = arith.cmpf ogt, %select_n3A_815, %select_n3A_810 : vector<16xf32>
      %select_n3A_848 = arith.select %gt3A_847, %select_n3A_815, %select_n3A_810 : vector<16xi1>, vector<16xf32>
      %select_n3A_849 = arith.select %gt3A_847, %select_n3A_816, %select_n3A_811 : vector<16xi1>, vector<16xi32>
      %gt3A_850 = arith.cmpf ogt, %select_n3A_825, %select_n3A_820 : vector<16xf32>
      %select_n3A_851 = arith.select %gt3A_850, %select_n3A_825, %select_n3A_820 : vector<16xi1>, vector<16xf32>
      %select_n3A_852 = arith.select %gt3A_850, %select_n3A_826, %select_n3A_821 : vector<16xi1>, vector<16xi32>
      %gt3A_853 = arith.cmpf ogt, %select_n3A_835, %select_n3A_830 : vector<16xf32>
      %select_n3A_854 = arith.select %gt3A_853, %select_n3A_835, %select_n3A_830 : vector<16xi1>, vector<16xf32>
      %select_n3A_855 = arith.select %gt3A_853, %select_n3A_836, %select_n3A_831 : vector<16xi1>, vector<16xi32>
      %gt3A_856 = arith.cmpf ogt, %select_n3A_845, %select_n3A_840 : vector<16xf32>
      %select_n3A_857 = arith.select %gt3A_856, %select_n3A_845, %select_n3A_840 : vector<16xi1>, vector<16xf32>
      %select_n3A_858 = arith.select %gt3A_856, %select_n3A_846, %select_n3A_841 : vector<16xi1>, vector<16xi32>
      %gt3A_859 = arith.cmpf ogt, %select_n3A_851, %select_n3A_848 : vector<16xf32>
      %select_n3A_860 = arith.select %gt3A_859, %select_n3A_851, %select_n3A_848 : vector<16xi1>, vector<16xf32>
      %select_n3A_861 = arith.select %gt3A_859, %select_n3A_852, %select_n3A_849 : vector<16xi1>, vector<16xi32>
      %gt3A_862 = arith.cmpf ogt, %select_n3A_857, %select_n3A_854 : vector<16xf32>
      %select_n3A_863 = arith.select %gt3A_862, %select_n3A_857, %select_n3A_854 : vector<16xi1>, vector<16xf32>
      %select_n3A_864 = arith.select %gt3A_862, %select_n3A_858, %select_n3A_855 : vector<16xi1>, vector<16xi32>
      %gt3A_865 = arith.cmpf ogt, %select_n3A_863, %select_n3A_860 : vector<16xf32>
      %select_n3A_866 = arith.select %gt3A_865, %select_n3A_863, %select_n3A_860 : vector<16xi1>, vector<16xf32>
      %select_n3A_867 = arith.select %gt3A_865, %select_n3A_864, %select_n3A_861 : vector<16xi1>, vector<16xi32>
      %mul3A_868 = arith.constant 512 : i32
      %mul3A_869 = vector.broadcast %mul3A_868 : i32 to vector<16xi32>
      %mul3A_870 = arith.muli %select_n3A_867, %mul3A_869 : vector<16xi32>
      %add3A_871 = vector.broadcast %mul3A_140 : i32 to vector<16xi32>
      %add3A_872 = arith.addi %add3A_871, %iota3A : vector<16xi32>
      %add3A_873 = arith.addi %mul3A_870, %add3A_872 : vector<16xi32>
      tpu.vector_store_idx %arg6[%add3A_873], %broadcast_in_dim3A_132 : memref<32768xf32, #tpu.memory_space<vmem>>[vector<16xi32>], vector<16xf32>,
      %mul3A_874 = arith.constant 16 : i32
      %mul3A_875 = vector.broadcast %mul3A_874 : i32 to vector<16xi32>
      %mul3A_876 = arith.muli %select_n3A_867, %mul3A_875 : vector<16xi32>
      %add3A_877 = arith.addi %mul3A_876, %iota3A : vector<16xi32>
      tpu.vector_store_idx %arg9[%add3A_877], %broadcast_in_dim3A_130 {add = true} : memref<1024xf32, #tpu.memory_space<vmem>>[vector<16xi32>], vector<16xf32>,
      %shift_right_logical3A_878 = arith.constant 3 : i32
      %shift_right_logical3A_879 = vector.broadcast %shift_right_logical3A_878 : i32 to vector<16xi32>
      %shift_right_logical3A_880 = arith.shrui %select_n3A_867, %shift_right_logical3A_879 : vector<16xi32>
      %mul3A_881 = arith.constant 8 : i32
      %mul3A_882 = vector.broadcast %mul3A_881 : i32 to vector<16xi32>
      %mul3A_883 = arith.muli %shift_right_logical3A_880, %mul3A_882 : vector<16xi32>
      %mul3A_884 = arith.constant 4096 : i32
      %mul3A_885 = vector.broadcast %mul3A_884 : i32 to vector<16xi32>
      %mul3A_886 = arith.muli %shift_right_logical3A_880, %mul3A_885 : vector<16xi32>
      %add3A_887 = vector.broadcast %mul3A_140 : i32 to vector<16xi32>
      %add3A_888 = arith.addi %add3A_887, %iota3A : vector<16xi32>
      %add3A_889 = arith.addi %mul3A_886, %add3A_888 : vector<16xi32>
      %add3A_890 = arith.constant 0 : i32
      %add3A_891 = vector.broadcast %add3A_890 : i32 to vector<16xi32>
      %add3A_892 = arith.addi %add3A_889, %add3A_891 : vector<16xi32>
      %gather3A_893 = tpu.vector_load_idx %arg6[%add3A_892] : memref<32768xf32, #tpu.memory_space<vmem>>[vector<16xi32>], vector<16xf32>,
      %add3A_894 = arith.constant 0 : i32
      %add3A_895 = vector.broadcast %add3A_894 : i32 to vector<16xi32>
      %add3A_896 = arith.addi %mul3A_883, %add3A_895 : vector<16xi32>
      %add3A_897 = arith.constant 512 : i32
      %add3A_898 = vector.broadcast %add3A_897 : i32 to vector<16xi32>
      %add3A_899 = arith.addi %add3A_889, %add3A_898 : vector<16xi32>
      %gather3A_900 = tpu.vector_load_idx %arg6[%add3A_899] : memref<32768xf32, #tpu.memory_space<vmem>>[vector<16xi32>], vector<16xf32>,
      %add3A_901 = arith.constant 1 : i32
      %add3A_902 = vector.broadcast %add3A_901 : i32 to vector<16xi32>
      %add3A_903 = arith.addi %mul3A_883, %add3A_902 : vector<16xi32>
      %add3A_904 = arith.constant 1024 : i32
      %add3A_905 = vector.broadcast %add3A_904 : i32 to vector<16xi32>
      %add3A_906 = arith.addi %add3A_889, %add3A_905 : vector<16xi32>
      %gather3A_907 = tpu.vector_load_idx %arg6[%add3A_906] : memref<32768xf32, #tpu.memory_space<vmem>>[vector<16xi32>], vector<16xf32>,
      %add3A_908 = arith.constant 2 : i32
      %add3A_909 = vector.broadcast %add3A_908 : i32 to vector<16xi32>
      %add3A_910 = arith.addi %mul3A_883, %add3A_909 : vector<16xi32>
      %add3A_911 = arith.constant 1536 : i32
      %add3A_912 = vector.broadcast %add3A_911 : i32 to vector<16xi32>
      %add3A_913 = arith.addi %add3A_889, %add3A_912 : vector<16xi32>
      %gather3A_914 = tpu.vector_load_idx %arg6[%add3A_913] : memref<32768xf32, #tpu.memory_space<vmem>>[vector<16xi32>], vector<16xf32>,
      %add3A_915 = arith.constant 3 : i32
      %add3A_916 = vector.broadcast %add3A_915 : i32 to vector<16xi32>
      %add3A_917 = arith.addi %mul3A_883, %add3A_916 : vector<16xi32>
      %add3A_918 = arith.constant 2048 : i32
      %add3A_919 = vector.broadcast %add3A_918 : i32 to vector<16xi32>
      %add3A_920 = arith.addi %add3A_889, %add3A_919 : vector<16xi32>
      %gather3A_921 = tpu.vector_load_idx %arg6[%add3A_920] : memref<32768xf32, #tpu.memory_space<vmem>>[vector<16xi32>], vector<16xf32>,
      %add3A_922 = arith.constant 4 : i32
      %add3A_923 = vector.broadcast %add3A_922 : i32 to vector<16xi32>
      %add3A_924 = arith.addi %mul3A_883, %add3A_923 : vector<16xi32>
      %add3A_925 = arith.constant 2560 : i32
      %add3A_926 = vector.broadcast %add3A_925 : i32 to vector<16xi32>
      %add3A_927 = arith.addi %add3A_889, %add3A_926 : vector<16xi32>
      %gather3A_928 = tpu.vector_load_idx %arg6[%add3A_927] : memref<32768xf32, #tpu.memory_space<vmem>>[vector<16xi32>], vector<16xf32>,
      %add3A_929 = arith.constant 5 : i32
      %add3A_930 = vector.broadcast %add3A_929 : i32 to vector<16xi32>
      %add3A_931 = arith.addi %mul3A_883, %add3A_930 : vector<16xi32>
      %add3A_932 = arith.constant 3072 : i32
      %add3A_933 = vector.broadcast %add3A_932 : i32 to vector<16xi32>
      %add3A_934 = arith.addi %add3A_889, %add3A_933 : vector<16xi32>
      %gather3A_935 = tpu.vector_load_idx %arg6[%add3A_934] : memref<32768xf32, #tpu.memory_space<vmem>>[vector<16xi32>], vector<16xf32>,
      %add3A_936 = arith.constant 6 : i32
      %add3A_937 = vector.broadcast %add3A_936 : i32 to vector<16xi32>
      %add3A_938 = arith.addi %mul3A_883, %add3A_937 : vector<16xi32>
      %add3A_939 = arith.constant 3584 : i32
      %add3A_940 = vector.broadcast %add3A_939 : i32 to vector<16xi32>
      %add3A_941 = arith.addi %add3A_889, %add3A_940 : vector<16xi32>
      %gather3A_942 = tpu.vector_load_idx %arg6[%add3A_941] : memref<32768xf32, #tpu.memory_space<vmem>>[vector<16xi32>], vector<16xf32>,
      %add3A_943 = arith.constant 7 : i32
      %add3A_944 = vector.broadcast %add3A_943 : i32 to vector<16xi32>
      %add3A_945 = arith.addi %mul3A_883, %add3A_944 : vector<16xi32>
      %gt3A_946 = arith.cmpf ogt, %gather3A_900, %gather3A_893 : vector<16xf32>
      %select_n3A_947 = arith.select %gt3A_946, %gather3A_900, %gather3A_893 : vector<16xi1>, vector<16xf32>
      %select_n3A_948 = arith.select %gt3A_946, %add3A_903, %add3A_896 : vector<16xi1>, vector<16xi32>
      %gt3A_949 = arith.cmpf ogt, %gather3A_914, %gather3A_907 : vector<16xf32>
      %select_n3A_950 = arith.select %gt3A_949, %gather3A_914, %gather3A_907 : vector<16xi1>, vector<16xf32>
      %select_n3A_951 = arith.select %gt3A_949, %add3A_917, %add3A_910 : vector<16xi1>, vector<16xi32>
      %gt3A_952 = arith.cmpf ogt, %gather3A_928, %gather3A_921 : vector<16xf32>
      %select_n3A_953 = arith.select %gt3A_952, %gather3A_928, %gather3A_921 : vector<16xi1>, vector<16xf32>
      %select_n3A_954 = arith.select %gt3A_952, %add3A_931, %add3A_924 : vector<16xi1>, vector<16xi32>
      %gt3A_955 = arith.cmpf ogt, %gather3A_942, %gather3A_935 : vector<16xf32>
      %select_n3A_956 = arith.select %gt3A_955, %gather3A_942, %gather3A_935 : vector<16xi1>, vector<16xf32>
      %select_n3A_957 = arith.select %gt3A_955, %add3A_945, %add3A_938 : vector<16xi1>, vector<16xi32>
      %gt3A_958 = arith.cmpf ogt, %select_n3A_950, %select_n3A_947 : vector<16xf32>
      %select_n3A_959 = arith.select %gt3A_958, %select_n3A_950, %select_n3A_947 : vector<16xi1>, vector<16xf32>
      %select_n3A_960 = arith.select %gt3A_958, %select_n3A_951, %select_n3A_948 : vector<16xi1>, vector<16xi32>
      %gt3A_961 = arith.cmpf ogt, %select_n3A_956, %select_n3A_953 : vector<16xf32>
      %select_n3A_962 = arith.select %gt3A_961, %select_n3A_956, %select_n3A_953 : vector<16xi1>, vector<16xf32>
      %select_n3A_963 = arith.select %gt3A_961, %select_n3A_957, %select_n3A_954 : vector<16xi1>, vector<16xi32>
      %gt3A_964 = arith.cmpf ogt, %select_n3A_962, %select_n3A_959 : vector<16xf32>
      %select_n3A_965 = arith.select %gt3A_964, %select_n3A_962, %select_n3A_959 : vector<16xi1>, vector<16xf32>
      %select_n3A_966 = arith.select %gt3A_964, %select_n3A_963, %select_n3A_960 : vector<16xi1>, vector<16xi32>
      %eq3A_967 = arith.constant 0 : i32
      %eq3A_968 = vector.broadcast %eq3A_967 : i32 to vector<16xi32>
      %eq3A_969 = arith.cmpi eq, %shift_right_logical3A_880, %eq3A_968 : vector<16xi32>
      %select_n3A_970 = arith.select %eq3A_969, %select_n3A_965, %select_n3A_810 : vector<16xi1>, vector<16xf32>
      %select_n3A_971 = arith.select %eq3A_969, %select_n3A_966, %select_n3A_811 : vector<16xi1>, vector<16xi32>
      %eq3A_972 = arith.constant 1 : i32
      %eq3A_973 = vector.broadcast %eq3A_972 : i32 to vector<16xi32>
      %eq3A_974 = arith.cmpi eq, %shift_right_logical3A_880, %eq3A_973 : vector<16xi32>
      %select_n3A_975 = arith.select %eq3A_974, %select_n3A_965, %select_n3A_815 : vector<16xi1>, vector<16xf32>
      %select_n3A_976 = arith.select %eq3A_974, %select_n3A_966, %select_n3A_816 : vector<16xi1>, vector<16xi32>
      %eq3A_977 = arith.constant 2 : i32
      %eq3A_978 = vector.broadcast %eq3A_977 : i32 to vector<16xi32>
      %eq3A_979 = arith.cmpi eq, %shift_right_logical3A_880, %eq3A_978 : vector<16xi32>
      %select_n3A_980 = arith.select %eq3A_979, %select_n3A_965, %select_n3A_820 : vector<16xi1>, vector<16xf32>
      %select_n3A_981 = arith.select %eq3A_979, %select_n3A_966, %select_n3A_821 : vector<16xi1>, vector<16xi32>
      %eq3A_982 = arith.constant 3 : i32
      %eq3A_983 = vector.broadcast %eq3A_982 : i32 to vector<16xi32>
      %eq3A_984 = arith.cmpi eq, %shift_right_logical3A_880, %eq3A_983 : vector<16xi32>
      %select_n3A_985 = arith.select %eq3A_984, %select_n3A_965, %select_n3A_825 : vector<16xi1>, vector<16xf32>
      %select_n3A_986 = arith.select %eq3A_984, %select_n3A_966, %select_n3A_826 : vector<16xi1>, vector<16xi32>
      %eq3A_987 = arith.constant 4 : i32
      %eq3A_988 = vector.broadcast %eq3A_987 : i32 to vector<16xi32>
      %eq3A_989 = arith.cmpi eq, %shift_right_logical3A_880, %eq3A_988 : vector<16xi32>
      %select_n3A_990 = arith.select %eq3A_989, %select_n3A_965, %select_n3A_830 : vector<16xi1>, vector<16xf32>
      %select_n3A_991 = arith.select %eq3A_989, %select_n3A_966, %select_n3A_831 : vector<16xi1>, vector<16xi32>
      %eq3A_992 = arith.constant 5 : i32
      %eq3A_993 = vector.broadcast %eq3A_992 : i32 to vector<16xi32>
      %eq3A_994 = arith.cmpi eq, %shift_right_logical3A_880, %eq3A_993 : vector<16xi32>
      %select_n3A_995 = arith.select %eq3A_994, %select_n3A_965, %select_n3A_835 : vector<16xi1>, vector<16xf32>
      %select_n3A_996 = arith.select %eq3A_994, %select_n3A_966, %select_n3A_836 : vector<16xi1>, vector<16xi32>
      %eq3A_997 = arith.constant 6 : i32
      %eq3A_998 = vector.broadcast %eq3A_997 : i32 to vector<16xi32>
      %eq3A_999 = arith.cmpi eq, %shift_right_logical3A_880, %eq3A_998 : vector<16xi32>
      %select_n3A_1000 = arith.select %eq3A_999, %select_n3A_965, %select_n3A_840 : vector<16xi1>, vector<16xf32>
      %select_n3A_1001 = arith.select %eq3A_999, %select_n3A_966, %select_n3A_841 : vector<16xi1>, vector<16xi32>
      %eq3A_1002 = arith.constant 7 : i32
      %eq3A_1003 = vector.broadcast %eq3A_1002 : i32 to vector<16xi32>
      %eq3A_1004 = arith.cmpi eq, %shift_right_logical3A_880, %eq3A_1003 : vector<16xi32>
      %select_n3A_1005 = arith.select %eq3A_1004, %select_n3A_965, %select_n3A_845 : vector<16xi1>, vector<16xf32>
      %select_n3A_1006 = arith.select %eq3A_1004, %select_n3A_966, %select_n3A_846 : vector<16xi1>, vector<16xi32>
      %gt3A_1007 = arith.cmpf ogt, %select_n3A_975, %select_n3A_970 : vector<16xf32>
      %select_n3A_1008 = arith.select %gt3A_1007, %select_n3A_975, %select_n3A_970 : vector<16xi1>, vector<16xf32>
      %select_n3A_1009 = arith.select %gt3A_1007, %select_n3A_976, %select_n3A_971 : vector<16xi1>, vector<16xi32>
      %gt3A_1010 = arith.cmpf ogt, %select_n3A_985, %select_n3A_980 : vector<16xf32>
      %select_n3A_1011 = arith.select %gt3A_1010, %select_n3A_985, %select_n3A_980 : vector<16xi1>, vector<16xf32>
      %select_n3A_1012 = arith.select %gt3A_1010, %select_n3A_986, %select_n3A_981 : vector<16xi1>, vector<16xi32>
      %gt3A_1013 = arith.cmpf ogt, %select_n3A_995, %select_n3A_990 : vector<16xf32>
      %select_n3A_1014 = arith.select %gt3A_1013, %select_n3A_995, %select_n3A_990 : vector<16xi1>, vector<16xf32>
      %select_n3A_1015 = arith.select %gt3A_1013, %select_n3A_996, %select_n3A_991 : vector<16xi1>, vector<16xi32>
      %gt3A_1016 = arith.cmpf ogt, %select_n3A_1005, %select_n3A_1000 : vector<16xf32>
      %select_n3A_1017 = arith.select %gt3A_1016, %select_n3A_1005, %select_n3A_1000 : vector<16xi1>, vector<16xf32>
      %select_n3A_1018 = arith.select %gt3A_1016, %select_n3A_1006, %select_n3A_1001 : vector<16xi1>, vector<16xi32>
      %gt3A_1019 = arith.cmpf ogt, %select_n3A_1011, %select_n3A_1008 : vector<16xf32>
      %select_n3A_1020 = arith.select %gt3A_1019, %select_n3A_1011, %select_n3A_1008 : vector<16xi1>, vector<16xf32>
      %select_n3A_1021 = arith.select %gt3A_1019, %select_n3A_1012, %select_n3A_1009 : vector<16xi1>, vector<16xi32>
      %gt3A_1022 = arith.cmpf ogt, %select_n3A_1017, %select_n3A_1014 : vector<16xf32>
      %select_n3A_1023 = arith.select %gt3A_1022, %select_n3A_1017, %select_n3A_1014 : vector<16xi1>, vector<16xf32>
      %select_n3A_1024 = arith.select %gt3A_1022, %select_n3A_1018, %select_n3A_1015 : vector<16xi1>, vector<16xi32>
      %gt3A_1025 = arith.cmpf ogt, %select_n3A_1023, %select_n3A_1020 : vector<16xf32>
      %select_n3A_1026 = arith.select %gt3A_1025, %select_n3A_1023, %select_n3A_1020 : vector<16xi1>, vector<16xf32>
      %select_n3A_1027 = arith.select %gt3A_1025, %select_n3A_1024, %select_n3A_1021 : vector<16xi1>, vector<16xi32>
      %mul3A_1028 = arith.constant 512 : i32
      %mul3A_1029 = vector.broadcast %mul3A_1028 : i32 to vector<16xi32>
      %mul3A_1030 = arith.muli %select_n3A_1027, %mul3A_1029 : vector<16xi32>
      %add3A_1031 = vector.broadcast %mul3A_140 : i32 to vector<16xi32>
      %add3A_1032 = arith.addi %add3A_1031, %iota3A : vector<16xi32>
      %add3A_1033 = arith.addi %mul3A_1030, %add3A_1032 : vector<16xi32>
      tpu.vector_store_idx %arg6[%add3A_1033], %broadcast_in_dim3A_132 : memref<32768xf32, #tpu.memory_space<vmem>>[vector<16xi32>], vector<16xf32>,
      %mul3A_1034 = arith.constant 16 : i32
      %mul3A_1035 = vector.broadcast %mul3A_1034 : i32 to vector<16xi32>
      %mul3A_1036 = arith.muli %select_n3A_1027, %mul3A_1035 : vector<16xi32>
      %add3A_1037 = arith.addi %mul3A_1036, %iota3A : vector<16xi32>
      tpu.vector_store_idx %arg9[%add3A_1037], %broadcast_in_dim3A_130 {add = true} : memref<1024xf32, #tpu.memory_space<vmem>>[vector<16xi32>], vector<16xf32>,
      %shift_right_logical3A_1038 = arith.constant 3 : i32
      %shift_right_logical3A_1039 = vector.broadcast %shift_right_logical3A_1038 : i32 to vector<16xi32>
      %shift_right_logical3A_1040 = arith.shrui %select_n3A_1027, %shift_right_logical3A_1039 : vector<16xi32>
      %mul3A_1041 = arith.constant 8 : i32
      %mul3A_1042 = vector.broadcast %mul3A_1041 : i32 to vector<16xi32>
      %mul3A_1043 = arith.muli %shift_right_logical3A_1040, %mul3A_1042 : vector<16xi32>
      %mul3A_1044 = arith.constant 4096 : i32
      %mul3A_1045 = vector.broadcast %mul3A_1044 : i32 to vector<16xi32>
      %mul3A_1046 = arith.muli %shift_right_logical3A_1040, %mul3A_1045 : vector<16xi32>
      %add3A_1047 = vector.broadcast %mul3A_140 : i32 to vector<16xi32>
      %add3A_1048 = arith.addi %add3A_1047, %iota3A : vector<16xi32>
      %add3A_1049 = arith.addi %mul3A_1046, %add3A_1048 : vector<16xi32>
      %add3A_1050 = arith.constant 0 : i32
      %add3A_1051 = vector.broadcast %add3A_1050 : i32 to vector<16xi32>
      %add3A_1052 = arith.addi %add3A_1049, %add3A_1051 : vector<16xi32>
      %gather3A_1053 = tpu.vector_load_idx %arg6[%add3A_1052] : memref<32768xf32, #tpu.memory_space<vmem>>[vector<16xi32>], vector<16xf32>,
      %add3A_1054 = arith.constant 0 : i32
      %add3A_1055 = vector.broadcast %add3A_1054 : i32 to vector<16xi32>
      %add3A_1056 = arith.addi %mul3A_1043, %add3A_1055 : vector<16xi32>
      %add3A_1057 = arith.constant 512 : i32
      %add3A_1058 = vector.broadcast %add3A_1057 : i32 to vector<16xi32>
      %add3A_1059 = arith.addi %add3A_1049, %add3A_1058 : vector<16xi32>
      %gather3A_1060 = tpu.vector_load_idx %arg6[%add3A_1059] : memref<32768xf32, #tpu.memory_space<vmem>>[vector<16xi32>], vector<16xf32>,
      %add3A_1061 = arith.constant 1 : i32
      %add3A_1062 = vector.broadcast %add3A_1061 : i32 to vector<16xi32>
      %add3A_1063 = arith.addi %mul3A_1043, %add3A_1062 : vector<16xi32>
      %add3A_1064 = arith.constant 1024 : i32
      %add3A_1065 = vector.broadcast %add3A_1064 : i32 to vector<16xi32>
      %add3A_1066 = arith.addi %add3A_1049, %add3A_1065 : vector<16xi32>
      %gather3A_1067 = tpu.vector_load_idx %arg6[%add3A_1066] : memref<32768xf32, #tpu.memory_space<vmem>>[vector<16xi32>], vector<16xf32>,
      %add3A_1068 = arith.constant 2 : i32
      %add3A_1069 = vector.broadcast %add3A_1068 : i32 to vector<16xi32>
      %add3A_1070 = arith.addi %mul3A_1043, %add3A_1069 : vector<16xi32>
      %add3A_1071 = arith.constant 1536 : i32
      %add3A_1072 = vector.broadcast %add3A_1071 : i32 to vector<16xi32>
      %add3A_1073 = arith.addi %add3A_1049, %add3A_1072 : vector<16xi32>
      %gather3A_1074 = tpu.vector_load_idx %arg6[%add3A_1073] : memref<32768xf32, #tpu.memory_space<vmem>>[vector<16xi32>], vector<16xf32>,
      %add3A_1075 = arith.constant 3 : i32
      %add3A_1076 = vector.broadcast %add3A_1075 : i32 to vector<16xi32>
      %add3A_1077 = arith.addi %mul3A_1043, %add3A_1076 : vector<16xi32>
      %add3A_1078 = arith.constant 2048 : i32
      %add3A_1079 = vector.broadcast %add3A_1078 : i32 to vector<16xi32>
      %add3A_1080 = arith.addi %add3A_1049, %add3A_1079 : vector<16xi32>
      %gather3A_1081 = tpu.vector_load_idx %arg6[%add3A_1080] : memref<32768xf32, #tpu.memory_space<vmem>>[vector<16xi32>], vector<16xf32>,
      %add3A_1082 = arith.constant 4 : i32
      %add3A_1083 = vector.broadcast %add3A_1082 : i32 to vector<16xi32>
      %add3A_1084 = arith.addi %mul3A_1043, %add3A_1083 : vector<16xi32>
      %add3A_1085 = arith.constant 2560 : i32
      %add3A_1086 = vector.broadcast %add3A_1085 : i32 to vector<16xi32>
      %add3A_1087 = arith.addi %add3A_1049, %add3A_1086 : vector<16xi32>
      %gather3A_1088 = tpu.vector_load_idx %arg6[%add3A_1087] : memref<32768xf32, #tpu.memory_space<vmem>>[vector<16xi32>], vector<16xf32>,
      %add3A_1089 = arith.constant 5 : i32
      %add3A_1090 = vector.broadcast %add3A_1089 : i32 to vector<16xi32>
      %add3A_1091 = arith.addi %mul3A_1043, %add3A_1090 : vector<16xi32>
      %add3A_1092 = arith.constant 3072 : i32
      %add3A_1093 = vector.broadcast %add3A_1092 : i32 to vector<16xi32>
      %add3A_1094 = arith.addi %add3A_1049, %add3A_1093 : vector<16xi32>
      %gather3A_1095 = tpu.vector_load_idx %arg6[%add3A_1094] : memref<32768xf32, #tpu.memory_space<vmem>>[vector<16xi32>], vector<16xf32>,
      %add3A_1096 = arith.constant 6 : i32
      %add3A_1097 = vector.broadcast %add3A_1096 : i32 to vector<16xi32>
      %add3A_1098 = arith.addi %mul3A_1043, %add3A_1097 : vector<16xi32>
      %add3A_1099 = arith.constant 3584 : i32
      %add3A_1100 = vector.broadcast %add3A_1099 : i32 to vector<16xi32>
      %add3A_1101 = arith.addi %add3A_1049, %add3A_1100 : vector<16xi32>
      %gather3A_1102 = tpu.vector_load_idx %arg6[%add3A_1101] : memref<32768xf32, #tpu.memory_space<vmem>>[vector<16xi32>], vector<16xf32>,
      %add3A_1103 = arith.constant 7 : i32
      %add3A_1104 = vector.broadcast %add3A_1103 : i32 to vector<16xi32>
      %add3A_1105 = arith.addi %mul3A_1043, %add3A_1104 : vector<16xi32>
      %gt3A_1106 = arith.cmpf ogt, %gather3A_1060, %gather3A_1053 : vector<16xf32>
      %select_n3A_1107 = arith.select %gt3A_1106, %gather3A_1060, %gather3A_1053 : vector<16xi1>, vector<16xf32>
      %select_n3A_1108 = arith.select %gt3A_1106, %add3A_1063, %add3A_1056 : vector<16xi1>, vector<16xi32>
      %gt3A_1109 = arith.cmpf ogt, %gather3A_1074, %gather3A_1067 : vector<16xf32>
      %select_n3A_1110 = arith.select %gt3A_1109, %gather3A_1074, %gather3A_1067 : vector<16xi1>, vector<16xf32>
      %select_n3A_1111 = arith.select %gt3A_1109, %add3A_1077, %add3A_1070 : vector<16xi1>, vector<16xi32>
      %gt3A_1112 = arith.cmpf ogt, %gather3A_1088, %gather3A_1081 : vector<16xf32>
      %select_n3A_1113 = arith.select %gt3A_1112, %gather3A_1088, %gather3A_1081 : vector<16xi1>, vector<16xf32>
      %select_n3A_1114 = arith.select %gt3A_1112, %add3A_1091, %add3A_1084 : vector<16xi1>, vector<16xi32>
      %gt3A_1115 = arith.cmpf ogt, %gather3A_1102, %gather3A_1095 : vector<16xf32>
      %select_n3A_1116 = arith.select %gt3A_1115, %gather3A_1102, %gather3A_1095 : vector<16xi1>, vector<16xf32>
      %select_n3A_1117 = arith.select %gt3A_1115, %add3A_1105, %add3A_1098 : vector<16xi1>, vector<16xi32>
      %gt3A_1118 = arith.cmpf ogt, %select_n3A_1110, %select_n3A_1107 : vector<16xf32>
      %select_n3A_1119 = arith.select %gt3A_1118, %select_n3A_1110, %select_n3A_1107 : vector<16xi1>, vector<16xf32>
      %select_n3A_1120 = arith.select %gt3A_1118, %select_n3A_1111, %select_n3A_1108 : vector<16xi1>, vector<16xi32>
      %gt3A_1121 = arith.cmpf ogt, %select_n3A_1116, %select_n3A_1113 : vector<16xf32>
      %select_n3A_1122 = arith.select %gt3A_1121, %select_n3A_1116, %select_n3A_1113 : vector<16xi1>, vector<16xf32>
      %select_n3A_1123 = arith.select %gt3A_1121, %select_n3A_1117, %select_n3A_1114 : vector<16xi1>, vector<16xi32>
      %gt3A_1124 = arith.cmpf ogt, %select_n3A_1122, %select_n3A_1119 : vector<16xf32>
      %select_n3A_1125 = arith.select %gt3A_1124, %select_n3A_1122, %select_n3A_1119 : vector<16xi1>, vector<16xf32>
      %select_n3A_1126 = arith.select %gt3A_1124, %select_n3A_1123, %select_n3A_1120 : vector<16xi1>, vector<16xi32>
      %eq3A_1127 = arith.constant 0 : i32
      %eq3A_1128 = vector.broadcast %eq3A_1127 : i32 to vector<16xi32>
      %eq3A_1129 = arith.cmpi eq, %shift_right_logical3A_1040, %eq3A_1128 : vector<16xi32>
      %select_n3A_1130 = arith.select %eq3A_1129, %select_n3A_1125, %select_n3A_970 : vector<16xi1>, vector<16xf32>
      %select_n3A_1131 = arith.select %eq3A_1129, %select_n3A_1126, %select_n3A_971 : vector<16xi1>, vector<16xi32>
      %eq3A_1132 = arith.constant 1 : i32
      %eq3A_1133 = vector.broadcast %eq3A_1132 : i32 to vector<16xi32>
      %eq3A_1134 = arith.cmpi eq, %shift_right_logical3A_1040, %eq3A_1133 : vector<16xi32>
      %select_n3A_1135 = arith.select %eq3A_1134, %select_n3A_1125, %select_n3A_975 : vector<16xi1>, vector<16xf32>
      %select_n3A_1136 = arith.select %eq3A_1134, %select_n3A_1126, %select_n3A_976 : vector<16xi1>, vector<16xi32>
      %eq3A_1137 = arith.constant 2 : i32
      %eq3A_1138 = vector.broadcast %eq3A_1137 : i32 to vector<16xi32>
      %eq3A_1139 = arith.cmpi eq, %shift_right_logical3A_1040, %eq3A_1138 : vector<16xi32>
      %select_n3A_1140 = arith.select %eq3A_1139, %select_n3A_1125, %select_n3A_980 : vector<16xi1>, vector<16xf32>
      %select_n3A_1141 = arith.select %eq3A_1139, %select_n3A_1126, %select_n3A_981 : vector<16xi1>, vector<16xi32>
      %eq3A_1142 = arith.constant 3 : i32
      %eq3A_1143 = vector.broadcast %eq3A_1142 : i32 to vector<16xi32>
      %eq3A_1144 = arith.cmpi eq, %shift_right_logical3A_1040, %eq3A_1143 : vector<16xi32>
      %select_n3A_1145 = arith.select %eq3A_1144, %select_n3A_1125, %select_n3A_985 : vector<16xi1>, vector<16xf32>
      %select_n3A_1146 = arith.select %eq3A_1144, %select_n3A_1126, %select_n3A_986 : vector<16xi1>, vector<16xi32>
      %eq3A_1147 = arith.constant 4 : i32
      %eq3A_1148 = vector.broadcast %eq3A_1147 : i32 to vector<16xi32>
      %eq3A_1149 = arith.cmpi eq, %shift_right_logical3A_1040, %eq3A_1148 : vector<16xi32>
      %select_n3A_1150 = arith.select %eq3A_1149, %select_n3A_1125, %select_n3A_990 : vector<16xi1>, vector<16xf32>
      %select_n3A_1151 = arith.select %eq3A_1149, %select_n3A_1126, %select_n3A_991 : vector<16xi1>, vector<16xi32>
      %eq3A_1152 = arith.constant 5 : i32
      %eq3A_1153 = vector.broadcast %eq3A_1152 : i32 to vector<16xi32>
      %eq3A_1154 = arith.cmpi eq, %shift_right_logical3A_1040, %eq3A_1153 : vector<16xi32>
      %select_n3A_1155 = arith.select %eq3A_1154, %select_n3A_1125, %select_n3A_995 : vector<16xi1>, vector<16xf32>
      %select_n3A_1156 = arith.select %eq3A_1154, %select_n3A_1126, %select_n3A_996 : vector<16xi1>, vector<16xi32>
      %eq3A_1157 = arith.constant 6 : i32
      %eq3A_1158 = vector.broadcast %eq3A_1157 : i32 to vector<16xi32>
      %eq3A_1159 = arith.cmpi eq, %shift_right_logical3A_1040, %eq3A_1158 : vector<16xi32>
      %select_n3A_1160 = arith.select %eq3A_1159, %select_n3A_1125, %select_n3A_1000 : vector<16xi1>, vector<16xf32>
      %select_n3A_1161 = arith.select %eq3A_1159, %select_n3A_1126, %select_n3A_1001 : vector<16xi1>, vector<16xi32>
      %eq3A_1162 = arith.constant 7 : i32
      %eq3A_1163 = vector.broadcast %eq3A_1162 : i32 to vector<16xi32>
      %eq3A_1164 = arith.cmpi eq, %shift_right_logical3A_1040, %eq3A_1163 : vector<16xi32>
      %select_n3A_1165 = arith.select %eq3A_1164, %select_n3A_1125, %select_n3A_1005 : vector<16xi1>, vector<16xf32>
      %select_n3A_1166 = arith.select %eq3A_1164, %select_n3A_1126, %select_n3A_1006 : vector<16xi1>, vector<16xi32>
      %gt3A_1167 = arith.cmpf ogt, %select_n3A_1135, %select_n3A_1130 : vector<16xf32>
      %select_n3A_1168 = arith.select %gt3A_1167, %select_n3A_1135, %select_n3A_1130 : vector<16xi1>, vector<16xf32>
      %select_n3A_1169 = arith.select %gt3A_1167, %select_n3A_1136, %select_n3A_1131 : vector<16xi1>, vector<16xi32>
      %gt3A_1170 = arith.cmpf ogt, %select_n3A_1145, %select_n3A_1140 : vector<16xf32>
      %select_n3A_1171 = arith.select %gt3A_1170, %select_n3A_1145, %select_n3A_1140 : vector<16xi1>, vector<16xf32>
      %select_n3A_1172 = arith.select %gt3A_1170, %select_n3A_1146, %select_n3A_1141 : vector<16xi1>, vector<16xi32>
      %gt3A_1173 = arith.cmpf ogt, %select_n3A_1155, %select_n3A_1150 : vector<16xf32>
      %select_n3A_1174 = arith.select %gt3A_1173, %select_n3A_1155, %select_n3A_1150 : vector<16xi1>, vector<16xf32>
      %select_n3A_1175 = arith.select %gt3A_1173, %select_n3A_1156, %select_n3A_1151 : vector<16xi1>, vector<16xi32>
      %gt3A_1176 = arith.cmpf ogt, %select_n3A_1165, %select_n3A_1160 : vector<16xf32>
      %select_n3A_1177 = arith.select %gt3A_1176, %select_n3A_1165, %select_n3A_1160 : vector<16xi1>, vector<16xf32>
      %select_n3A_1178 = arith.select %gt3A_1176, %select_n3A_1166, %select_n3A_1161 : vector<16xi1>, vector<16xi32>
      %gt3A_1179 = arith.cmpf ogt, %select_n3A_1171, %select_n3A_1168 : vector<16xf32>
      %select_n3A_1180 = arith.select %gt3A_1179, %select_n3A_1171, %select_n3A_1168 : vector<16xi1>, vector<16xf32>
      %select_n3A_1181 = arith.select %gt3A_1179, %select_n3A_1172, %select_n3A_1169 : vector<16xi1>, vector<16xi32>
      %gt3A_1182 = arith.cmpf ogt, %select_n3A_1177, %select_n3A_1174 : vector<16xf32>
      %select_n3A_1183 = arith.select %gt3A_1182, %select_n3A_1177, %select_n3A_1174 : vector<16xi1>, vector<16xf32>
      %select_n3A_1184 = arith.select %gt3A_1182, %select_n3A_1178, %select_n3A_1175 : vector<16xi1>, vector<16xi32>
      %gt3A_1185 = arith.cmpf ogt, %select_n3A_1183, %select_n3A_1180 : vector<16xf32>
      %select_n3A_1186 = arith.select %gt3A_1185, %select_n3A_1183, %select_n3A_1180 : vector<16xi1>, vector<16xf32>
      %select_n3A_1187 = arith.select %gt3A_1185, %select_n3A_1184, %select_n3A_1181 : vector<16xi1>, vector<16xi32>
      %mul3A_1188 = arith.constant 512 : i32
      %mul3A_1189 = vector.broadcast %mul3A_1188 : i32 to vector<16xi32>
      %mul3A_1190 = arith.muli %select_n3A_1187, %mul3A_1189 : vector<16xi32>
      %add3A_1191 = vector.broadcast %mul3A_140 : i32 to vector<16xi32>
      %add3A_1192 = arith.addi %add3A_1191, %iota3A : vector<16xi32>
      %add3A_1193 = arith.addi %mul3A_1190, %add3A_1192 : vector<16xi32>
      tpu.vector_store_idx %arg6[%add3A_1193], %broadcast_in_dim3A_132 : memref<32768xf32, #tpu.memory_space<vmem>>[vector<16xi32>], vector<16xf32>,
      %mul3A_1194 = arith.constant 16 : i32
      %mul3A_1195 = vector.broadcast %mul3A_1194 : i32 to vector<16xi32>
      %mul3A_1196 = arith.muli %select_n3A_1187, %mul3A_1195 : vector<16xi32>
      %add3A_1197 = arith.addi %mul3A_1196, %iota3A : vector<16xi32>
      tpu.vector_store_idx %arg9[%add3A_1197], %broadcast_in_dim3A_130 {add = true} : memref<1024xf32, #tpu.memory_space<vmem>>[vector<16xi32>], vector<16xf32>,
      %shift_right_logical3A_1198 = arith.constant 3 : i32
      %shift_right_logical3A_1199 = vector.broadcast %shift_right_logical3A_1198 : i32 to vector<16xi32>
      %shift_right_logical3A_1200 = arith.shrui %select_n3A_1187, %shift_right_logical3A_1199 : vector<16xi32>
      %mul3A_1201 = arith.constant 8 : i32
      %mul3A_1202 = vector.broadcast %mul3A_1201 : i32 to vector<16xi32>
      %mul3A_1203 = arith.muli %shift_right_logical3A_1200, %mul3A_1202 : vector<16xi32>
      %mul3A_1204 = arith.constant 4096 : i32
      %mul3A_1205 = vector.broadcast %mul3A_1204 : i32 to vector<16xi32>
      %mul3A_1206 = arith.muli %shift_right_logical3A_1200, %mul3A_1205 : vector<16xi32>
      %add3A_1207 = vector.broadcast %mul3A_140 : i32 to vector<16xi32>
      %add3A_1208 = arith.addi %add3A_1207, %iota3A : vector<16xi32>
      %add3A_1209 = arith.addi %mul3A_1206, %add3A_1208 : vector<16xi32>
      %add3A_1210 = arith.constant 0 : i32
      %add3A_1211 = vector.broadcast %add3A_1210 : i32 to vector<16xi32>
      %add3A_1212 = arith.addi %add3A_1209, %add3A_1211 : vector<16xi32>
      %gather3A_1213 = tpu.vector_load_idx %arg6[%add3A_1212] : memref<32768xf32, #tpu.memory_space<vmem>>[vector<16xi32>], vector<16xf32>,
      %add3A_1214 = arith.constant 0 : i32
      %add3A_1215 = vector.broadcast %add3A_1214 : i32 to vector<16xi32>
      %add3A_1216 = arith.addi %mul3A_1203, %add3A_1215 : vector<16xi32>
      %add3A_1217 = arith.constant 512 : i32
      %add3A_1218 = vector.broadcast %add3A_1217 : i32 to vector<16xi32>
      %add3A_1219 = arith.addi %add3A_1209, %add3A_1218 : vector<16xi32>
      %gather3A_1220 = tpu.vector_load_idx %arg6[%add3A_1219] : memref<32768xf32, #tpu.memory_space<vmem>>[vector<16xi32>], vector<16xf32>,
      %add3A_1221 = arith.constant 1 : i32
      %add3A_1222 = vector.broadcast %add3A_1221 : i32 to vector<16xi32>
      %add3A_1223 = arith.addi %mul3A_1203, %add3A_1222 : vector<16xi32>
      %add3A_1224 = arith.constant 1024 : i32
      %add3A_1225 = vector.broadcast %add3A_1224 : i32 to vector<16xi32>
      %add3A_1226 = arith.addi %add3A_1209, %add3A_1225 : vector<16xi32>
      %gather3A_1227 = tpu.vector_load_idx %arg6[%add3A_1226] : memref<32768xf32, #tpu.memory_space<vmem>>[vector<16xi32>], vector<16xf32>,
      %add3A_1228 = arith.constant 2 : i32
      %add3A_1229 = vector.broadcast %add3A_1228 : i32 to vector<16xi32>
      %add3A_1230 = arith.addi %mul3A_1203, %add3A_1229 : vector<16xi32>
      %add3A_1231 = arith.constant 1536 : i32
      %add3A_1232 = vector.broadcast %add3A_1231 : i32 to vector<16xi32>
      %add3A_1233 = arith.addi %add3A_1209, %add3A_1232 : vector<16xi32>
      %gather3A_1234 = tpu.vector_load_idx %arg6[%add3A_1233] : memref<32768xf32, #tpu.memory_space<vmem>>[vector<16xi32>], vector<16xf32>,
      %add3A_1235 = arith.constant 3 : i32
      %add3A_1236 = vector.broadcast %add3A_1235 : i32 to vector<16xi32>
      %add3A_1237 = arith.addi %mul3A_1203, %add3A_1236 : vector<16xi32>
      %add3A_1238 = arith.constant 2048 : i32
      %add3A_1239 = vector.broadcast %add3A_1238 : i32 to vector<16xi32>
      %add3A_1240 = arith.addi %add3A_1209, %add3A_1239 : vector<16xi32>
      %gather3A_1241 = tpu.vector_load_idx %arg6[%add3A_1240] : memref<32768xf32, #tpu.memory_space<vmem>>[vector<16xi32>], vector<16xf32>,
      %add3A_1242 = arith.constant 4 : i32
      %add3A_1243 = vector.broadcast %add3A_1242 : i32 to vector<16xi32>
      %add3A_1244 = arith.addi %mul3A_1203, %add3A_1243 : vector<16xi32>
      %add3A_1245 = arith.constant 2560 : i32
      %add3A_1246 = vector.broadcast %add3A_1245 : i32 to vector<16xi32>
      %add3A_1247 = arith.addi %add3A_1209, %add3A_1246 : vector<16xi32>
      %gather3A_1248 = tpu.vector_load_idx %arg6[%add3A_1247] : memref<32768xf32, #tpu.memory_space<vmem>>[vector<16xi32>], vector<16xf32>,
      %add3A_1249 = arith.constant 5 : i32
      %add3A_1250 = vector.broadcast %add3A_1249 : i32 to vector<16xi32>
      %add3A_1251 = arith.addi %mul3A_1203, %add3A_1250 : vector<16xi32>
      %add3A_1252 = arith.constant 3072 : i32
      %add3A_1253 = vector.broadcast %add3A_1252 : i32 to vector<16xi32>
      %add3A_1254 = arith.addi %add3A_1209, %add3A_1253 : vector<16xi32>
      %gather3A_1255 = tpu.vector_load_idx %arg6[%add3A_1254] : memref<32768xf32, #tpu.memory_space<vmem>>[vector<16xi32>], vector<16xf32>,
      %add3A_1256 = arith.constant 6 : i32
      %add3A_1257 = vector.broadcast %add3A_1256 : i32 to vector<16xi32>
      %add3A_1258 = arith.addi %mul3A_1203, %add3A_1257 : vector<16xi32>
      %add3A_1259 = arith.constant 3584 : i32
      %add3A_1260 = vector.broadcast %add3A_1259 : i32 to vector<16xi32>
      %add3A_1261 = arith.addi %add3A_1209, %add3A_1260 : vector<16xi32>
      %gather3A_1262 = tpu.vector_load_idx %arg6[%add3A_1261] : memref<32768xf32, #tpu.memory_space<vmem>>[vector<16xi32>], vector<16xf32>,
      %add3A_1263 = arith.constant 7 : i32
      %add3A_1264 = vector.broadcast %add3A_1263 : i32 to vector<16xi32>
      %add3A_1265 = arith.addi %mul3A_1203, %add3A_1264 : vector<16xi32>
      %gt3A_1266 = arith.cmpf ogt, %gather3A_1220, %gather3A_1213 : vector<16xf32>
      %select_n3A_1267 = arith.select %gt3A_1266, %gather3A_1220, %gather3A_1213 : vector<16xi1>, vector<16xf32>
      %select_n3A_1268 = arith.select %gt3A_1266, %add3A_1223, %add3A_1216 : vector<16xi1>, vector<16xi32>
      %gt3A_1269 = arith.cmpf ogt, %gather3A_1234, %gather3A_1227 : vector<16xf32>
      %select_n3A_1270 = arith.select %gt3A_1269, %gather3A_1234, %gather3A_1227 : vector<16xi1>, vector<16xf32>
      %select_n3A_1271 = arith.select %gt3A_1269, %add3A_1237, %add3A_1230 : vector<16xi1>, vector<16xi32>
      %gt3A_1272 = arith.cmpf ogt, %gather3A_1248, %gather3A_1241 : vector<16xf32>
      %select_n3A_1273 = arith.select %gt3A_1272, %gather3A_1248, %gather3A_1241 : vector<16xi1>, vector<16xf32>
      %select_n3A_1274 = arith.select %gt3A_1272, %add3A_1251, %add3A_1244 : vector<16xi1>, vector<16xi32>
      %gt3A_1275 = arith.cmpf ogt, %gather3A_1262, %gather3A_1255 : vector<16xf32>
      %select_n3A_1276 = arith.select %gt3A_1275, %gather3A_1262, %gather3A_1255 : vector<16xi1>, vector<16xf32>
      %select_n3A_1277 = arith.select %gt3A_1275, %add3A_1265, %add3A_1258 : vector<16xi1>, vector<16xi32>
      %gt3A_1278 = arith.cmpf ogt, %select_n3A_1270, %select_n3A_1267 : vector<16xf32>
      %select_n3A_1279 = arith.select %gt3A_1278, %select_n3A_1270, %select_n3A_1267 : vector<16xi1>, vector<16xf32>
      %select_n3A_1280 = arith.select %gt3A_1278, %select_n3A_1271, %select_n3A_1268 : vector<16xi1>, vector<16xi32>
      %gt3A_1281 = arith.cmpf ogt, %select_n3A_1276, %select_n3A_1273 : vector<16xf32>
      %select_n3A_1282 = arith.select %gt3A_1281, %select_n3A_1276, %select_n3A_1273 : vector<16xi1>, vector<16xf32>
      %select_n3A_1283 = arith.select %gt3A_1281, %select_n3A_1277, %select_n3A_1274 : vector<16xi1>, vector<16xi32>
      %gt3A_1284 = arith.cmpf ogt, %select_n3A_1282, %select_n3A_1279 : vector<16xf32>
      %select_n3A_1285 = arith.select %gt3A_1284, %select_n3A_1282, %select_n3A_1279 : vector<16xi1>, vector<16xf32>
      %select_n3A_1286 = arith.select %gt3A_1284, %select_n3A_1283, %select_n3A_1280 : vector<16xi1>, vector<16xi32>
      %eq3A_1287 = arith.constant 0 : i32
      %eq3A_1288 = vector.broadcast %eq3A_1287 : i32 to vector<16xi32>
      %eq3A_1289 = arith.cmpi eq, %shift_right_logical3A_1200, %eq3A_1288 : vector<16xi32>
      %select_n3A_1290 = arith.select %eq3A_1289, %select_n3A_1285, %select_n3A_1130 : vector<16xi1>, vector<16xf32>
      %select_n3A_1291 = arith.select %eq3A_1289, %select_n3A_1286, %select_n3A_1131 : vector<16xi1>, vector<16xi32>
      %eq3A_1292 = arith.constant 1 : i32
      %eq3A_1293 = vector.broadcast %eq3A_1292 : i32 to vector<16xi32>
      %eq3A_1294 = arith.cmpi eq, %shift_right_logical3A_1200, %eq3A_1293 : vector<16xi32>
      %select_n3A_1295 = arith.select %eq3A_1294, %select_n3A_1285, %select_n3A_1135 : vector<16xi1>, vector<16xf32>
      %select_n3A_1296 = arith.select %eq3A_1294, %select_n3A_1286, %select_n3A_1136 : vector<16xi1>, vector<16xi32>
      %eq3A_1297 = arith.constant 2 : i32
      %eq3A_1298 = vector.broadcast %eq3A_1297 : i32 to vector<16xi32>
      %eq3A_1299 = arith.cmpi eq, %shift_right_logical3A_1200, %eq3A_1298 : vector<16xi32>
      %select_n3A_1300 = arith.select %eq3A_1299, %select_n3A_1285, %select_n3A_1140 : vector<16xi1>, vector<16xf32>
      %select_n3A_1301 = arith.select %eq3A_1299, %select_n3A_1286, %select_n3A_1141 : vector<16xi1>, vector<16xi32>
      %eq3A_1302 = arith.constant 3 : i32
      %eq3A_1303 = vector.broadcast %eq3A_1302 : i32 to vector<16xi32>
      %eq3A_1304 = arith.cmpi eq, %shift_right_logical3A_1200, %eq3A_1303 : vector<16xi32>
      %select_n3A_1305 = arith.select %eq3A_1304, %select_n3A_1285, %select_n3A_1145 : vector<16xi1>, vector<16xf32>
      %select_n3A_1306 = arith.select %eq3A_1304, %select_n3A_1286, %select_n3A_1146 : vector<16xi1>, vector<16xi32>
      %eq3A_1307 = arith.constant 4 : i32
      %eq3A_1308 = vector.broadcast %eq3A_1307 : i32 to vector<16xi32>
      %eq3A_1309 = arith.cmpi eq, %shift_right_logical3A_1200, %eq3A_1308 : vector<16xi32>
      %select_n3A_1310 = arith.select %eq3A_1309, %select_n3A_1285, %select_n3A_1150 : vector<16xi1>, vector<16xf32>
      %select_n3A_1311 = arith.select %eq3A_1309, %select_n3A_1286, %select_n3A_1151 : vector<16xi1>, vector<16xi32>
      %eq3A_1312 = arith.constant 5 : i32
      %eq3A_1313 = vector.broadcast %eq3A_1312 : i32 to vector<16xi32>
      %eq3A_1314 = arith.cmpi eq, %shift_right_logical3A_1200, %eq3A_1313 : vector<16xi32>
      %select_n3A_1315 = arith.select %eq3A_1314, %select_n3A_1285, %select_n3A_1155 : vector<16xi1>, vector<16xf32>
      %select_n3A_1316 = arith.select %eq3A_1314, %select_n3A_1286, %select_n3A_1156 : vector<16xi1>, vector<16xi32>
      %eq3A_1317 = arith.constant 6 : i32
      %eq3A_1318 = vector.broadcast %eq3A_1317 : i32 to vector<16xi32>
      %eq3A_1319 = arith.cmpi eq, %shift_right_logical3A_1200, %eq3A_1318 : vector<16xi32>
      %select_n3A_1320 = arith.select %eq3A_1319, %select_n3A_1285, %select_n3A_1160 : vector<16xi1>, vector<16xf32>
      %select_n3A_1321 = arith.select %eq3A_1319, %select_n3A_1286, %select_n3A_1161 : vector<16xi1>, vector<16xi32>
      %eq3A_1322 = arith.constant 7 : i32
      %eq3A_1323 = vector.broadcast %eq3A_1322 : i32 to vector<16xi32>
      %eq3A_1324 = arith.cmpi eq, %shift_right_logical3A_1200, %eq3A_1323 : vector<16xi32>
      %select_n3A_1325 = arith.select %eq3A_1324, %select_n3A_1285, %select_n3A_1165 : vector<16xi1>, vector<16xf32>
      %select_n3A_1326 = arith.select %eq3A_1324, %select_n3A_1286, %select_n3A_1166 : vector<16xi1>, vector<16xi32>
      %gt3A_1327 = arith.cmpf ogt, %select_n3A_1295, %select_n3A_1290 : vector<16xf32>
      %select_n3A_1328 = arith.select %gt3A_1327, %select_n3A_1295, %select_n3A_1290 : vector<16xi1>, vector<16xf32>
      %select_n3A_1329 = arith.select %gt3A_1327, %select_n3A_1296, %select_n3A_1291 : vector<16xi1>, vector<16xi32>
      %gt3A_1330 = arith.cmpf ogt, %select_n3A_1305, %select_n3A_1300 : vector<16xf32>
      %select_n3A_1331 = arith.select %gt3A_1330, %select_n3A_1305, %select_n3A_1300 : vector<16xi1>, vector<16xf32>
      %select_n3A_1332 = arith.select %gt3A_1330, %select_n3A_1306, %select_n3A_1301 : vector<16xi1>, vector<16xi32>
      %gt3A_1333 = arith.cmpf ogt, %select_n3A_1315, %select_n3A_1310 : vector<16xf32>
      %select_n3A_1334 = arith.select %gt3A_1333, %select_n3A_1315, %select_n3A_1310 : vector<16xi1>, vector<16xf32>
      %select_n3A_1335 = arith.select %gt3A_1333, %select_n3A_1316, %select_n3A_1311 : vector<16xi1>, vector<16xi32>
      %gt3A_1336 = arith.cmpf ogt, %select_n3A_1325, %select_n3A_1320 : vector<16xf32>
      %select_n3A_1337 = arith.select %gt3A_1336, %select_n3A_1325, %select_n3A_1320 : vector<16xi1>, vector<16xf32>
      %select_n3A_1338 = arith.select %gt3A_1336, %select_n3A_1326, %select_n3A_1321 : vector<16xi1>, vector<16xi32>
      %gt3A_1339 = arith.cmpf ogt, %select_n3A_1331, %select_n3A_1328 : vector<16xf32>
      %select_n3A_1340 = arith.select %gt3A_1339, %select_n3A_1331, %select_n3A_1328 : vector<16xi1>, vector<16xf32>
      %select_n3A_1341 = arith.select %gt3A_1339, %select_n3A_1332, %select_n3A_1329 : vector<16xi1>, vector<16xi32>
      %gt3A_1342 = arith.cmpf ogt, %select_n3A_1337, %select_n3A_1334 : vector<16xf32>
      %select_n3A_1343 = arith.select %gt3A_1342, %select_n3A_1337, %select_n3A_1334 : vector<16xi1>, vector<16xf32>
      %select_n3A_1344 = arith.select %gt3A_1342, %select_n3A_1338, %select_n3A_1335 : vector<16xi1>, vector<16xi32>
      %gt3A_1345 = arith.cmpf ogt, %select_n3A_1343, %select_n3A_1340 : vector<16xf32>
      %select_n3A_1346 = arith.select %gt3A_1345, %select_n3A_1343, %select_n3A_1340 : vector<16xi1>, vector<16xf32>
      %select_n3A_1347 = arith.select %gt3A_1345, %select_n3A_1344, %select_n3A_1341 : vector<16xi1>, vector<16xi32>
      %mul3A_1348 = arith.constant 512 : i32
      %mul3A_1349 = vector.broadcast %mul3A_1348 : i32 to vector<16xi32>
      %mul3A_1350 = arith.muli %select_n3A_1347, %mul3A_1349 : vector<16xi32>
      %add3A_1351 = vector.broadcast %mul3A_140 : i32 to vector<16xi32>
      %add3A_1352 = arith.addi %add3A_1351, %iota3A : vector<16xi32>
      %add3A_1353 = arith.addi %mul3A_1350, %add3A_1352 : vector<16xi32>
      tpu.vector_store_idx %arg6[%add3A_1353], %broadcast_in_dim3A_132 : memref<32768xf32, #tpu.memory_space<vmem>>[vector<16xi32>], vector<16xf32>,
      %mul3A_1354 = arith.constant 16 : i32
      %mul3A_1355 = vector.broadcast %mul3A_1354 : i32 to vector<16xi32>
      %mul3A_1356 = arith.muli %select_n3A_1347, %mul3A_1355 : vector<16xi32>
      %add3A_1357 = arith.addi %mul3A_1356, %iota3A : vector<16xi32>
      tpu.vector_store_idx %arg9[%add3A_1357], %broadcast_in_dim3A_130 {add = true} : memref<1024xf32, #tpu.memory_space<vmem>>[vector<16xi32>], vector<16xf32>,
      %shift_right_logical3A_1358 = arith.constant 3 : i32
      %shift_right_logical3A_1359 = vector.broadcast %shift_right_logical3A_1358 : i32 to vector<16xi32>
      %shift_right_logical3A_1360 = arith.shrui %select_n3A_1347, %shift_right_logical3A_1359 : vector<16xi32>
      %mul3A_1361 = arith.constant 8 : i32
      %mul3A_1362 = vector.broadcast %mul3A_1361 : i32 to vector<16xi32>
      %mul3A_1363 = arith.muli %shift_right_logical3A_1360, %mul3A_1362 : vector<16xi32>
      %mul3A_1364 = arith.constant 4096 : i32
      %mul3A_1365 = vector.broadcast %mul3A_1364 : i32 to vector<16xi32>
      %mul3A_1366 = arith.muli %shift_right_logical3A_1360, %mul3A_1365 : vector<16xi32>
      %add3A_1367 = vector.broadcast %mul3A_140 : i32 to vector<16xi32>
      %add3A_1368 = arith.addi %add3A_1367, %iota3A : vector<16xi32>
      %add3A_1369 = arith.addi %mul3A_1366, %add3A_1368 : vector<16xi32>
      %add3A_1370 = arith.constant 0 : i32
      %add3A_1371 = vector.broadcast %add3A_1370 : i32 to vector<16xi32>
      %add3A_1372 = arith.addi %add3A_1369, %add3A_1371 : vector<16xi32>
      %gather3A_1373 = tpu.vector_load_idx %arg6[%add3A_1372] : memref<32768xf32, #tpu.memory_space<vmem>>[vector<16xi32>], vector<16xf32>,
      %add3A_1374 = arith.constant 0 : i32
      %add3A_1375 = vector.broadcast %add3A_1374 : i32 to vector<16xi32>
      %add3A_1376 = arith.addi %mul3A_1363, %add3A_1375 : vector<16xi32>
      %add3A_1377 = arith.constant 512 : i32
      %add3A_1378 = vector.broadcast %add3A_1377 : i32 to vector<16xi32>
      %add3A_1379 = arith.addi %add3A_1369, %add3A_1378 : vector<16xi32>
      %gather3A_1380 = tpu.vector_load_idx %arg6[%add3A_1379] : memref<32768xf32, #tpu.memory_space<vmem>>[vector<16xi32>], vector<16xf32>,
      %add3A_1381 = arith.constant 1 : i32
      %add3A_1382 = vector.broadcast %add3A_1381 : i32 to vector<16xi32>
      %add3A_1383 = arith.addi %mul3A_1363, %add3A_1382 : vector<16xi32>
      %add3A_1384 = arith.constant 1024 : i32
      %add3A_1385 = vector.broadcast %add3A_1384 : i32 to vector<16xi32>
      %add3A_1386 = arith.addi %add3A_1369, %add3A_1385 : vector<16xi32>
      %gather3A_1387 = tpu.vector_load_idx %arg6[%add3A_1386] : memref<32768xf32, #tpu.memory_space<vmem>>[vector<16xi32>], vector<16xf32>,
      %add3A_1388 = arith.constant 2 : i32
      %add3A_1389 = vector.broadcast %add3A_1388 : i32 to vector<16xi32>
      %add3A_1390 = arith.addi %mul3A_1363, %add3A_1389 : vector<16xi32>
      %add3A_1391 = arith.constant 1536 : i32
      %add3A_1392 = vector.broadcast %add3A_1391 : i32 to vector<16xi32>
      %add3A_1393 = arith.addi %add3A_1369, %add3A_1392 : vector<16xi32>
      %gather3A_1394 = tpu.vector_load_idx %arg6[%add3A_1393] : memref<32768xf32, #tpu.memory_space<vmem>>[vector<16xi32>], vector<16xf32>,
      %add3A_1395 = arith.constant 3 : i32
      %add3A_1396 = vector.broadcast %add3A_1395 : i32 to vector<16xi32>
      %add3A_1397 = arith.addi %mul3A_1363, %add3A_1396 : vector<16xi32>
      %add3A_1398 = arith.constant 2048 : i32
      %add3A_1399 = vector.broadcast %add3A_1398 : i32 to vector<16xi32>
      %add3A_1400 = arith.addi %add3A_1369, %add3A_1399 : vector<16xi32>
      %gather3A_1401 = tpu.vector_load_idx %arg6[%add3A_1400] : memref<32768xf32, #tpu.memory_space<vmem>>[vector<16xi32>], vector<16xf32>,
      %add3A_1402 = arith.constant 4 : i32
      %add3A_1403 = vector.broadcast %add3A_1402 : i32 to vector<16xi32>
      %add3A_1404 = arith.addi %mul3A_1363, %add3A_1403 : vector<16xi32>
      %add3A_1405 = arith.constant 2560 : i32
      %add3A_1406 = vector.broadcast %add3A_1405 : i32 to vector<16xi32>
      %add3A_1407 = arith.addi %add3A_1369, %add3A_1406 : vector<16xi32>
      %gather3A_1408 = tpu.vector_load_idx %arg6[%add3A_1407] : memref<32768xf32, #tpu.memory_space<vmem>>[vector<16xi32>], vector<16xf32>,
      %add3A_1409 = arith.constant 5 : i32
      %add3A_1410 = vector.broadcast %add3A_1409 : i32 to vector<16xi32>
      %add3A_1411 = arith.addi %mul3A_1363, %add3A_1410 : vector<16xi32>
      %add3A_1412 = arith.constant 3072 : i32
      %add3A_1413 = vector.broadcast %add3A_1412 : i32 to vector<16xi32>
      %add3A_1414 = arith.addi %add3A_1369, %add3A_1413 : vector<16xi32>
      %gather3A_1415 = tpu.vector_load_idx %arg6[%add3A_1414] : memref<32768xf32, #tpu.memory_space<vmem>>[vector<16xi32>], vector<16xf32>,
      %add3A_1416 = arith.constant 6 : i32
      %add3A_1417 = vector.broadcast %add3A_1416 : i32 to vector<16xi32>
      %add3A_1418 = arith.addi %mul3A_1363, %add3A_1417 : vector<16xi32>
      %add3A_1419 = arith.constant 3584 : i32
      %add3A_1420 = vector.broadcast %add3A_1419 : i32 to vector<16xi32>
      %add3A_1421 = arith.addi %add3A_1369, %add3A_1420 : vector<16xi32>
      %gather3A_1422 = tpu.vector_load_idx %arg6[%add3A_1421] : memref<32768xf32, #tpu.memory_space<vmem>>[vector<16xi32>], vector<16xf32>,
      %add3A_1423 = arith.constant 7 : i32
      %add3A_1424 = vector.broadcast %add3A_1423 : i32 to vector<16xi32>
      %add3A_1425 = arith.addi %mul3A_1363, %add3A_1424 : vector<16xi32>
      %gt3A_1426 = arith.cmpf ogt, %gather3A_1380, %gather3A_1373 : vector<16xf32>
      %select_n3A_1427 = arith.select %gt3A_1426, %gather3A_1380, %gather3A_1373 : vector<16xi1>, vector<16xf32>
      %select_n3A_1428 = arith.select %gt3A_1426, %add3A_1383, %add3A_1376 : vector<16xi1>, vector<16xi32>
      %gt3A_1429 = arith.cmpf ogt, %gather3A_1394, %gather3A_1387 : vector<16xf32>
      %select_n3A_1430 = arith.select %gt3A_1429, %gather3A_1394, %gather3A_1387 : vector<16xi1>, vector<16xf32>
      %select_n3A_1431 = arith.select %gt3A_1429, %add3A_1397, %add3A_1390 : vector<16xi1>, vector<16xi32>
      %gt3A_1432 = arith.cmpf ogt, %gather3A_1408, %gather3A_1401 : vector<16xf32>
      %select_n3A_1433 = arith.select %gt3A_1432, %gather3A_1408, %gather3A_1401 : vector<16xi1>, vector<16xf32>
      %select_n3A_1434 = arith.select %gt3A_1432, %add3A_1411, %add3A_1404 : vector<16xi1>, vector<16xi32>
      %gt3A_1435 = arith.cmpf ogt, %gather3A_1422, %gather3A_1415 : vector<16xf32>
      %select_n3A_1436 = arith.select %gt3A_1435, %gather3A_1422, %gather3A_1415 : vector<16xi1>, vector<16xf32>
      %select_n3A_1437 = arith.select %gt3A_1435, %add3A_1425, %add3A_1418 : vector<16xi1>, vector<16xi32>
      %gt3A_1438 = arith.cmpf ogt, %select_n3A_1430, %select_n3A_1427 : vector<16xf32>
      %select_n3A_1439 = arith.select %gt3A_1438, %select_n3A_1430, %select_n3A_1427 : vector<16xi1>, vector<16xf32>
      %select_n3A_1440 = arith.select %gt3A_1438, %select_n3A_1431, %select_n3A_1428 : vector<16xi1>, vector<16xi32>
      %gt3A_1441 = arith.cmpf ogt, %select_n3A_1436, %select_n3A_1433 : vector<16xf32>
      %select_n3A_1442 = arith.select %gt3A_1441, %select_n3A_1436, %select_n3A_1433 : vector<16xi1>, vector<16xf32>
      %select_n3A_1443 = arith.select %gt3A_1441, %select_n3A_1437, %select_n3A_1434 : vector<16xi1>, vector<16xi32>
      %gt3A_1444 = arith.cmpf ogt, %select_n3A_1442, %select_n3A_1439 : vector<16xf32>
      %select_n3A_1445 = arith.select %gt3A_1444, %select_n3A_1442, %select_n3A_1439 : vector<16xi1>, vector<16xf32>
      %select_n3A_1446 = arith.select %gt3A_1444, %select_n3A_1443, %select_n3A_1440 : vector<16xi1>, vector<16xi32>
      %eq3A_1447 = arith.constant 0 : i32
      %eq3A_1448 = vector.broadcast %eq3A_1447 : i32 to vector<16xi32>
      %eq3A_1449 = arith.cmpi eq, %shift_right_logical3A_1360, %eq3A_1448 : vector<16xi32>
      %select_n3A_1450 = arith.select %eq3A_1449, %select_n3A_1445, %select_n3A_1290 : vector<16xi1>, vector<16xf32>
      %select_n3A_1451 = arith.select %eq3A_1449, %select_n3A_1446, %select_n3A_1291 : vector<16xi1>, vector<16xi32>
      %eq3A_1452 = arith.constant 1 : i32
      %eq3A_1453 = vector.broadcast %eq3A_1452 : i32 to vector<16xi32>
      %eq3A_1454 = arith.cmpi eq, %shift_right_logical3A_1360, %eq3A_1453 : vector<16xi32>
      %select_n3A_1455 = arith.select %eq3A_1454, %select_n3A_1445, %select_n3A_1295 : vector<16xi1>, vector<16xf32>
      %select_n3A_1456 = arith.select %eq3A_1454, %select_n3A_1446, %select_n3A_1296 : vector<16xi1>, vector<16xi32>
      %eq3A_1457 = arith.constant 2 : i32
      %eq3A_1458 = vector.broadcast %eq3A_1457 : i32 to vector<16xi32>
      %eq3A_1459 = arith.cmpi eq, %shift_right_logical3A_1360, %eq3A_1458 : vector<16xi32>
      %select_n3A_1460 = arith.select %eq3A_1459, %select_n3A_1445, %select_n3A_1300 : vector<16xi1>, vector<16xf32>
      %select_n3A_1461 = arith.select %eq3A_1459, %select_n3A_1446, %select_n3A_1301 : vector<16xi1>, vector<16xi32>
      %eq3A_1462 = arith.constant 3 : i32
      %eq3A_1463 = vector.broadcast %eq3A_1462 : i32 to vector<16xi32>
      %eq3A_1464 = arith.cmpi eq, %shift_right_logical3A_1360, %eq3A_1463 : vector<16xi32>
      %select_n3A_1465 = arith.select %eq3A_1464, %select_n3A_1445, %select_n3A_1305 : vector<16xi1>, vector<16xf32>
      %select_n3A_1466 = arith.select %eq3A_1464, %select_n3A_1446, %select_n3A_1306 : vector<16xi1>, vector<16xi32>
      %eq3A_1467 = arith.constant 4 : i32
      %eq3A_1468 = vector.broadcast %eq3A_1467 : i32 to vector<16xi32>
      %eq3A_1469 = arith.cmpi eq, %shift_right_logical3A_1360, %eq3A_1468 : vector<16xi32>
      %select_n3A_1470 = arith.select %eq3A_1469, %select_n3A_1445, %select_n3A_1310 : vector<16xi1>, vector<16xf32>
      %select_n3A_1471 = arith.select %eq3A_1469, %select_n3A_1446, %select_n3A_1311 : vector<16xi1>, vector<16xi32>
      %eq3A_1472 = arith.constant 5 : i32
      %eq3A_1473 = vector.broadcast %eq3A_1472 : i32 to vector<16xi32>
      %eq3A_1474 = arith.cmpi eq, %shift_right_logical3A_1360, %eq3A_1473 : vector<16xi32>
      %select_n3A_1475 = arith.select %eq3A_1474, %select_n3A_1445, %select_n3A_1315 : vector<16xi1>, vector<16xf32>
      %select_n3A_1476 = arith.select %eq3A_1474, %select_n3A_1446, %select_n3A_1316 : vector<16xi1>, vector<16xi32>
      %eq3A_1477 = arith.constant 6 : i32
      %eq3A_1478 = vector.broadcast %eq3A_1477 : i32 to vector<16xi32>
      %eq3A_1479 = arith.cmpi eq, %shift_right_logical3A_1360, %eq3A_1478 : vector<16xi32>
      %select_n3A_1480 = arith.select %eq3A_1479, %select_n3A_1445, %select_n3A_1320 : vector<16xi1>, vector<16xf32>
      %select_n3A_1481 = arith.select %eq3A_1479, %select_n3A_1446, %select_n3A_1321 : vector<16xi1>, vector<16xi32>
      %eq3A_1482 = arith.constant 7 : i32
      %eq3A_1483 = vector.broadcast %eq3A_1482 : i32 to vector<16xi32>
      %eq3A_1484 = arith.cmpi eq, %shift_right_logical3A_1360, %eq3A_1483 : vector<16xi32>
      %select_n3A_1485 = arith.select %eq3A_1484, %select_n3A_1445, %select_n3A_1325 : vector<16xi1>, vector<16xf32>
      %select_n3A_1486 = arith.select %eq3A_1484, %select_n3A_1446, %select_n3A_1326 : vector<16xi1>, vector<16xi32>
      %gt3A_1487 = arith.cmpf ogt, %select_n3A_1455, %select_n3A_1450 : vector<16xf32>
      %select_n3A_1488 = arith.select %gt3A_1487, %select_n3A_1455, %select_n3A_1450 : vector<16xi1>, vector<16xf32>
      %select_n3A_1489 = arith.select %gt3A_1487, %select_n3A_1456, %select_n3A_1451 : vector<16xi1>, vector<16xi32>
      %gt3A_1490 = arith.cmpf ogt, %select_n3A_1465, %select_n3A_1460 : vector<16xf32>
      %select_n3A_1491 = arith.select %gt3A_1490, %select_n3A_1465, %select_n3A_1460 : vector<16xi1>, vector<16xf32>
      %select_n3A_1492 = arith.select %gt3A_1490, %select_n3A_1466, %select_n3A_1461 : vector<16xi1>, vector<16xi32>
      %gt3A_1493 = arith.cmpf ogt, %select_n3A_1475, %select_n3A_1470 : vector<16xf32>
      %select_n3A_1494 = arith.select %gt3A_1493, %select_n3A_1475, %select_n3A_1470 : vector<16xi1>, vector<16xf32>
      %select_n3A_1495 = arith.select %gt3A_1493, %select_n3A_1476, %select_n3A_1471 : vector<16xi1>, vector<16xi32>
      %gt3A_1496 = arith.cmpf ogt, %select_n3A_1485, %select_n3A_1480 : vector<16xf32>
      %select_n3A_1497 = arith.select %gt3A_1496, %select_n3A_1485, %select_n3A_1480 : vector<16xi1>, vector<16xf32>
      %select_n3A_1498 = arith.select %gt3A_1496, %select_n3A_1486, %select_n3A_1481 : vector<16xi1>, vector<16xi32>
      %gt3A_1499 = arith.cmpf ogt, %select_n3A_1491, %select_n3A_1488 : vector<16xf32>
      %select_n3A_1500 = arith.select %gt3A_1499, %select_n3A_1491, %select_n3A_1488 : vector<16xi1>, vector<16xf32>
      %select_n3A_1501 = arith.select %gt3A_1499, %select_n3A_1492, %select_n3A_1489 : vector<16xi1>, vector<16xi32>
      %gt3A_1502 = arith.cmpf ogt, %select_n3A_1497, %select_n3A_1494 : vector<16xf32>
      %select_n3A_1503 = arith.select %gt3A_1502, %select_n3A_1497, %select_n3A_1494 : vector<16xi1>, vector<16xf32>
      %select_n3A_1504 = arith.select %gt3A_1502, %select_n3A_1498, %select_n3A_1495 : vector<16xi1>, vector<16xi32>
      %gt3A_1505 = arith.cmpf ogt, %select_n3A_1503, %select_n3A_1500 : vector<16xf32>
      %select_n3A_1506 = arith.select %gt3A_1505, %select_n3A_1503, %select_n3A_1500 : vector<16xi1>, vector<16xf32>
      %select_n3A_1507 = arith.select %gt3A_1505, %select_n3A_1504, %select_n3A_1501 : vector<16xi1>, vector<16xi32>
      %mul3A_1508 = arith.constant 512 : i32
      %mul3A_1509 = vector.broadcast %mul3A_1508 : i32 to vector<16xi32>
      %mul3A_1510 = arith.muli %select_n3A_1507, %mul3A_1509 : vector<16xi32>
      %add3A_1511 = vector.broadcast %mul3A_140 : i32 to vector<16xi32>
      %add3A_1512 = arith.addi %add3A_1511, %iota3A : vector<16xi32>
      %add3A_1513 = arith.addi %mul3A_1510, %add3A_1512 : vector<16xi32>
      tpu.vector_store_idx %arg6[%add3A_1513], %broadcast_in_dim3A_132 : memref<32768xf32, #tpu.memory_space<vmem>>[vector<16xi32>], vector<16xf32>,
      %mul3A_1514 = arith.constant 16 : i32
      %mul3A_1515 = vector.broadcast %mul3A_1514 : i32 to vector<16xi32>
      %mul3A_1516 = arith.muli %select_n3A_1507, %mul3A_1515 : vector<16xi32>
      %add3A_1517 = arith.addi %mul3A_1516, %iota3A : vector<16xi32>
      tpu.vector_store_idx %arg9[%add3A_1517], %broadcast_in_dim3A_130 {add = true} : memref<1024xf32, #tpu.memory_space<vmem>>[vector<16xi32>], vector<16xf32>,
      %shift_right_logical3A_1518 = arith.constant 3 : i32
      %shift_right_logical3A_1519 = vector.broadcast %shift_right_logical3A_1518 : i32 to vector<16xi32>
      %shift_right_logical3A_1520 = arith.shrui %select_n3A_1507, %shift_right_logical3A_1519 : vector<16xi32>
      %mul3A_1521 = arith.constant 8 : i32
      %mul3A_1522 = vector.broadcast %mul3A_1521 : i32 to vector<16xi32>
      %mul3A_1523 = arith.muli %shift_right_logical3A_1520, %mul3A_1522 : vector<16xi32>
      %mul3A_1524 = arith.constant 4096 : i32
      %mul3A_1525 = vector.broadcast %mul3A_1524 : i32 to vector<16xi32>
      %mul3A_1526 = arith.muli %shift_right_logical3A_1520, %mul3A_1525 : vector<16xi32>
      %add3A_1527 = vector.broadcast %mul3A_140 : i32 to vector<16xi32>
      %add3A_1528 = arith.addi %add3A_1527, %iota3A : vector<16xi32>
      %add3A_1529 = arith.addi %mul3A_1526, %add3A_1528 : vector<16xi32>
      %add3A_1530 = arith.constant 0 : i32
      %add3A_1531 = vector.broadcast %add3A_1530 : i32 to vector<16xi32>
      %add3A_1532 = arith.addi %add3A_1529, %add3A_1531 : vector<16xi32>
      %gather3A_1533 = tpu.vector_load_idx %arg6[%add3A_1532] : memref<32768xf32, #tpu.memory_space<vmem>>[vector<16xi32>], vector<16xf32>,
      %add3A_1534 = arith.constant 0 : i32
      %add3A_1535 = vector.broadcast %add3A_1534 : i32 to vector<16xi32>
      %add3A_1536 = arith.addi %mul3A_1523, %add3A_1535 : vector<16xi32>
      %add3A_1537 = arith.constant 512 : i32
      %add3A_1538 = vector.broadcast %add3A_1537 : i32 to vector<16xi32>
      %add3A_1539 = arith.addi %add3A_1529, %add3A_1538 : vector<16xi32>
      %gather3A_1540 = tpu.vector_load_idx %arg6[%add3A_1539] : memref<32768xf32, #tpu.memory_space<vmem>>[vector<16xi32>], vector<16xf32>,
      %add3A_1541 = arith.constant 1 : i32
      %add3A_1542 = vector.broadcast %add3A_1541 : i32 to vector<16xi32>
      %add3A_1543 = arith.addi %mul3A_1523, %add3A_1542 : vector<16xi32>
      %add3A_1544 = arith.constant 1024 : i32
      %add3A_1545 = vector.broadcast %add3A_1544 : i32 to vector<16xi32>
      %add3A_1546 = arith.addi %add3A_1529, %add3A_1545 : vector<16xi32>
      %gather3A_1547 = tpu.vector_load_idx %arg6[%add3A_1546] : memref<32768xf32, #tpu.memory_space<vmem>>[vector<16xi32>], vector<16xf32>,
      %add3A_1548 = arith.constant 2 : i32
      %add3A_1549 = vector.broadcast %add3A_1548 : i32 to vector<16xi32>
      %add3A_1550 = arith.addi %mul3A_1523, %add3A_1549 : vector<16xi32>
      %add3A_1551 = arith.constant 1536 : i32
      %add3A_1552 = vector.broadcast %add3A_1551 : i32 to vector<16xi32>
      %add3A_1553 = arith.addi %add3A_1529, %add3A_1552 : vector<16xi32>
      %gather3A_1554 = tpu.vector_load_idx %arg6[%add3A_1553] : memref<32768xf32, #tpu.memory_space<vmem>>[vector<16xi32>], vector<16xf32>,
      %add3A_1555 = arith.constant 3 : i32
      %add3A_1556 = vector.broadcast %add3A_1555 : i32 to vector<16xi32>
      %add3A_1557 = arith.addi %mul3A_1523, %add3A_1556 : vector<16xi32>
      %add3A_1558 = arith.constant 2048 : i32
      %add3A_1559 = vector.broadcast %add3A_1558 : i32 to vector<16xi32>
      %add3A_1560 = arith.addi %add3A_1529, %add3A_1559 : vector<16xi32>
      %gather3A_1561 = tpu.vector_load_idx %arg6[%add3A_1560] : memref<32768xf32, #tpu.memory_space<vmem>>[vector<16xi32>], vector<16xf32>,
      %add3A_1562 = arith.constant 4 : i32
      %add3A_1563 = vector.broadcast %add3A_1562 : i32 to vector<16xi32>
      %add3A_1564 = arith.addi %mul3A_1523, %add3A_1563 : vector<16xi32>
      %add3A_1565 = arith.constant 2560 : i32
      %add3A_1566 = vector.broadcast %add3A_1565 : i32 to vector<16xi32>
      %add3A_1567 = arith.addi %add3A_1529, %add3A_1566 : vector<16xi32>
      %gather3A_1568 = tpu.vector_load_idx %arg6[%add3A_1567] : memref<32768xf32, #tpu.memory_space<vmem>>[vector<16xi32>], vector<16xf32>,
      %add3A_1569 = arith.constant 5 : i32
      %add3A_1570 = vector.broadcast %add3A_1569 : i32 to vector<16xi32>
      %add3A_1571 = arith.addi %mul3A_1523, %add3A_1570 : vector<16xi32>
      %add3A_1572 = arith.constant 3072 : i32
      %add3A_1573 = vector.broadcast %add3A_1572 : i32 to vector<16xi32>
      %add3A_1574 = arith.addi %add3A_1529, %add3A_1573 : vector<16xi32>
      %gather3A_1575 = tpu.vector_load_idx %arg6[%add3A_1574] : memref<32768xf32, #tpu.memory_space<vmem>>[vector<16xi32>], vector<16xf32>,
      %add3A_1576 = arith.constant 6 : i32
      %add3A_1577 = vector.broadcast %add3A_1576 : i32 to vector<16xi32>
      %add3A_1578 = arith.addi %mul3A_1523, %add3A_1577 : vector<16xi32>
      %add3A_1579 = arith.constant 3584 : i32
      %add3A_1580 = vector.broadcast %add3A_1579 : i32 to vector<16xi32>
      %add3A_1581 = arith.addi %add3A_1529, %add3A_1580 : vector<16xi32>
      %gather3A_1582 = tpu.vector_load_idx %arg6[%add3A_1581] : memref<32768xf32, #tpu.memory_space<vmem>>[vector<16xi32>], vector<16xf32>,
      %add3A_1583 = arith.constant 7 : i32
      %add3A_1584 = vector.broadcast %add3A_1583 : i32 to vector<16xi32>
      %add3A_1585 = arith.addi %mul3A_1523, %add3A_1584 : vector<16xi32>
      %gt3A_1586 = arith.cmpf ogt, %gather3A_1540, %gather3A_1533 : vector<16xf32>
      %select_n3A_1587 = arith.select %gt3A_1586, %gather3A_1540, %gather3A_1533 : vector<16xi1>, vector<16xf32>
      %select_n3A_1588 = arith.select %gt3A_1586, %add3A_1543, %add3A_1536 : vector<16xi1>, vector<16xi32>
      %gt3A_1589 = arith.cmpf ogt, %gather3A_1554, %gather3A_1547 : vector<16xf32>
      %select_n3A_1590 = arith.select %gt3A_1589, %gather3A_1554, %gather3A_1547 : vector<16xi1>, vector<16xf32>
      %select_n3A_1591 = arith.select %gt3A_1589, %add3A_1557, %add3A_1550 : vector<16xi1>, vector<16xi32>
      %gt3A_1592 = arith.cmpf ogt, %gather3A_1568, %gather3A_1561 : vector<16xf32>
      %select_n3A_1593 = arith.select %gt3A_1592, %gather3A_1568, %gather3A_1561 : vector<16xi1>, vector<16xf32>
      %select_n3A_1594 = arith.select %gt3A_1592, %add3A_1571, %add3A_1564 : vector<16xi1>, vector<16xi32>
      %gt3A_1595 = arith.cmpf ogt, %gather3A_1582, %gather3A_1575 : vector<16xf32>
      %select_n3A_1596 = arith.select %gt3A_1595, %gather3A_1582, %gather3A_1575 : vector<16xi1>, vector<16xf32>
      %select_n3A_1597 = arith.select %gt3A_1595, %add3A_1585, %add3A_1578 : vector<16xi1>, vector<16xi32>
      %gt3A_1598 = arith.cmpf ogt, %select_n3A_1590, %select_n3A_1587 : vector<16xf32>
      %select_n3A_1599 = arith.select %gt3A_1598, %select_n3A_1590, %select_n3A_1587 : vector<16xi1>, vector<16xf32>
      %select_n3A_1600 = arith.select %gt3A_1598, %select_n3A_1591, %select_n3A_1588 : vector<16xi1>, vector<16xi32>
      %gt3A_1601 = arith.cmpf ogt, %select_n3A_1596, %select_n3A_1593 : vector<16xf32>
      %select_n3A_1602 = arith.select %gt3A_1601, %select_n3A_1596, %select_n3A_1593 : vector<16xi1>, vector<16xf32>
      %select_n3A_1603 = arith.select %gt3A_1601, %select_n3A_1597, %select_n3A_1594 : vector<16xi1>, vector<16xi32>
      %gt3A_1604 = arith.cmpf ogt, %select_n3A_1602, %select_n3A_1599 : vector<16xf32>
      %select_n3A_1605 = arith.select %gt3A_1604, %select_n3A_1602, %select_n3A_1599 : vector<16xi1>, vector<16xf32>
      %select_n3A_1606 = arith.select %gt3A_1604, %select_n3A_1603, %select_n3A_1600 : vector<16xi1>, vector<16xi32>
      %eq3A_1607 = arith.constant 0 : i32
      %eq3A_1608 = vector.broadcast %eq3A_1607 : i32 to vector<16xi32>
      %eq3A_1609 = arith.cmpi eq, %shift_right_logical3A_1520, %eq3A_1608 : vector<16xi32>
      %select_n3A_1610 = arith.select %eq3A_1609, %select_n3A_1605, %select_n3A_1450 : vector<16xi1>, vector<16xf32>
      %select_n3A_1611 = arith.select %eq3A_1609, %select_n3A_1606, %select_n3A_1451 : vector<16xi1>, vector<16xi32>
      %eq3A_1612 = arith.constant 1 : i32
      %eq3A_1613 = vector.broadcast %eq3A_1612 : i32 to vector<16xi32>
      %eq3A_1614 = arith.cmpi eq, %shift_right_logical3A_1520, %eq3A_1613 : vector<16xi32>
      %select_n3A_1615 = arith.select %eq3A_1614, %select_n3A_1605, %select_n3A_1455 : vector<16xi1>, vector<16xf32>
      %select_n3A_1616 = arith.select %eq3A_1614, %select_n3A_1606, %select_n3A_1456 : vector<16xi1>, vector<16xi32>
      %eq3A_1617 = arith.constant 2 : i32
      %eq3A_1618 = vector.broadcast %eq3A_1617 : i32 to vector<16xi32>
      %eq3A_1619 = arith.cmpi eq, %shift_right_logical3A_1520, %eq3A_1618 : vector<16xi32>
      %select_n3A_1620 = arith.select %eq3A_1619, %select_n3A_1605, %select_n3A_1460 : vector<16xi1>, vector<16xf32>
      %select_n3A_1621 = arith.select %eq3A_1619, %select_n3A_1606, %select_n3A_1461 : vector<16xi1>, vector<16xi32>
      %eq3A_1622 = arith.constant 3 : i32
      %eq3A_1623 = vector.broadcast %eq3A_1622 : i32 to vector<16xi32>
      %eq3A_1624 = arith.cmpi eq, %shift_right_logical3A_1520, %eq3A_1623 : vector<16xi32>
      %select_n3A_1625 = arith.select %eq3A_1624, %select_n3A_1605, %select_n3A_1465 : vector<16xi1>, vector<16xf32>
      %select_n3A_1626 = arith.select %eq3A_1624, %select_n3A_1606, %select_n3A_1466 : vector<16xi1>, vector<16xi32>
      %eq3A_1627 = arith.constant 4 : i32
      %eq3A_1628 = vector.broadcast %eq3A_1627 : i32 to vector<16xi32>
      %eq3A_1629 = arith.cmpi eq, %shift_right_logical3A_1520, %eq3A_1628 : vector<16xi32>
      %select_n3A_1630 = arith.select %eq3A_1629, %select_n3A_1605, %select_n3A_1470 : vector<16xi1>, vector<16xf32>
      %select_n3A_1631 = arith.select %eq3A_1629, %select_n3A_1606, %select_n3A_1471 : vector<16xi1>, vector<16xi32>
      %eq3A_1632 = arith.constant 5 : i32
      %eq3A_1633 = vector.broadcast %eq3A_1632 : i32 to vector<16xi32>
      %eq3A_1634 = arith.cmpi eq, %shift_right_logical3A_1520, %eq3A_1633 : vector<16xi32>
      %select_n3A_1635 = arith.select %eq3A_1634, %select_n3A_1605, %select_n3A_1475 : vector<16xi1>, vector<16xf32>
      %select_n3A_1636 = arith.select %eq3A_1634, %select_n3A_1606, %select_n3A_1476 : vector<16xi1>, vector<16xi32>
      %eq3A_1637 = arith.constant 6 : i32
      %eq3A_1638 = vector.broadcast %eq3A_1637 : i32 to vector<16xi32>
      %eq3A_1639 = arith.cmpi eq, %shift_right_logical3A_1520, %eq3A_1638 : vector<16xi32>
      %select_n3A_1640 = arith.select %eq3A_1639, %select_n3A_1605, %select_n3A_1480 : vector<16xi1>, vector<16xf32>
      %select_n3A_1641 = arith.select %eq3A_1639, %select_n3A_1606, %select_n3A_1481 : vector<16xi1>, vector<16xi32>
      %eq3A_1642 = arith.constant 7 : i32
      %eq3A_1643 = vector.broadcast %eq3A_1642 : i32 to vector<16xi32>
      %eq3A_1644 = arith.cmpi eq, %shift_right_logical3A_1520, %eq3A_1643 : vector<16xi32>
      %select_n3A_1645 = arith.select %eq3A_1644, %select_n3A_1605, %select_n3A_1485 : vector<16xi1>, vector<16xf32>
      %select_n3A_1646 = arith.select %eq3A_1644, %select_n3A_1606, %select_n3A_1486 : vector<16xi1>, vector<16xi32>
      %gt3A_1647 = arith.cmpf ogt, %select_n3A_1615, %select_n3A_1610 : vector<16xf32>
      %select_n3A_1648 = arith.select %gt3A_1647, %select_n3A_1615, %select_n3A_1610 : vector<16xi1>, vector<16xf32>
      %select_n3A_1649 = arith.select %gt3A_1647, %select_n3A_1616, %select_n3A_1611 : vector<16xi1>, vector<16xi32>
      %gt3A_1650 = arith.cmpf ogt, %select_n3A_1625, %select_n3A_1620 : vector<16xf32>
      %select_n3A_1651 = arith.select %gt3A_1650, %select_n3A_1625, %select_n3A_1620 : vector<16xi1>, vector<16xf32>
      %select_n3A_1652 = arith.select %gt3A_1650, %select_n3A_1626, %select_n3A_1621 : vector<16xi1>, vector<16xi32>
      %gt3A_1653 = arith.cmpf ogt, %select_n3A_1635, %select_n3A_1630 : vector<16xf32>
      %select_n3A_1654 = arith.select %gt3A_1653, %select_n3A_1635, %select_n3A_1630 : vector<16xi1>, vector<16xf32>
      %select_n3A_1655 = arith.select %gt3A_1653, %select_n3A_1636, %select_n3A_1631 : vector<16xi1>, vector<16xi32>
      %gt3A_1656 = arith.cmpf ogt, %select_n3A_1645, %select_n3A_1640 : vector<16xf32>
      %select_n3A_1657 = arith.select %gt3A_1656, %select_n3A_1645, %select_n3A_1640 : vector<16xi1>, vector<16xf32>
      %select_n3A_1658 = arith.select %gt3A_1656, %select_n3A_1646, %select_n3A_1641 : vector<16xi1>, vector<16xi32>
      %gt3A_1659 = arith.cmpf ogt, %select_n3A_1651, %select_n3A_1648 : vector<16xf32>
      %select_n3A_1660 = arith.select %gt3A_1659, %select_n3A_1651, %select_n3A_1648 : vector<16xi1>, vector<16xf32>
      %select_n3A_1661 = arith.select %gt3A_1659, %select_n3A_1652, %select_n3A_1649 : vector<16xi1>, vector<16xi32>
      %gt3A_1662 = arith.cmpf ogt, %select_n3A_1657, %select_n3A_1654 : vector<16xf32>
      %select_n3A_1663 = arith.select %gt3A_1662, %select_n3A_1657, %select_n3A_1654 : vector<16xi1>, vector<16xf32>
      %select_n3A_1664 = arith.select %gt3A_1662, %select_n3A_1658, %select_n3A_1655 : vector<16xi1>, vector<16xi32>
      %gt3A_1665 = arith.cmpf ogt, %select_n3A_1663, %select_n3A_1660 : vector<16xf32>
      %select_n3A_1666 = arith.select %gt3A_1665, %select_n3A_1663, %select_n3A_1660 : vector<16xi1>, vector<16xf32>
      %select_n3A_1667 = arith.select %gt3A_1665, %select_n3A_1664, %select_n3A_1661 : vector<16xi1>, vector<16xi32>
      %mul3A_1668 = arith.constant 512 : i32
      %mul3A_1669 = vector.broadcast %mul3A_1668 : i32 to vector<16xi32>
      %mul3A_1670 = arith.muli %select_n3A_1667, %mul3A_1669 : vector<16xi32>
      %add3A_1671 = vector.broadcast %mul3A_140 : i32 to vector<16xi32>
      %add3A_1672 = arith.addi %add3A_1671, %iota3A : vector<16xi32>
      %add3A_1673 = arith.addi %mul3A_1670, %add3A_1672 : vector<16xi32>
      tpu.vector_store_idx %arg6[%add3A_1673], %broadcast_in_dim3A_132 : memref<32768xf32, #tpu.memory_space<vmem>>[vector<16xi32>], vector<16xf32>,
      %mul3A_1674 = arith.constant 16 : i32
      %mul3A_1675 = vector.broadcast %mul3A_1674 : i32 to vector<16xi32>
      %mul3A_1676 = arith.muli %select_n3A_1667, %mul3A_1675 : vector<16xi32>
      %add3A_1677 = arith.addi %mul3A_1676, %iota3A : vector<16xi32>
      tpu.vector_store_idx %arg9[%add3A_1677], %broadcast_in_dim3A_130 {add = true} : memref<1024xf32, #tpu.memory_space<vmem>>[vector<16xi32>], vector<16xf32>,
      %shift_right_logical3A_1678 = arith.constant 3 : i32
      %shift_right_logical3A_1679 = vector.broadcast %shift_right_logical3A_1678 : i32 to vector<16xi32>
      %shift_right_logical3A_1680 = arith.shrui %select_n3A_1667, %shift_right_logical3A_1679 : vector<16xi32>
      %mul3A_1681 = arith.constant 8 : i32
      %mul3A_1682 = vector.broadcast %mul3A_1681 : i32 to vector<16xi32>
      %mul3A_1683 = arith.muli %shift_right_logical3A_1680, %mul3A_1682 : vector<16xi32>
      %mul3A_1684 = arith.constant 4096 : i32
      %mul3A_1685 = vector.broadcast %mul3A_1684 : i32 to vector<16xi32>
      %mul3A_1686 = arith.muli %shift_right_logical3A_1680, %mul3A_1685 : vector<16xi32>
      %add3A_1687 = vector.broadcast %mul3A_140 : i32 to vector<16xi32>
      %add3A_1688 = arith.addi %add3A_1687, %iota3A : vector<16xi32>
      %add3A_1689 = arith.addi %mul3A_1686, %add3A_1688 : vector<16xi32>
      %add3A_1690 = arith.constant 0 : i32
      %add3A_1691 = vector.broadcast %add3A_1690 : i32 to vector<16xi32>
      %add3A_1692 = arith.addi %add3A_1689, %add3A_1691 : vector<16xi32>
      %gather3A_1693 = tpu.vector_load_idx %arg6[%add3A_1692] : memref<32768xf32, #tpu.memory_space<vmem>>[vector<16xi32>], vector<16xf32>,
      %add3A_1694 = arith.constant 0 : i32
      %add3A_1695 = vector.broadcast %add3A_1694 : i32 to vector<16xi32>
      %add3A_1696 = arith.addi %mul3A_1683, %add3A_1695 : vector<16xi32>
      %add3A_1697 = arith.constant 512 : i32
      %add3A_1698 = vector.broadcast %add3A_1697 : i32 to vector<16xi32>
      %add3A_1699 = arith.addi %add3A_1689, %add3A_1698 : vector<16xi32>
      %gather3A_1700 = tpu.vector_load_idx %arg6[%add3A_1699] : memref<32768xf32, #tpu.memory_space<vmem>>[vector<16xi32>], vector<16xf32>,
      %add3A_1701 = arith.constant 1 : i32
      %add3A_1702 = vector.broadcast %add3A_1701 : i32 to vector<16xi32>
      %add3A_1703 = arith.addi %mul3A_1683, %add3A_1702 : vector<16xi32>
      %add3A_1704 = arith.constant 1024 : i32
      %add3A_1705 = vector.broadcast %add3A_1704 : i32 to vector<16xi32>
      %add3A_1706 = arith.addi %add3A_1689, %add3A_1705 : vector<16xi32>
      %gather3A_1707 = tpu.vector_load_idx %arg6[%add3A_1706] : memref<32768xf32, #tpu.memory_space<vmem>>[vector<16xi32>], vector<16xf32>,
      %add3A_1708 = arith.constant 2 : i32
      %add3A_1709 = vector.broadcast %add3A_1708 : i32 to vector<16xi32>
      %add3A_1710 = arith.addi %mul3A_1683, %add3A_1709 : vector<16xi32>
      %add3A_1711 = arith.constant 1536 : i32
      %add3A_1712 = vector.broadcast %add3A_1711 : i32 to vector<16xi32>
      %add3A_1713 = arith.addi %add3A_1689, %add3A_1712 : vector<16xi32>
      %gather3A_1714 = tpu.vector_load_idx %arg6[%add3A_1713] : memref<32768xf32, #tpu.memory_space<vmem>>[vector<16xi32>], vector<16xf32>,
      %add3A_1715 = arith.constant 3 : i32
      %add3A_1716 = vector.broadcast %add3A_1715 : i32 to vector<16xi32>
      %add3A_1717 = arith.addi %mul3A_1683, %add3A_1716 : vector<16xi32>
      %add3A_1718 = arith.constant 2048 : i32
      %add3A_1719 = vector.broadcast %add3A_1718 : i32 to vector<16xi32>
      %add3A_1720 = arith.addi %add3A_1689, %add3A_1719 : vector<16xi32>
      %gather3A_1721 = tpu.vector_load_idx %arg6[%add3A_1720] : memref<32768xf32, #tpu.memory_space<vmem>>[vector<16xi32>], vector<16xf32>,
      %add3A_1722 = arith.constant 4 : i32
      %add3A_1723 = vector.broadcast %add3A_1722 : i32 to vector<16xi32>
      %add3A_1724 = arith.addi %mul3A_1683, %add3A_1723 : vector<16xi32>
      %add3A_1725 = arith.constant 2560 : i32
      %add3A_1726 = vector.broadcast %add3A_1725 : i32 to vector<16xi32>
      %add3A_1727 = arith.addi %add3A_1689, %add3A_1726 : vector<16xi32>
      %gather3A_1728 = tpu.vector_load_idx %arg6[%add3A_1727] : memref<32768xf32, #tpu.memory_space<vmem>>[vector<16xi32>], vector<16xf32>,
      %add3A_1729 = arith.constant 5 : i32
      %add3A_1730 = vector.broadcast %add3A_1729 : i32 to vector<16xi32>
      %add3A_1731 = arith.addi %mul3A_1683, %add3A_1730 : vector<16xi32>
      %add3A_1732 = arith.constant 3072 : i32
      %add3A_1733 = vector.broadcast %add3A_1732 : i32 to vector<16xi32>
      %add3A_1734 = arith.addi %add3A_1689, %add3A_1733 : vector<16xi32>
      %gather3A_1735 = tpu.vector_load_idx %arg6[%add3A_1734] : memref<32768xf32, #tpu.memory_space<vmem>>[vector<16xi32>], vector<16xf32>,
      %add3A_1736 = arith.constant 6 : i32
      %add3A_1737 = vector.broadcast %add3A_1736 : i32 to vector<16xi32>
      %add3A_1738 = arith.addi %mul3A_1683, %add3A_1737 : vector<16xi32>
      %add3A_1739 = arith.constant 3584 : i32
      %add3A_1740 = vector.broadcast %add3A_1739 : i32 to vector<16xi32>
      %add3A_1741 = arith.addi %add3A_1689, %add3A_1740 : vector<16xi32>
      %gather3A_1742 = tpu.vector_load_idx %arg6[%add3A_1741] : memref<32768xf32, #tpu.memory_space<vmem>>[vector<16xi32>], vector<16xf32>,
      %add3A_1743 = arith.constant 7 : i32
      %add3A_1744 = vector.broadcast %add3A_1743 : i32 to vector<16xi32>
      %add3A_1745 = arith.addi %mul3A_1683, %add3A_1744 : vector<16xi32>
      %gt3A_1746 = arith.cmpf ogt, %gather3A_1700, %gather3A_1693 : vector<16xf32>
      %select_n3A_1747 = arith.select %gt3A_1746, %gather3A_1700, %gather3A_1693 : vector<16xi1>, vector<16xf32>
      %select_n3A_1748 = arith.select %gt3A_1746, %add3A_1703, %add3A_1696 : vector<16xi1>, vector<16xi32>
      %gt3A_1749 = arith.cmpf ogt, %gather3A_1714, %gather3A_1707 : vector<16xf32>
      %select_n3A_1750 = arith.select %gt3A_1749, %gather3A_1714, %gather3A_1707 : vector<16xi1>, vector<16xf32>
      %select_n3A_1751 = arith.select %gt3A_1749, %add3A_1717, %add3A_1710 : vector<16xi1>, vector<16xi32>
      %gt3A_1752 = arith.cmpf ogt, %gather3A_1728, %gather3A_1721 : vector<16xf32>
      %select_n3A_1753 = arith.select %gt3A_1752, %gather3A_1728, %gather3A_1721 : vector<16xi1>, vector<16xf32>
      %select_n3A_1754 = arith.select %gt3A_1752, %add3A_1731, %add3A_1724 : vector<16xi1>, vector<16xi32>
      %gt3A_1755 = arith.cmpf ogt, %gather3A_1742, %gather3A_1735 : vector<16xf32>
      %select_n3A_1756 = arith.select %gt3A_1755, %gather3A_1742, %gather3A_1735 : vector<16xi1>, vector<16xf32>
      %select_n3A_1757 = arith.select %gt3A_1755, %add3A_1745, %add3A_1738 : vector<16xi1>, vector<16xi32>
      %gt3A_1758 = arith.cmpf ogt, %select_n3A_1750, %select_n3A_1747 : vector<16xf32>
      %select_n3A_1759 = arith.select %gt3A_1758, %select_n3A_1750, %select_n3A_1747 : vector<16xi1>, vector<16xf32>
      %select_n3A_1760 = arith.select %gt3A_1758, %select_n3A_1751, %select_n3A_1748 : vector<16xi1>, vector<16xi32>
      %gt3A_1761 = arith.cmpf ogt, %select_n3A_1756, %select_n3A_1753 : vector<16xf32>
      %select_n3A_1762 = arith.select %gt3A_1761, %select_n3A_1756, %select_n3A_1753 : vector<16xi1>, vector<16xf32>
      %select_n3A_1763 = arith.select %gt3A_1761, %select_n3A_1757, %select_n3A_1754 : vector<16xi1>, vector<16xi32>
      %gt3A_1764 = arith.cmpf ogt, %select_n3A_1762, %select_n3A_1759 : vector<16xf32>
      %select_n3A_1765 = arith.select %gt3A_1764, %select_n3A_1762, %select_n3A_1759 : vector<16xi1>, vector<16xf32>
      %select_n3A_1766 = arith.select %gt3A_1764, %select_n3A_1763, %select_n3A_1760 : vector<16xi1>, vector<16xi32>
      %eq3A_1767 = arith.constant 0 : i32
      %eq3A_1768 = vector.broadcast %eq3A_1767 : i32 to vector<16xi32>
      %eq3A_1769 = arith.cmpi eq, %shift_right_logical3A_1680, %eq3A_1768 : vector<16xi32>
      %select_n3A_1770 = arith.select %eq3A_1769, %select_n3A_1765, %select_n3A_1610 : vector<16xi1>, vector<16xf32>
      %select_n3A_1771 = arith.select %eq3A_1769, %select_n3A_1766, %select_n3A_1611 : vector<16xi1>, vector<16xi32>
      %eq3A_1772 = arith.constant 1 : i32
      %eq3A_1773 = vector.broadcast %eq3A_1772 : i32 to vector<16xi32>
      %eq3A_1774 = arith.cmpi eq, %shift_right_logical3A_1680, %eq3A_1773 : vector<16xi32>
      %select_n3A_1775 = arith.select %eq3A_1774, %select_n3A_1765, %select_n3A_1615 : vector<16xi1>, vector<16xf32>
      %select_n3A_1776 = arith.select %eq3A_1774, %select_n3A_1766, %select_n3A_1616 : vector<16xi1>, vector<16xi32>
      %eq3A_1777 = arith.constant 2 : i32
      %eq3A_1778 = vector.broadcast %eq3A_1777 : i32 to vector<16xi32>
      %eq3A_1779 = arith.cmpi eq, %shift_right_logical3A_1680, %eq3A_1778 : vector<16xi32>
      %select_n3A_1780 = arith.select %eq3A_1779, %select_n3A_1765, %select_n3A_1620 : vector<16xi1>, vector<16xf32>
      %select_n3A_1781 = arith.select %eq3A_1779, %select_n3A_1766, %select_n3A_1621 : vector<16xi1>, vector<16xi32>
      %eq3A_1782 = arith.constant 3 : i32
      %eq3A_1783 = vector.broadcast %eq3A_1782 : i32 to vector<16xi32>
      %eq3A_1784 = arith.cmpi eq, %shift_right_logical3A_1680, %eq3A_1783 : vector<16xi32>
      %select_n3A_1785 = arith.select %eq3A_1784, %select_n3A_1765, %select_n3A_1625 : vector<16xi1>, vector<16xf32>
      %select_n3A_1786 = arith.select %eq3A_1784, %select_n3A_1766, %select_n3A_1626 : vector<16xi1>, vector<16xi32>
      %eq3A_1787 = arith.constant 4 : i32
      %eq3A_1788 = vector.broadcast %eq3A_1787 : i32 to vector<16xi32>
      %eq3A_1789 = arith.cmpi eq, %shift_right_logical3A_1680, %eq3A_1788 : vector<16xi32>
      %select_n3A_1790 = arith.select %eq3A_1789, %select_n3A_1765, %select_n3A_1630 : vector<16xi1>, vector<16xf32>
      %select_n3A_1791 = arith.select %eq3A_1789, %select_n3A_1766, %select_n3A_1631 : vector<16xi1>, vector<16xi32>
      %eq3A_1792 = arith.constant 5 : i32
      %eq3A_1793 = vector.broadcast %eq3A_1792 : i32 to vector<16xi32>
      %eq3A_1794 = arith.cmpi eq, %shift_right_logical3A_1680, %eq3A_1793 : vector<16xi32>
      %select_n3A_1795 = arith.select %eq3A_1794, %select_n3A_1765, %select_n3A_1635 : vector<16xi1>, vector<16xf32>
      %select_n3A_1796 = arith.select %eq3A_1794, %select_n3A_1766, %select_n3A_1636 : vector<16xi1>, vector<16xi32>
      %eq3A_1797 = arith.constant 6 : i32
      %eq3A_1798 = vector.broadcast %eq3A_1797 : i32 to vector<16xi32>
      %eq3A_1799 = arith.cmpi eq, %shift_right_logical3A_1680, %eq3A_1798 : vector<16xi32>
      %select_n3A_1800 = arith.select %eq3A_1799, %select_n3A_1765, %select_n3A_1640 : vector<16xi1>, vector<16xf32>
      %select_n3A_1801 = arith.select %eq3A_1799, %select_n3A_1766, %select_n3A_1641 : vector<16xi1>, vector<16xi32>
      %eq3A_1802 = arith.constant 7 : i32
      %eq3A_1803 = vector.broadcast %eq3A_1802 : i32 to vector<16xi32>
      %eq3A_1804 = arith.cmpi eq, %shift_right_logical3A_1680, %eq3A_1803 : vector<16xi32>
      %select_n3A_1805 = arith.select %eq3A_1804, %select_n3A_1765, %select_n3A_1645 : vector<16xi1>, vector<16xf32>
      %select_n3A_1806 = arith.select %eq3A_1804, %select_n3A_1766, %select_n3A_1646 : vector<16xi1>, vector<16xi32>
      %gt3A_1807 = arith.cmpf ogt, %select_n3A_1775, %select_n3A_1770 : vector<16xf32>
      %select_n3A_1808 = arith.select %gt3A_1807, %select_n3A_1775, %select_n3A_1770 : vector<16xi1>, vector<16xf32>
      %select_n3A_1809 = arith.select %gt3A_1807, %select_n3A_1776, %select_n3A_1771 : vector<16xi1>, vector<16xi32>
      %gt3A_1810 = arith.cmpf ogt, %select_n3A_1785, %select_n3A_1780 : vector<16xf32>
      %select_n3A_1811 = arith.select %gt3A_1810, %select_n3A_1785, %select_n3A_1780 : vector<16xi1>, vector<16xf32>
      %select_n3A_1812 = arith.select %gt3A_1810, %select_n3A_1786, %select_n3A_1781 : vector<16xi1>, vector<16xi32>
      %gt3A_1813 = arith.cmpf ogt, %select_n3A_1795, %select_n3A_1790 : vector<16xf32>
      %select_n3A_1814 = arith.select %gt3A_1813, %select_n3A_1795, %select_n3A_1790 : vector<16xi1>, vector<16xf32>
      %select_n3A_1815 = arith.select %gt3A_1813, %select_n3A_1796, %select_n3A_1791 : vector<16xi1>, vector<16xi32>
      %gt3A_1816 = arith.cmpf ogt, %select_n3A_1805, %select_n3A_1800 : vector<16xf32>
      %select_n3A_1817 = arith.select %gt3A_1816, %select_n3A_1805, %select_n3A_1800 : vector<16xi1>, vector<16xf32>
      %select_n3A_1818 = arith.select %gt3A_1816, %select_n3A_1806, %select_n3A_1801 : vector<16xi1>, vector<16xi32>
      %gt3A_1819 = arith.cmpf ogt, %select_n3A_1811, %select_n3A_1808 : vector<16xf32>
      %select_n3A_1820 = arith.select %gt3A_1819, %select_n3A_1811, %select_n3A_1808 : vector<16xi1>, vector<16xf32>
      %select_n3A_1821 = arith.select %gt3A_1819, %select_n3A_1812, %select_n3A_1809 : vector<16xi1>, vector<16xi32>
      %gt3A_1822 = arith.cmpf ogt, %select_n3A_1817, %select_n3A_1814 : vector<16xf32>
      %select_n3A_1823 = arith.select %gt3A_1822, %select_n3A_1817, %select_n3A_1814 : vector<16xi1>, vector<16xf32>
      %select_n3A_1824 = arith.select %gt3A_1822, %select_n3A_1818, %select_n3A_1815 : vector<16xi1>, vector<16xi32>
      %gt3A_1825 = arith.cmpf ogt, %select_n3A_1823, %select_n3A_1820 : vector<16xf32>
      %select_n3A_1826 = arith.select %gt3A_1825, %select_n3A_1823, %select_n3A_1820 : vector<16xi1>, vector<16xf32>
      %select_n3A_1827 = arith.select %gt3A_1825, %select_n3A_1824, %select_n3A_1821 : vector<16xi1>, vector<16xi32>
      %mul3A_1828 = arith.constant 512 : i32
      %mul3A_1829 = vector.broadcast %mul3A_1828 : i32 to vector<16xi32>
      %mul3A_1830 = arith.muli %select_n3A_1827, %mul3A_1829 : vector<16xi32>
      %add3A_1831 = vector.broadcast %mul3A_140 : i32 to vector<16xi32>
      %add3A_1832 = arith.addi %add3A_1831, %iota3A : vector<16xi32>
      %add3A_1833 = arith.addi %mul3A_1830, %add3A_1832 : vector<16xi32>
      tpu.vector_store_idx %arg6[%add3A_1833], %broadcast_in_dim3A_132 : memref<32768xf32, #tpu.memory_space<vmem>>[vector<16xi32>], vector<16xf32>,
      %mul3A_1834 = arith.constant 16 : i32
      %mul3A_1835 = vector.broadcast %mul3A_1834 : i32 to vector<16xi32>
      %mul3A_1836 = arith.muli %select_n3A_1827, %mul3A_1835 : vector<16xi32>
      %add3A_1837 = arith.addi %mul3A_1836, %iota3A : vector<16xi32>
      tpu.vector_store_idx %arg9[%add3A_1837], %broadcast_in_dim3A_130 {add = true} : memref<1024xf32, #tpu.memory_space<vmem>>[vector<16xi32>], vector<16xf32>,
      %neg3A = arith.constant 0.000000e+00 : f32
      %neg3A_1838 = vector.broadcast %neg3A : f32 to vector<16xf32>
      %neg3A_1839 = arith.subf %neg3A_1838, %select_n3A_709 : vector<16xf32>
      %exp3A = math.exp %neg3A_1839 : vector<16xf32>
      %add3A_1840 = arith.constant 1.000000e+00 : f32
      %add3A_1841 = vector.broadcast %add3A_1840 : f32 to vector<16xf32>
      %add3A_1842 = arith.addf %add3A_1841, %exp3A : vector<16xf32>
      %div3A = arith.constant 1.000000e+00 : f32
      %div3A_1843 = vector.broadcast %div3A : f32 to vector<16xf32>
      %div3A_1844 = arith.divf %div3A_1843, %add3A_1842 : vector<16xf32>
      %neg3A_1845 = arith.constant 0.000000e+00 : f32
      %neg3A_1846 = vector.broadcast %neg3A_1845 : f32 to vector<16xf32>
      %neg3A_1847 = arith.subf %neg3A_1846, %select_n3A_866 : vector<16xf32>
      %exp3A_1848 = math.exp %neg3A_1847 : vector<16xf32>
      %add3A_1849 = arith.constant 1.000000e+00 : f32
      %add3A_1850 = vector.broadcast %add3A_1849 : f32 to vector<16xf32>
      %add3A_1851 = arith.addf %add3A_1850, %exp3A_1848 : vector<16xf32>
      %div3A_1852 = arith.constant 1.000000e+00 : f32
      %div3A_1853 = vector.broadcast %div3A_1852 : f32 to vector<16xf32>
      %div3A_1854 = arith.divf %div3A_1853, %add3A_1851 : vector<16xf32>
      %neg3A_1855 = arith.constant 0.000000e+00 : f32
      %neg3A_1856 = vector.broadcast %neg3A_1855 : f32 to vector<16xf32>
      %neg3A_1857 = arith.subf %neg3A_1856, %select_n3A_1026 : vector<16xf32>
      %exp3A_1858 = math.exp %neg3A_1857 : vector<16xf32>
      %add3A_1859 = arith.constant 1.000000e+00 : f32
      %add3A_1860 = vector.broadcast %add3A_1859 : f32 to vector<16xf32>
      %add3A_1861 = arith.addf %add3A_1860, %exp3A_1858 : vector<16xf32>
      %div3A_1862 = arith.constant 1.000000e+00 : f32
      %div3A_1863 = vector.broadcast %div3A_1862 : f32 to vector<16xf32>
      %div3A_1864 = arith.divf %div3A_1863, %add3A_1861 : vector<16xf32>
      %neg3A_1865 = arith.constant 0.000000e+00 : f32
      %neg3A_1866 = vector.broadcast %neg3A_1865 : f32 to vector<16xf32>
      %neg3A_1867 = arith.subf %neg3A_1866, %select_n3A_1186 : vector<16xf32>
      %exp3A_1868 = math.exp %neg3A_1867 : vector<16xf32>
      %add3A_1869 = arith.constant 1.000000e+00 : f32
      %add3A_1870 = vector.broadcast %add3A_1869 : f32 to vector<16xf32>
      %add3A_1871 = arith.addf %add3A_1870, %exp3A_1868 : vector<16xf32>
      %div3A_1872 = arith.constant 1.000000e+00 : f32
      %div3A_1873 = vector.broadcast %div3A_1872 : f32 to vector<16xf32>
      %div3A_1874 = arith.divf %div3A_1873, %add3A_1871 : vector<16xf32>
      %neg3A_1875 = arith.constant 0.000000e+00 : f32
      %neg3A_1876 = vector.broadcast %neg3A_1875 : f32 to vector<16xf32>
      %neg3A_1877 = arith.subf %neg3A_1876, %select_n3A_1346 : vector<16xf32>
      %exp3A_1878 = math.exp %neg3A_1877 : vector<16xf32>
      %add3A_1879 = arith.constant 1.000000e+00 : f32
      %add3A_1880 = vector.broadcast %add3A_1879 : f32 to vector<16xf32>
      %add3A_1881 = arith.addf %add3A_1880, %exp3A_1878 : vector<16xf32>
      %div3A_1882 = arith.constant 1.000000e+00 : f32
      %div3A_1883 = vector.broadcast %div3A_1882 : f32 to vector<16xf32>
      %div3A_1884 = arith.divf %div3A_1883, %add3A_1881 : vector<16xf32>
      %neg3A_1885 = arith.constant 0.000000e+00 : f32
      %neg3A_1886 = vector.broadcast %neg3A_1885 : f32 to vector<16xf32>
      %neg3A_1887 = arith.subf %neg3A_1886, %select_n3A_1506 : vector<16xf32>
      %exp3A_1888 = math.exp %neg3A_1887 : vector<16xf32>
      %add3A_1889 = arith.constant 1.000000e+00 : f32
      %add3A_1890 = vector.broadcast %add3A_1889 : f32 to vector<16xf32>
      %add3A_1891 = arith.addf %add3A_1890, %exp3A_1888 : vector<16xf32>
      %div3A_1892 = arith.constant 1.000000e+00 : f32
      %div3A_1893 = vector.broadcast %div3A_1892 : f32 to vector<16xf32>
      %div3A_1894 = arith.divf %div3A_1893, %add3A_1891 : vector<16xf32>
      %neg3A_1895 = arith.constant 0.000000e+00 : f32
      %neg3A_1896 = vector.broadcast %neg3A_1895 : f32 to vector<16xf32>
      %neg3A_1897 = arith.subf %neg3A_1896, %select_n3A_1666 : vector<16xf32>
      %exp3A_1898 = math.exp %neg3A_1897 : vector<16xf32>
      %add3A_1899 = arith.constant 1.000000e+00 : f32
      %add3A_1900 = vector.broadcast %add3A_1899 : f32 to vector<16xf32>
      %add3A_1901 = arith.addf %add3A_1900, %exp3A_1898 : vector<16xf32>
      %div3A_1902 = arith.constant 1.000000e+00 : f32
      %div3A_1903 = vector.broadcast %div3A_1902 : f32 to vector<16xf32>
      %div3A_1904 = arith.divf %div3A_1903, %add3A_1901 : vector<16xf32>
      %neg3A_1905 = arith.constant 0.000000e+00 : f32
      %neg3A_1906 = vector.broadcast %neg3A_1905 : f32 to vector<16xf32>
      %neg3A_1907 = arith.subf %neg3A_1906, %select_n3A_1826 : vector<16xf32>
      %exp3A_1908 = math.exp %neg3A_1907 : vector<16xf32>
      %add3A_1909 = arith.constant 1.000000e+00 : f32
      %add3A_1910 = vector.broadcast %add3A_1909 : f32 to vector<16xf32>
      %add3A_1911 = arith.addf %add3A_1910, %exp3A_1908 : vector<16xf32>
      %div3A_1912 = arith.constant 1.000000e+00 : f32
      %div3A_1913 = vector.broadcast %div3A_1912 : f32 to vector<16xf32>
      %div3A_1914 = arith.divf %div3A_1913, %add3A_1911 : vector<16xf32>
      %add3A_1915 = arith.addf %div3A_1844, %div3A_1854 : vector<16xf32>
      %add3A_1916 = arith.addf %add3A_1915, %div3A_1864 : vector<16xf32>
      %add3A_1917 = arith.addf %add3A_1916, %div3A_1874 : vector<16xf32>
      %add3A_1918 = arith.addf %add3A_1917, %div3A_1884 : vector<16xf32>
      %add3A_1919 = arith.addf %add3A_1918, %div3A_1894 : vector<16xf32>
      %add3A_1920 = arith.addf %add3A_1919, %div3A_1904 : vector<16xf32>
      %add3A_1921 = arith.addf %add3A_1920, %div3A_1914 : vector<16xf32>
      %max3A = arith.constant 9.99999971E-10 : f32
      %max3A_1922 = vector.broadcast %max3A : f32 to vector<16xf32>
      %max3A_1923 = arith.maximumf %add3A_1921, %max3A_1922 : vector<16xf32>
      %div3A_1924 = arith.constant 1.000000e+00 : f32
      %div3A_1925 = vector.broadcast %div3A_1924 : f32 to vector<16xf32>
      %div3A_1926 = arith.divf %div3A_1925, %max3A_1923 : vector<16xf32>
      %add3A_1927 = arith.constant 0 : i32
      %add3A_1928 = arith.addi %add3A_1927, %mul3A_140 : i32
      %swap3A_1929 = arith.index_cast %add3A_1928 : i32 to index
      %swap3A_1930 = tpu.vector_load %arg7[%swap3A_1929] {strides = array<i32>} : memref<4096xi32, #tpu.memory_space<vmem>>, vector<16xi32>,
      tpu.vector_store %arg7[%swap3A_1929], %select_n3A_710 {strides = array<i32>} : memref<4096xi32, #tpu.memory_space<vmem>>, vector<16xi32>,
      %mul3A_1931 = arith.mulf %div3A_1844, %div3A_1926 : vector<16xf32>
      %add3A_1932 = arith.constant 0 : i32
      %add3A_1933 = arith.addi %add3A_1932, %mul3A_140 : i32
      %swap3A_1934 = arith.index_cast %add3A_1933 : i32 to index
      %swap3A_1935 = tpu.vector_load %arg8[%swap3A_1934] {strides = array<i32>} : memref<4096xf32, #tpu.memory_space<vmem>>, vector<16xf32>,
      tpu.vector_store %arg8[%swap3A_1934], %mul3A_1931 {strides = array<i32>} : memref<4096xf32, #tpu.memory_space<vmem>>, vector<16xf32>,
      %add3A_1936 = arith.constant 512 : i32
      %add3A_1937 = arith.addi %add3A_1936, %mul3A_140 : i32
      %swap3A_1938 = arith.index_cast %add3A_1937 : i32 to index
      %swap3A_1939 = tpu.vector_load %arg7[%swap3A_1938] {strides = array<i32>} : memref<4096xi32, #tpu.memory_space<vmem>>, vector<16xi32>,
      tpu.vector_store %arg7[%swap3A_1938], %select_n3A_867 {strides = array<i32>} : memref<4096xi32, #tpu.memory_space<vmem>>, vector<16xi32>,
      %mul3A_1940 = arith.mulf %div3A_1854, %div3A_1926 : vector<16xf32>
      %add3A_1941 = arith.constant 512 : i32
      %add3A_1942 = arith.addi %add3A_1941, %mul3A_140 : i32
      %swap3A_1943 = arith.index_cast %add3A_1942 : i32 to index
      %swap3A_1944 = tpu.vector_load %arg8[%swap3A_1943] {strides = array<i32>} : memref<4096xf32, #tpu.memory_space<vmem>>, vector<16xf32>,
      tpu.vector_store %arg8[%swap3A_1943], %mul3A_1940 {strides = array<i32>} : memref<4096xf32, #tpu.memory_space<vmem>>, vector<16xf32>,
      %add3A_1945 = arith.constant 1024 : i32
      %add3A_1946 = arith.addi %add3A_1945, %mul3A_140 : i32
      %swap3A_1947 = arith.index_cast %add3A_1946 : i32 to index
      %swap3A_1948 = tpu.vector_load %arg7[%swap3A_1947] {strides = array<i32>} : memref<4096xi32, #tpu.memory_space<vmem>>, vector<16xi32>,
      tpu.vector_store %arg7[%swap3A_1947], %select_n3A_1027 {strides = array<i32>} : memref<4096xi32, #tpu.memory_space<vmem>>, vector<16xi32>,
      %mul3A_1949 = arith.mulf %div3A_1864, %div3A_1926 : vector<16xf32>
      %add3A_1950 = arith.constant 1024 : i32
      %add3A_1951 = arith.addi %add3A_1950, %mul3A_140 : i32
      %swap3A_1952 = arith.index_cast %add3A_1951 : i32 to index
      %swap3A_1953 = tpu.vector_load %arg8[%swap3A_1952] {strides = array<i32>} : memref<4096xf32, #tpu.memory_space<vmem>>, vector<16xf32>,
      tpu.vector_store %arg8[%swap3A_1952], %mul3A_1949 {strides = array<i32>} : memref<4096xf32, #tpu.memory_space<vmem>>, vector<16xf32>,
      %add3A_1954 = arith.constant 1536 : i32
      %add3A_1955 = arith.addi %add3A_1954, %mul3A_140 : i32
      %swap3A_1956 = arith.index_cast %add3A_1955 : i32 to index
      %swap3A_1957 = tpu.vector_load %arg7[%swap3A_1956] {strides = array<i32>} : memref<4096xi32, #tpu.memory_space<vmem>>, vector<16xi32>,
      tpu.vector_store %arg7[%swap3A_1956], %select_n3A_1187 {strides = array<i32>} : memref<4096xi32, #tpu.memory_space<vmem>>, vector<16xi32>,
      %mul3A_1958 = arith.mulf %div3A_1874, %div3A_1926 : vector<16xf32>
      %add3A_1959 = arith.constant 1536 : i32
      %add3A_1960 = arith.addi %add3A_1959, %mul3A_140 : i32
      %swap3A_1961 = arith.index_cast %add3A_1960 : i32 to index
      %swap3A_1962 = tpu.vector_load %arg8[%swap3A_1961] {strides = array<i32>} : memref<4096xf32, #tpu.memory_space<vmem>>, vector<16xf32>,
      tpu.vector_store %arg8[%swap3A_1961], %mul3A_1958 {strides = array<i32>} : memref<4096xf32, #tpu.memory_space<vmem>>, vector<16xf32>,
      %add3A_1963 = arith.constant 2048 : i32
      %add3A_1964 = arith.addi %add3A_1963, %mul3A_140 : i32
      %swap3A_1965 = arith.index_cast %add3A_1964 : i32 to index
      %swap3A_1966 = tpu.vector_load %arg7[%swap3A_1965] {strides = array<i32>} : memref<4096xi32, #tpu.memory_space<vmem>>, vector<16xi32>,
      tpu.vector_store %arg7[%swap3A_1965], %select_n3A_1347 {strides = array<i32>} : memref<4096xi32, #tpu.memory_space<vmem>>, vector<16xi32>,
      %mul3A_1967 = arith.mulf %div3A_1884, %div3A_1926 : vector<16xf32>
      %add3A_1968 = arith.constant 2048 : i32
      %add3A_1969 = arith.addi %add3A_1968, %mul3A_140 : i32
      %swap3A_1970 = arith.index_cast %add3A_1969 : i32 to index
      %swap3A_1971 = tpu.vector_load %arg8[%swap3A_1970] {strides = array<i32>} : memref<4096xf32, #tpu.memory_space<vmem>>, vector<16xf32>,
      tpu.vector_store %arg8[%swap3A_1970], %mul3A_1967 {strides = array<i32>} : memref<4096xf32, #tpu.memory_space<vmem>>, vector<16xf32>,
      %add3A_1972 = arith.constant 2560 : i32
      %add3A_1973 = arith.addi %add3A_1972, %mul3A_140 : i32
      %swap3A_1974 = arith.index_cast %add3A_1973 : i32 to index
      %swap3A_1975 = tpu.vector_load %arg7[%swap3A_1974] {strides = array<i32>} : memref<4096xi32, #tpu.memory_space<vmem>>, vector<16xi32>,
      tpu.vector_store %arg7[%swap3A_1974], %select_n3A_1507 {strides = array<i32>} : memref<4096xi32, #tpu.memory_space<vmem>>, vector<16xi32>,
      %mul3A_1976 = arith.mulf %div3A_1894, %div3A_1926 : vector<16xf32>
      %add3A_1977 = arith.constant 2560 : i32
      %add3A_1978 = arith.addi %add3A_1977, %mul3A_140 : i32
      %swap3A_1979 = arith.index_cast %add3A_1978 : i32 to index
      %swap3A_1980 = tpu.vector_load %arg8[%swap3A_1979] {strides = array<i32>} : memref<4096xf32, #tpu.memory_space<vmem>>, vector<16xf32>,
      tpu.vector_store %arg8[%swap3A_1979], %mul3A_1976 {strides = array<i32>} : memref<4096xf32, #tpu.memory_space<vmem>>, vector<16xf32>,
      %add3A_1981 = arith.constant 3072 : i32
      %add3A_1982 = arith.addi %add3A_1981, %mul3A_140 : i32
      %swap3A_1983 = arith.index_cast %add3A_1982 : i32 to index
      %swap3A_1984 = tpu.vector_load %arg7[%swap3A_1983] {strides = array<i32>} : memref<4096xi32, #tpu.memory_space<vmem>>, vector<16xi32>,
      tpu.vector_store %arg7[%swap3A_1983], %select_n3A_1667 {strides = array<i32>} : memref<4096xi32, #tpu.memory_space<vmem>>, vector<16xi32>,
      %mul3A_1985 = arith.mulf %div3A_1904, %div3A_1926 : vector<16xf32>
      %add3A_1986 = arith.constant 3072 : i32
      %add3A_1987 = arith.addi %add3A_1986, %mul3A_140 : i32
      %swap3A_1988 = arith.index_cast %add3A_1987 : i32 to index
      %swap3A_1989 = tpu.vector_load %arg8[%swap3A_1988] {strides = array<i32>} : memref<4096xf32, #tpu.memory_space<vmem>>, vector<16xf32>,
      tpu.vector_store %arg8[%swap3A_1988], %mul3A_1985 {strides = array<i32>} : memref<4096xf32, #tpu.memory_space<vmem>>, vector<16xf32>,
      %add3A_1990 = arith.constant 3584 : i32
      %add3A_1991 = arith.addi %add3A_1990, %mul3A_140 : i32
      %swap3A_1992 = arith.index_cast %add3A_1991 : i32 to index
      %swap3A_1993 = tpu.vector_load %arg7[%swap3A_1992] {strides = array<i32>} : memref<4096xi32, #tpu.memory_space<vmem>>, vector<16xi32>,
      tpu.vector_store %arg7[%swap3A_1992], %select_n3A_1827 {strides = array<i32>} : memref<4096xi32, #tpu.memory_space<vmem>>, vector<16xi32>,
      %mul3A_1994 = arith.mulf %div3A_1914, %div3A_1926 : vector<16xf32>
      %add3A_1995 = arith.constant 3584 : i32
      %add3A_1996 = arith.addi %add3A_1995, %mul3A_140 : i32
      %swap3A_1997 = arith.index_cast %add3A_1996 : i32 to index
      %swap3A_1998 = tpu.vector_load %arg8[%swap3A_1997] {strides = array<i32>} : memref<4096xf32, #tpu.memory_space<vmem>>, vector<16xf32>,
      tpu.vector_store %arg8[%swap3A_1997], %mul3A_1994 {strides = array<i32>} : memref<4096xf32, #tpu.memory_space<vmem>>, vector<16xf32>,
    }
    %scan3A_137 = arith.constant 32 : i32
    "tpu.region"() ({
      %run_scoped3A = tpu.sem_alloc : memref<!tpu.dma_semaphore, #tpu.memory_space<semaphore_mem>>
      %dma_start3A = arith.constant 0 : i32
      %dma_start3A_138 = tpu.memref_slice %arg3[%add3A, %dma_start3A] : memref<32x4096xi32, #tpu.memory_space<hbm>> -> memref<1x4096xi32, #tpu.memory_space<hbm>>
      %dma_start3A_139 = tpu.memref_squeeze %dma_start3A_138 : memref<1x4096xi32, #tpu.memory_space<hbm>> -> memref<4096xi32, #tpu.memory_space<hbm>>
      %dma_start3A_140 = arith.constant 0 : i32
      %dma_start3A_141 = tpu.memref_slice %arg3[%add3A, %dma_start3A_140] : memref<32x4096xi32, #tpu.memory_space<hbm>> -> memref<1x4096xi32, #tpu.memory_space<hbm>>
      %dma_start3A_142 = tpu.memref_squeeze %dma_start3A_141 : memref<1x4096xi32, #tpu.memory_space<hbm>> -> memref<4096xi32, #tpu.memory_space<hbm>>
      tpu.enqueue_dma source(%arg7 : memref<4096xi32, #tpu.memory_space<vmem>>) target(%dma_start3A_142 : memref<4096xi32, #tpu.memory_space<hbm>>) target_semaphore(%run_scoped3A : memref<!tpu.dma_semaphore, #tpu.memory_space<semaphore_mem>>)
      %dma_wait3A = arith.constant 0 : i32
      %dma_wait3A_143 = tpu.memref_slice %arg3[%add3A, %dma_wait3A] : memref<32x4096xi32, #tpu.memory_space<hbm>> -> memref<1x4096xi32, #tpu.memory_space<hbm>>
      %dma_wait3A_144 = tpu.memref_squeeze %dma_wait3A_143 : memref<1x4096xi32, #tpu.memory_space<hbm>> -> memref<4096xi32, #tpu.memory_space<hbm>>
      %dma_wait3A_145 = arith.constant 0 : i32
      %dma_wait3A_146 = tpu.memref_slice %arg3[%add3A, %dma_wait3A_145] : memref<32x4096xi32, #tpu.memory_space<hbm>> -> memref<1x4096xi32, #tpu.memory_space<hbm>>
      %dma_wait3A_147 = tpu.memref_squeeze %dma_wait3A_146 : memref<1x4096xi32, #tpu.memory_space<hbm>> -> memref<4096xi32, #tpu.memory_space<hbm>>
      tpu.wait_dma2 semaphore(%run_scoped3A : memref<!tpu.dma_semaphore, #tpu.memory_space<semaphore_mem>>) src(%arg7 : memref<4096xi32, #tpu.memory_space<vmem>>) dst(%dma_wait3A_147 : memref<4096xi32, #tpu.memory_space<hbm>>)
      tpu.yield
    }) : () -> ()
    "tpu.region"() ({
      %run_scoped3A = tpu.sem_alloc : memref<!tpu.dma_semaphore, #tpu.memory_space<semaphore_mem>>
      %dma_start3A = arith.constant 0 : i32
      %dma_start3A_138 = tpu.memref_slice %arg4[%add3A, %dma_start3A] : memref<32x4096xf32, #tpu.memory_space<hbm>> -> memref<1x4096xf32, #tpu.memory_space<hbm>>
      %dma_start3A_139 = tpu.memref_squeeze %dma_start3A_138 : memref<1x4096xf32, #tpu.memory_space<hbm>> -> memref<4096xf32, #tpu.memory_space<hbm>>
      %dma_start3A_140 = arith.constant 0 : i32
      %dma_start3A_141 = tpu.memref_slice %arg4[%add3A, %dma_start3A_140] : memref<32x4096xf32, #tpu.memory_space<hbm>> -> memref<1x4096xf32, #tpu.memory_space<hbm>>
      %dma_start3A_142 = tpu.memref_squeeze %dma_start3A_141 : memref<1x4096xf32, #tpu.memory_space<hbm>> -> memref<4096xf32, #tpu.memory_space<hbm>>
      tpu.enqueue_dma source(%arg8 : memref<4096xf32, #tpu.memory_space<vmem>>) target(%dma_start3A_142 : memref<4096xf32, #tpu.memory_space<hbm>>) target_semaphore(%run_scoped3A : memref<!tpu.dma_semaphore, #tpu.memory_space<semaphore_mem>>)
      %dma_wait3A = arith.constant 0 : i32
      %dma_wait3A_143 = tpu.memref_slice %arg4[%add3A, %dma_wait3A] : memref<32x4096xf32, #tpu.memory_space<hbm>> -> memref<1x4096xf32, #tpu.memory_space<hbm>>
      %dma_wait3A_144 = tpu.memref_squeeze %dma_wait3A_143 : memref<1x4096xf32, #tpu.memory_space<hbm>> -> memref<4096xf32, #tpu.memory_space<hbm>>
      %dma_wait3A_145 = arith.constant 0 : i32
      %dma_wait3A_146 = tpu.memref_slice %arg4[%add3A, %dma_wait3A_145] : memref<32x4096xf32, #tpu.memory_space<hbm>> -> memref<1x4096xf32, #tpu.memory_space<hbm>>
      %dma_wait3A_147 = tpu.memref_squeeze %dma_wait3A_146 : memref<1x4096xf32, #tpu.memory_space<hbm>> -> memref<4096xf32, #tpu.memory_space<hbm>>
      tpu.wait_dma2 semaphore(%run_scoped3A : memref<!tpu.dma_semaphore, #tpu.memory_space<semaphore_mem>>) src(%arg8 : memref<4096xf32, #tpu.memory_space<vmem>>) dst(%dma_wait3A_147 : memref<4096xf32, #tpu.memory_space<hbm>>)
      tpu.yield
    }) : () -> ()
    "tpu.region"() ({
      %run_scoped3A = tpu.sem_alloc : memref<!tpu.dma_semaphore, #tpu.memory_space<semaphore_mem>>
      %dma_start3A = arith.constant 0 : i32
      %dma_start3A_138 = tpu.memref_slice %arg5[%add3A, %dma_start3A] : memref<32x1024xf32, #tpu.memory_space<hbm>> -> memref<1x1024xf32, #tpu.memory_space<hbm>>
      %dma_start3A_139 = tpu.memref_squeeze %dma_start3A_138 : memref<1x1024xf32, #tpu.memory_space<hbm>> -> memref<1024xf32, #tpu.memory_space<hbm>>
      %dma_start3A_140 = arith.constant 0 : i32
      %dma_start3A_141 = tpu.memref_slice %arg5[%add3A, %dma_start3A_140] : memref<32x1024xf32, #tpu.memory_space<hbm>> -> memref<1x1024xf32, #tpu.memory_space<hbm>>
      %dma_start3A_142 = tpu.memref_squeeze %dma_start3A_141 : memref<1x1024xf32, #tpu.memory_space<hbm>> -> memref<1024xf32, #tpu.memory_space<hbm>>
      tpu.enqueue_dma source(%arg9 : memref<1024xf32, #tpu.memory_space<vmem>>) target(%dma_start3A_142 : memref<1024xf32, #tpu.memory_space<hbm>>) target_semaphore(%run_scoped3A : memref<!tpu.dma_semaphore, #tpu.memory_space<semaphore_mem>>)
      %dma_wait3A = arith.constant 0 : i32
      %dma_wait3A_143 = tpu.memref_slice %arg5[%add3A, %dma_wait3A] : memref<32x1024xf32, #tpu.memory_space<hbm>> -> memref<1x1024xf32, #tpu.memory_space<hbm>>
      %dma_wait3A_144 = tpu.memref_squeeze %dma_wait3A_143 : memref<1x1024xf32, #tpu.memory_space<hbm>> -> memref<1024xf32, #tpu.memory_space<hbm>>
      %dma_wait3A_145 = arith.constant 0 : i32
      %dma_wait3A_146 = tpu.memref_slice %arg5[%add3A, %dma_wait3A_145] : memref<32x1024xf32, #tpu.memory_space<hbm>> -> memref<1x1024xf32, #tpu.memory_space<hbm>>
      %dma_wait3A_147 = tpu.memref_squeeze %dma_wait3A_146 : memref<1x1024xf32, #tpu.memory_space<hbm>> -> memref<1024xf32, #tpu.memory_space<hbm>>
      tpu.wait_dma2 semaphore(%run_scoped3A : memref<!tpu.dma_semaphore, #tpu.memory_space<semaphore_mem>>) src(%arg9 : memref<1024xf32, #tpu.memory_space<vmem>>) dst(%dma_wait3A_147 : memref<1024xf32, #tpu.memory_space<hbm>>)
      tpu.yield
    }) : () -> ()
    return
  }
}

module attributes {stable_mosaic.version = 14 : i64} {
  func.func @_logits_body(%arg0: i32, %arg1: memref<512x4096xf32, #tpu.memory_space<vmem>>, %arg2: memref<4096x64xf32, #tpu.memory_space<vmem>>, %arg3: memref<1x64x512xf32, #tpu.memory_space<vmem>>, %arg4: memref<64x512xf32, #tpu.memory_space<vmem>>) attributes {dimension_semantics = [#tpu.dimension_semantics<arbitrary>], iteration_bounds = array<i64: 32>, scalar_prefetch = 0 : i64, scratch_operands = 0 : i64, tpu.core_type = #tpu.core_type<tc>, window_params = [{transform_indices = @transform_0, window_bounds = array<i64: 512, 4096>}, {pipeline_mode = #tpu.pipeline_mode<synchronous>, transform_indices = @transform_1, window_bounds = array<i64: 4096, 64>}, {transform_indices = @transform_2, window_bounds = array<i64: 1, 64, 512>}, {pipeline_mode = #tpu.pipeline_mode<synchronous>, transform_indices = @transform_3, window_bounds = array<i64: 64, 512>}]} {
    %get3A = arith.constant 0 : index
    %get3A_0 = arith.constant 0 : index
    %get3A_1 = vector.load %arg1[%get3A, %get3A_0] : memref<512x4096xf32, #tpu.memory_space<vmem>>, vector<512x4096xf32>
    %get3A_2 = arith.constant 0 : index
    %get3A_3 = arith.constant 0 : index
    %get3A_4 = vector.load %arg2[%get3A_2, %get3A_3] : memref<4096x64xf32, #tpu.memory_space<vmem>>, vector<4096x64xf32>
    %dot_general3A = arith.constant dense<0.000000e+00> : vector<512x64xf32>
    %dot_general3A_5 = tpu.matmul %get3A_1, %get3A_4, %dot_general3A {dimension_numbers = #tpu.dot_dimension_numbers<[1], [0], [0], [1], [0, 0, 1, 1], [], []>, transpose_lhs_hint = false} : vector<512x4096xf32>, vector<4096x64xf32>, vector<512x64xf32> -> vector<512x64xf32>
    %transpose3A = tpu.transpose %dot_general3A_5, [1, 0] : vector<512x64xf32> -> vector<64x512xf32>
    %slice3A = vector.extract_strided_slice %transpose3A {offsets = [0, 0], sizes = [8, 512], strides = [1, 1]} : vector<64x512xf32> to vector<8x512xf32>
    %reduce_max3A = arith.constant dense<0xFF800000> : vector<512xf32>
    %reduce_max3A_6 = vector.multi_reduction <maximumf>, %slice3A, %reduce_max3A [0] : vector<8x512xf32> to vector<512xf32>
    %broadcast_in_dim3A = vector.shape_cast %reduce_max3A_6 : vector<512xf32> to vector<1x512xf32>
    %slice3A_7 = vector.extract_strided_slice %transpose3A {offsets = [8, 0], sizes = [8, 512], strides = [1, 1]} : vector<64x512xf32> to vector<8x512xf32>
    %reduce_max3A_8 = arith.constant dense<0xFF800000> : vector<512xf32>
    %reduce_max3A_9 = vector.multi_reduction <maximumf>, %slice3A_7, %reduce_max3A_8 [0] : vector<8x512xf32> to vector<512xf32>
    %broadcast_in_dim3A_10 = vector.shape_cast %reduce_max3A_9 : vector<512xf32> to vector<1x512xf32>
    %slice3A_11 = vector.extract_strided_slice %transpose3A {offsets = [16, 0], sizes = [8, 512], strides = [1, 1]} : vector<64x512xf32> to vector<8x512xf32>
    %reduce_max3A_12 = arith.constant dense<0xFF800000> : vector<512xf32>
    %reduce_max3A_13 = vector.multi_reduction <maximumf>, %slice3A_11, %reduce_max3A_12 [0] : vector<8x512xf32> to vector<512xf32>
    %broadcast_in_dim3A_14 = vector.shape_cast %reduce_max3A_13 : vector<512xf32> to vector<1x512xf32>
    %slice3A_15 = vector.extract_strided_slice %transpose3A {offsets = [24, 0], sizes = [8, 512], strides = [1, 1]} : vector<64x512xf32> to vector<8x512xf32>
    %reduce_max3A_16 = arith.constant dense<0xFF800000> : vector<512xf32>
    %reduce_max3A_17 = vector.multi_reduction <maximumf>, %slice3A_15, %reduce_max3A_16 [0] : vector<8x512xf32> to vector<512xf32>
    %broadcast_in_dim3A_18 = vector.shape_cast %reduce_max3A_17 : vector<512xf32> to vector<1x512xf32>
    %slice3A_19 = vector.extract_strided_slice %transpose3A {offsets = [32, 0], sizes = [8, 512], strides = [1, 1]} : vector<64x512xf32> to vector<8x512xf32>
    %reduce_max3A_20 = arith.constant dense<0xFF800000> : vector<512xf32>
    %reduce_max3A_21 = vector.multi_reduction <maximumf>, %slice3A_19, %reduce_max3A_20 [0] : vector<8x512xf32> to vector<512xf32>
    %broadcast_in_dim3A_22 = vector.shape_cast %reduce_max3A_21 : vector<512xf32> to vector<1x512xf32>
    %slice3A_23 = vector.extract_strided_slice %transpose3A {offsets = [40, 0], sizes = [8, 512], strides = [1, 1]} : vector<64x512xf32> to vector<8x512xf32>
    %reduce_max3A_24 = arith.constant dense<0xFF800000> : vector<512xf32>
    %reduce_max3A_25 = vector.multi_reduction <maximumf>, %slice3A_23, %reduce_max3A_24 [0] : vector<8x512xf32> to vector<512xf32>
    %broadcast_in_dim3A_26 = vector.shape_cast %reduce_max3A_25 : vector<512xf32> to vector<1x512xf32>
    %slice3A_27 = vector.extract_strided_slice %transpose3A {offsets = [48, 0], sizes = [8, 512], strides = [1, 1]} : vector<64x512xf32> to vector<8x512xf32>
    %reduce_max3A_28 = arith.constant dense<0xFF800000> : vector<512xf32>
    %reduce_max3A_29 = vector.multi_reduction <maximumf>, %slice3A_27, %reduce_max3A_28 [0] : vector<8x512xf32> to vector<512xf32>
    %broadcast_in_dim3A_30 = vector.shape_cast %reduce_max3A_29 : vector<512xf32> to vector<1x512xf32>
    %slice3A_31 = vector.extract_strided_slice %transpose3A {offsets = [56, 0], sizes = [8, 512], strides = [1, 1]} : vector<64x512xf32> to vector<8x512xf32>
    %reduce_max3A_32 = arith.constant dense<0xFF800000> : vector<512xf32>
    %reduce_max3A_33 = vector.multi_reduction <maximumf>, %slice3A_31, %reduce_max3A_32 [0] : vector<8x512xf32> to vector<512xf32>
    %broadcast_in_dim3A_34 = vector.shape_cast %reduce_max3A_33 : vector<512xf32> to vector<1x512xf32>
    %concatenate3A = tpu.concatenate %broadcast_in_dim3A, %broadcast_in_dim3A_10, %broadcast_in_dim3A_14, %broadcast_in_dim3A_18, %broadcast_in_dim3A_22, %broadcast_in_dim3A_26, %broadcast_in_dim3A_30, %broadcast_in_dim3A_34 in 0 : vector<1x512xf32>, vector<1x512xf32>, vector<1x512xf32>, vector<1x512xf32>, vector<1x512xf32>, vector<1x512xf32>, vector<1x512xf32>, vector<1x512xf32> -> vector<8x512xf32>
    %iota3A = tpu.iota {dimensions = array<i32: 0>} : vector<8x512xi32>
    %broadcast_in_dim3A_35 = arith.constant false
    %broadcast_in_dim3A_36 = vector.broadcast %broadcast_in_dim3A_35 : i1 to vector<8x512xi1>
    %reduce_max3A_37 = arith.constant dense<0xFF800000> : vector<512xf32>
    %reduce_max3A_38 = vector.multi_reduction <maximumf>, %concatenate3A, %reduce_max3A_37 [0] : vector<8x512xf32> to vector<512xf32>
    %broadcast_in_dim3A_39 = vector.shape_cast %reduce_max3A_38 : vector<512xf32> to vector<1x512xf32>
    %eq3A = vector.broadcast %broadcast_in_dim3A_39 : vector<1x512xf32> to vector<8x512xf32>
    %eq3A_40 = arith.cmpf oeq, %concatenate3A, %eq3A : vector<8x512xf32>
    %jit3A = arith.constant 8 : i32
    %broadcast_in_dim3A_41 = vector.broadcast %jit3A : i32 to vector<8x512xi32>
    %select_n3A = arith.select %eq3A_40, %iota3A, %broadcast_in_dim3A_41 : vector<8x512xi1>, vector<8x512xi32>
    %reduce_min3A = arith.constant dense<2147483647> : vector<512xi32>
    %reduce_min3A_42 = vector.multi_reduction <minsi>, %select_n3A, %reduce_min3A [0] : vector<8x512xi32> to vector<512xi32>
    %broadcast_in_dim3A_43 = vector.shape_cast %reduce_min3A_42 : vector<512xi32> to vector<1x512xi32>
    %eq3A_44 = vector.broadcast %broadcast_in_dim3A_43 : vector<1x512xi32> to vector<8x512xi32>
    %eq3A_45 = arith.cmpi eq, %iota3A, %eq3A_44 : vector<8x512xi32>
    %or3A = arith.ori %broadcast_in_dim3A_36, %eq3A_45 : vector<8x512xi1>
    %jit3A_46 = arith.constant -3.000000e+38 : f32
    %broadcast_in_dim3A_47 = vector.broadcast %jit3A_46 : f32 to vector<8x512xf32>
    %select_n3A_48 = arith.select %eq3A_45, %broadcast_in_dim3A_47, %concatenate3A : vector<8x512xi1>, vector<8x512xf32>
    %reduce_max3A_49 = arith.constant dense<0xFF800000> : vector<512xf32>
    %reduce_max3A_50 = vector.multi_reduction <maximumf>, %select_n3A_48, %reduce_max3A_49 [0] : vector<8x512xf32> to vector<512xf32>
    %broadcast_in_dim3A_51 = vector.shape_cast %reduce_max3A_50 : vector<512xf32> to vector<1x512xf32>
    %eq3A_52 = vector.broadcast %broadcast_in_dim3A_51 : vector<1x512xf32> to vector<8x512xf32>
    %eq3A_53 = arith.cmpf oeq, %select_n3A_48, %eq3A_52 : vector<8x512xf32>
    %jit3A_54 = arith.constant 8 : i32
    %broadcast_in_dim3A_55 = vector.broadcast %jit3A_54 : i32 to vector<8x512xi32>
    %select_n3A_56 = arith.select %eq3A_53, %iota3A, %broadcast_in_dim3A_55 : vector<8x512xi1>, vector<8x512xi32>
    %reduce_min3A_57 = arith.constant dense<2147483647> : vector<512xi32>
    %reduce_min3A_58 = vector.multi_reduction <minsi>, %select_n3A_56, %reduce_min3A_57 [0] : vector<8x512xi32> to vector<512xi32>
    %broadcast_in_dim3A_59 = vector.shape_cast %reduce_min3A_58 : vector<512xi32> to vector<1x512xi32>
    %eq3A_60 = vector.broadcast %broadcast_in_dim3A_59 : vector<1x512xi32> to vector<8x512xi32>
    %eq3A_61 = arith.cmpi eq, %iota3A, %eq3A_60 : vector<8x512xi32>
    %or3A_62 = arith.ori %or3A, %eq3A_61 : vector<8x512xi1>
    %jit3A_63 = arith.constant -3.000000e+38 : f32
    %broadcast_in_dim3A_64 = vector.broadcast %jit3A_63 : f32 to vector<8x512xf32>
    %select_n3A_65 = arith.select %eq3A_61, %broadcast_in_dim3A_64, %select_n3A_48 : vector<8x512xi1>, vector<8x512xf32>
    %reduce_max3A_66 = arith.constant dense<0xFF800000> : vector<512xf32>
    %reduce_max3A_67 = vector.multi_reduction <maximumf>, %select_n3A_65, %reduce_max3A_66 [0] : vector<8x512xf32> to vector<512xf32>
    %broadcast_in_dim3A_68 = vector.shape_cast %reduce_max3A_67 : vector<512xf32> to vector<1x512xf32>
    %eq3A_69 = vector.broadcast %broadcast_in_dim3A_68 : vector<1x512xf32> to vector<8x512xf32>
    %eq3A_70 = arith.cmpf oeq, %select_n3A_65, %eq3A_69 : vector<8x512xf32>
    %jit3A_71 = arith.constant 8 : i32
    %broadcast_in_dim3A_72 = vector.broadcast %jit3A_71 : i32 to vector<8x512xi32>
    %select_n3A_73 = arith.select %eq3A_70, %iota3A, %broadcast_in_dim3A_72 : vector<8x512xi1>, vector<8x512xi32>
    %reduce_min3A_74 = arith.constant dense<2147483647> : vector<512xi32>
    %reduce_min3A_75 = vector.multi_reduction <minsi>, %select_n3A_73, %reduce_min3A_74 [0] : vector<8x512xi32> to vector<512xi32>
    %broadcast_in_dim3A_76 = vector.shape_cast %reduce_min3A_75 : vector<512xi32> to vector<1x512xi32>
    %eq3A_77 = vector.broadcast %broadcast_in_dim3A_76 : vector<1x512xi32> to vector<8x512xi32>
    %eq3A_78 = arith.cmpi eq, %iota3A, %eq3A_77 : vector<8x512xi32>
    %or3A_79 = arith.ori %or3A_62, %eq3A_78 : vector<8x512xi1>
    %jit3A_80 = arith.constant -3.000000e+38 : f32
    %broadcast_in_dim3A_81 = vector.broadcast %jit3A_80 : f32 to vector<8x512xf32>
    %select_n3A_82 = arith.select %eq3A_78, %broadcast_in_dim3A_81, %select_n3A_65 : vector<8x512xi1>, vector<8x512xf32>
    %reduce_max3A_83 = arith.constant dense<0xFF800000> : vector<512xf32>
    %reduce_max3A_84 = vector.multi_reduction <maximumf>, %select_n3A_82, %reduce_max3A_83 [0] : vector<8x512xf32> to vector<512xf32>
    %broadcast_in_dim3A_85 = vector.shape_cast %reduce_max3A_84 : vector<512xf32> to vector<1x512xf32>
    %eq3A_86 = vector.broadcast %broadcast_in_dim3A_85 : vector<1x512xf32> to vector<8x512xf32>
    %eq3A_87 = arith.cmpf oeq, %select_n3A_82, %eq3A_86 : vector<8x512xf32>
    %jit3A_88 = arith.constant 8 : i32
    %broadcast_in_dim3A_89 = vector.broadcast %jit3A_88 : i32 to vector<8x512xi32>
    %select_n3A_90 = arith.select %eq3A_87, %iota3A, %broadcast_in_dim3A_89 : vector<8x512xi1>, vector<8x512xi32>
    %reduce_min3A_91 = arith.constant dense<2147483647> : vector<512xi32>
    %reduce_min3A_92 = vector.multi_reduction <minsi>, %select_n3A_90, %reduce_min3A_91 [0] : vector<8x512xi32> to vector<512xi32>
    %broadcast_in_dim3A_93 = vector.shape_cast %reduce_min3A_92 : vector<512xi32> to vector<1x512xi32>
    %eq3A_94 = vector.broadcast %broadcast_in_dim3A_93 : vector<1x512xi32> to vector<8x512xi32>
    %eq3A_95 = arith.cmpi eq, %iota3A, %eq3A_94 : vector<8x512xi32>
    %or3A_96 = arith.ori %or3A_79, %eq3A_95 : vector<8x512xi1>
    %slice3A_97 = vector.extract_strided_slice %or3A_96 {offsets = [0, 0], sizes = [1, 512], strides = [1, 1]} : vector<8x512xi1> to vector<1x512xi1>
    %slice3A_98 = vector.extract_strided_slice %transpose3A {offsets = [0, 0], sizes = [8, 512], strides = [1, 1]} : vector<64x512xf32> to vector<8x512xf32>
    %jit3A_99 = arith.constant -1.000000e+30 : f32
    %broadcast_in_dim3A_100 = vector.shape_cast %slice3A_97 : vector<1x512xi1> to vector<1x512xi1>
    %broadcast_in_dim3A_101 = vector.broadcast %broadcast_in_dim3A_100 : vector<1x512xi1> to vector<8x512xi1>
    %broadcast_in_dim3A_102 = vector.broadcast %jit3A_99 : f32 to vector<8x512xf32>
    %select_n3A_103 = arith.select %broadcast_in_dim3A_101, %slice3A_98, %broadcast_in_dim3A_102 : vector<8x512xi1>, vector<8x512xf32>
    %slice3A_104 = vector.extract_strided_slice %or3A_96 {offsets = [1, 0], sizes = [1, 512], strides = [1, 1]} : vector<8x512xi1> to vector<1x512xi1>
    %slice3A_105 = vector.extract_strided_slice %transpose3A {offsets = [8, 0], sizes = [8, 512], strides = [1, 1]} : vector<64x512xf32> to vector<8x512xf32>
    %jit3A_106 = arith.constant -1.000000e+30 : f32
    %broadcast_in_dim3A_107 = vector.shape_cast %slice3A_104 : vector<1x512xi1> to vector<1x512xi1>
    %broadcast_in_dim3A_108 = vector.broadcast %broadcast_in_dim3A_107 : vector<1x512xi1> to vector<8x512xi1>
    %broadcast_in_dim3A_109 = vector.broadcast %jit3A_106 : f32 to vector<8x512xf32>
    %select_n3A_110 = arith.select %broadcast_in_dim3A_108, %slice3A_105, %broadcast_in_dim3A_109 : vector<8x512xi1>, vector<8x512xf32>
    %slice3A_111 = vector.extract_strided_slice %or3A_96 {offsets = [2, 0], sizes = [1, 512], strides = [1, 1]} : vector<8x512xi1> to vector<1x512xi1>
    %slice3A_112 = vector.extract_strided_slice %transpose3A {offsets = [16, 0], sizes = [8, 512], strides = [1, 1]} : vector<64x512xf32> to vector<8x512xf32>
    %jit3A_113 = arith.constant -1.000000e+30 : f32
    %broadcast_in_dim3A_114 = vector.shape_cast %slice3A_111 : vector<1x512xi1> to vector<1x512xi1>
    %broadcast_in_dim3A_115 = vector.broadcast %broadcast_in_dim3A_114 : vector<1x512xi1> to vector<8x512xi1>
    %broadcast_in_dim3A_116 = vector.broadcast %jit3A_113 : f32 to vector<8x512xf32>
    %select_n3A_117 = arith.select %broadcast_in_dim3A_115, %slice3A_112, %broadcast_in_dim3A_116 : vector<8x512xi1>, vector<8x512xf32>
    %slice3A_118 = vector.extract_strided_slice %or3A_96 {offsets = [3, 0], sizes = [1, 512], strides = [1, 1]} : vector<8x512xi1> to vector<1x512xi1>
    %slice3A_119 = vector.extract_strided_slice %transpose3A {offsets = [24, 0], sizes = [8, 512], strides = [1, 1]} : vector<64x512xf32> to vector<8x512xf32>
    %jit3A_120 = arith.constant -1.000000e+30 : f32
    %broadcast_in_dim3A_121 = vector.shape_cast %slice3A_118 : vector<1x512xi1> to vector<1x512xi1>
    %broadcast_in_dim3A_122 = vector.broadcast %broadcast_in_dim3A_121 : vector<1x512xi1> to vector<8x512xi1>
    %broadcast_in_dim3A_123 = vector.broadcast %jit3A_120 : f32 to vector<8x512xf32>
    %select_n3A_124 = arith.select %broadcast_in_dim3A_122, %slice3A_119, %broadcast_in_dim3A_123 : vector<8x512xi1>, vector<8x512xf32>
    %slice3A_125 = vector.extract_strided_slice %or3A_96 {offsets = [4, 0], sizes = [1, 512], strides = [1, 1]} : vector<8x512xi1> to vector<1x512xi1>
    %slice3A_126 = vector.extract_strided_slice %transpose3A {offsets = [32, 0], sizes = [8, 512], strides = [1, 1]} : vector<64x512xf32> to vector<8x512xf32>
    %jit3A_127 = arith.constant -1.000000e+30 : f32
    %broadcast_in_dim3A_128 = vector.shape_cast %slice3A_125 : vector<1x512xi1> to vector<1x512xi1>
    %broadcast_in_dim3A_129 = vector.broadcast %broadcast_in_dim3A_128 : vector<1x512xi1> to vector<8x512xi1>
    %broadcast_in_dim3A_130 = vector.broadcast %jit3A_127 : f32 to vector<8x512xf32>
    %select_n3A_131 = arith.select %broadcast_in_dim3A_129, %slice3A_126, %broadcast_in_dim3A_130 : vector<8x512xi1>, vector<8x512xf32>
    %slice3A_132 = vector.extract_strided_slice %or3A_96 {offsets = [5, 0], sizes = [1, 512], strides = [1, 1]} : vector<8x512xi1> to vector<1x512xi1>
    %slice3A_133 = vector.extract_strided_slice %transpose3A {offsets = [40, 0], sizes = [8, 512], strides = [1, 1]} : vector<64x512xf32> to vector<8x512xf32>
    %jit3A_134 = arith.constant -1.000000e+30 : f32
    %broadcast_in_dim3A_135 = vector.shape_cast %slice3A_132 : vector<1x512xi1> to vector<1x512xi1>
    %broadcast_in_dim3A_136 = vector.broadcast %broadcast_in_dim3A_135 : vector<1x512xi1> to vector<8x512xi1>
    %broadcast_in_dim3A_137 = vector.broadcast %jit3A_134 : f32 to vector<8x512xf32>
    %select_n3A_138 = arith.select %broadcast_in_dim3A_136, %slice3A_133, %broadcast_in_dim3A_137 : vector<8x512xi1>, vector<8x512xf32>
    %slice3A_139 = vector.extract_strided_slice %or3A_96 {offsets = [6, 0], sizes = [1, 512], strides = [1, 1]} : vector<8x512xi1> to vector<1x512xi1>
    %slice3A_140 = vector.extract_strided_slice %transpose3A {offsets = [48, 0], sizes = [8, 512], strides = [1, 1]} : vector<64x512xf32> to vector<8x512xf32>
    %jit3A_141 = arith.constant -1.000000e+30 : f32
    %broadcast_in_dim3A_142 = vector.shape_cast %slice3A_139 : vector<1x512xi1> to vector<1x512xi1>
    %broadcast_in_dim3A_143 = vector.broadcast %broadcast_in_dim3A_142 : vector<1x512xi1> to vector<8x512xi1>
    %broadcast_in_dim3A_144 = vector.broadcast %jit3A_141 : f32 to vector<8x512xf32>
    %select_n3A_145 = arith.select %broadcast_in_dim3A_143, %slice3A_140, %broadcast_in_dim3A_144 : vector<8x512xi1>, vector<8x512xf32>
    %slice3A_146 = vector.extract_strided_slice %or3A_96 {offsets = [7, 0], sizes = [1, 512], strides = [1, 1]} : vector<8x512xi1> to vector<1x512xi1>
    %slice3A_147 = vector.extract_strided_slice %transpose3A {offsets = [56, 0], sizes = [8, 512], strides = [1, 1]} : vector<64x512xf32> to vector<8x512xf32>
    %jit3A_148 = arith.constant -1.000000e+30 : f32
    %broadcast_in_dim3A_149 = vector.shape_cast %slice3A_146 : vector<1x512xi1> to vector<1x512xi1>
    %broadcast_in_dim3A_150 = vector.broadcast %broadcast_in_dim3A_149 : vector<1x512xi1> to vector<8x512xi1>
    %broadcast_in_dim3A_151 = vector.broadcast %jit3A_148 : f32 to vector<8x512xf32>
    %select_n3A_152 = arith.select %broadcast_in_dim3A_150, %slice3A_147, %broadcast_in_dim3A_151 : vector<8x512xi1>, vector<8x512xf32>
    %concatenate3A_153 = tpu.concatenate %select_n3A_103, %select_n3A_110, %select_n3A_117, %select_n3A_124, %select_n3A_131, %select_n3A_138, %select_n3A_145, %select_n3A_152 in 0 : vector<8x512xf32>, vector<8x512xf32>, vector<8x512xf32>, vector<8x512xf32>, vector<8x512xf32>, vector<8x512xf32>, vector<8x512xf32>, vector<8x512xf32> -> vector<64x512xf32>
    %swap3A = arith.constant 0 : index
    %swap3A_154 = arith.constant 0 : index
    %swap3A_155 = arith.constant 0 : index
    %swap3A_156 = vector.load %arg3[%swap3A, %swap3A_154, %swap3A_155] : memref<1x64x512xf32, #tpu.memory_space<vmem>>, vector<1x64x512xf32>
    %swap3A_157 = vector.shape_cast %swap3A_156 : vector<1x64x512xf32> to vector<64x512xf32>
    %swap3A_158 = vector.shape_cast %concatenate3A_153 : vector<64x512xf32> to vector<1x64x512xf32>
    tpu.vector_store %arg3[%swap3A, %swap3A_154, %swap3A_155], %swap3A_158 {strides = array<i32>} : memref<1x64x512xf32, #tpu.memory_space<vmem>>, vector<1x64x512xf32>,
    %logistic3A = arith.negf %transpose3A : vector<64x512xf32>
    %logistic3A_159 = math.exp %logistic3A : vector<64x512xf32>
    %logistic3A_160 = arith.constant 1.000000e+00 : f32
    %logistic3A_161 = vector.broadcast %logistic3A_160 : f32 to vector<64x512xf32>
    %logistic3A_162 = arith.addf %logistic3A_161, %logistic3A_159 : vector<64x512xf32>
    %logistic3A_163 = arith.divf %logistic3A_161, %logistic3A_162 : vector<64x512xf32>
    %reduce_sum3A = arith.constant dense<0.000000e+00> : vector<512xf32>
    %reduce_sum3A_164 = vector.multi_reduction <add>, %logistic3A_163, %reduce_sum3A [0] : vector<64x512xf32> to vector<512xf32>
    %broadcast_in_dim3A_165 = vector.shape_cast %reduce_sum3A_164 : vector<512xf32> to vector<1x512xf32>
    %max3A = arith.constant 9.99999971E-10 : f32
    %max3A_166 = vector.broadcast %max3A : f32 to vector<1x512xf32>
    %max3A_167 = arith.maximumf %broadcast_in_dim3A_165, %max3A_166 : vector<1x512xf32>
    %eq3A_168 = arith.constant 0 : i32
    %eq3A_169 = arith.cmpi eq, %arg0, %eq3A_168 : i32
    %convert_element_type3A = arith.extui %eq3A_169 : i1 to i32
    %cond3A = arith.constant 0 : i32
    %cond3A_170 = arith.cmpi ne, %convert_element_type3A, %cond3A : i32
    scf.if %cond3A_170 {
      %broadcast_in_dim3A_178 = arith.constant 0.000000e+00 : f32
      %broadcast_in_dim3A_179 = vector.broadcast %broadcast_in_dim3A_178 : f32 to vector<64x512xf32>
      %swap3A_180 = arith.constant 0 : index
      %swap3A_181 = arith.constant 0 : index
      %swap3A_182 = vector.load %arg4[%swap3A_180, %swap3A_181] : memref<64x512xf32, #tpu.memory_space<vmem>>, vector<64x512xf32>
      tpu.vector_store %arg4[%swap3A_180, %swap3A_181], %broadcast_in_dim3A_179 {strides = array<i32>} : memref<64x512xf32, #tpu.memory_space<vmem>>, vector<64x512xf32>,
    } else {
    }
    %get3A_171 = arith.constant 0 : index
    %get3A_172 = arith.constant 0 : index
    %get3A_173 = vector.load %arg4[%get3A_171, %get3A_172] : memref<64x512xf32, #tpu.memory_space<vmem>>, vector<64x512xf32>
    %div3A = vector.broadcast %max3A_167 : vector<1x512xf32> to vector<64x512xf32>
    %div3A_174 = arith.divf %logistic3A_163, %div3A : vector<64x512xf32>
    %add3A = arith.addf %get3A_173, %div3A_174 : vector<64x512xf32>
    %swap3A_175 = arith.constant 0 : index
    %swap3A_176 = arith.constant 0 : index
    %swap3A_177 = vector.load %arg4[%swap3A_175, %swap3A_176] : memref<64x512xf32, #tpu.memory_space<vmem>>, vector<64x512xf32>
    tpu.vector_store %arg4[%swap3A_175, %swap3A_176], %add3A {strides = array<i32>} : memref<64x512xf32, #tpu.memory_space<vmem>>, vector<64x512xf32>,
    return
  }
  func.func @transform_0(%arg0: i32) -> (i32, i32) {
    %add3A = arith.constant 0 : i32
    %add3A_0 = arith.addi %add3A, %arg0 : i32
    %c0_i32 = arith.constant 0 : i32
    %c0_i32_1 = arith.constant 0 : i32
    return %add3A_0, %c0_i32 : i32, i32
  }
  func.func @transform_1(%arg0: i32) -> (i32, i32) {
    %c0_i32 = arith.constant 0 : i32
    %c0_i32_0 = arith.constant 0 : i32
    %c0_i32_1 = arith.constant 0 : i32
    return %c0_i32, %c0_i32_0 : i32, i32
  }
  func.func @transform_2(%arg0: i32) -> (i32, i32, i32) {
    %c0_i32 = arith.constant 0 : i32
    %c0_i32_0 = arith.constant 0 : i32
    %c0_i32_1 = arith.constant 0 : i32
    return %arg0, %c0_i32, %c0_i32_0 : i32, i32, i32
  }
  func.func @transform_3(%arg0: i32) -> (i32, i32) {
    %c0_i32 = arith.constant 0 : i32
    %c0_i32_0 = arith.constant 0 : i32
    %c0_i32_1 = arith.constant 0 : i32
    return %c0_i32, %c0_i32_0 : i32, i32
  }
}

module attributes {stable_mosaic.version = 14 : i64} {
  func.func @_aux_body(%arg0: memref<64x512xf32, #tpu.memory_space<vmem>>, %arg1: memref<32x64x16xf32, #tpu.memory_space<vmem>>, %arg2: memref<1x1xf32, #tpu.memory_space<vmem>>) attributes {dimension_semantics = [], scalar_prefetch = 0 : i64, scratch_operands = 0 : i64, tpu.core_type = #tpu.core_type<tc>} {
    %broadcast_in_dim3A = arith.constant 0.000000e+00 : f32
    %broadcast_in_dim3A_0 = vector.broadcast %broadcast_in_dim3A : f32 to vector<64x1xf32>
    %get3A = arith.constant 0 : index
    %get3A_1 = arith.constant 0 : index
    %get3A_2 = vector.load %arg0[%get3A, %get3A_1] : memref<64x512xf32, #tpu.memory_space<vmem>>, vector<64x512xf32>
    %reduce_sum3A = arith.constant dense<0.000000e+00> : vector<64xf32>
    %reduce_sum3A_3 = vector.multi_reduction <add>, %get3A_2, %reduce_sum3A [1] : vector<64x512xf32> to vector<64xf32>
    %broadcast_in_dim3A_4 = vector.shape_cast %reduce_sum3A_3 : vector<64xf32> to vector<64x1xf32>
    %add3A = arith.addf %broadcast_in_dim3A_0, %broadcast_in_dim3A_4 : vector<64x1xf32>
    %broadcast_in_dim3A_5 = arith.constant 0.000000e+00 : f32
    %broadcast_in_dim3A_6 = vector.broadcast %broadcast_in_dim3A_5 : f32 to vector<64x1xf32>
    %get3A_7 = arith.constant 0 : index
    %get3A_8 = arith.constant 0 : index
    %get3A_9 = arith.constant 0 : index
    %get3A_10 = vector.load %arg1[%get3A_7, %get3A_8, %get3A_9] : memref<32x64x16xf32, #tpu.memory_space<vmem>>, vector<32x64x16xf32>
    %reduce_sum3A_11 = arith.constant dense<0.000000e+00> : vector<64x16xf32>
    %reduce_sum3A_12 = vector.multi_reduction <add>, %get3A_10, %reduce_sum3A_11 [0] : vector<32x64x16xf32> to vector<64x16xf32>
    %reduce_sum3A_13 = arith.constant dense<0.000000e+00> : vector<64xf32>
    %reduce_sum3A_14 = vector.multi_reduction <add>, %reduce_sum3A_12, %reduce_sum3A_13 [1] : vector<64x16xf32> to vector<64xf32>
    %broadcast_in_dim3A_15 = vector.shape_cast %reduce_sum3A_14 : vector<64xf32> to vector<64x1xf32>
    %add3A_16 = arith.addf %broadcast_in_dim3A_6, %broadcast_in_dim3A_15 : vector<64x1xf32>
    %mul3A = arith.constant 1.638400e+04 : f32
    %mul3A_17 = arith.constant 1.638400e+04 : f32
    %mul3A_18 = arith.mulf %mul3A, %mul3A_17 : f32
    %mul3A_19 = arith.constant 8.000000e+00 : f32
    %mul3A_20 = arith.mulf %mul3A_18, %mul3A_19 : f32
    %div3A = arith.constant 6.400000e+01 : f32
    %div3A_21 = arith.divf %div3A, %mul3A_20 : f32
    %mul3A_22 = arith.mulf %add3A_16, %add3A : vector<64x1xf32>
    %reduce_sum3A_23 = vector.shape_cast %mul3A_22 : vector<64x1xf32> to vector<1x64x1xf32>
    %reduce_sum3A_24 = arith.constant dense<0.000000e+00> : vector<1xf32>
    %reduce_sum3A_25 = vector.multi_reduction <add>, %reduce_sum3A_23, %reduce_sum3A_24 [1, 2] : vector<1x64x1xf32> to vector<1xf32>
    %reduce_sum3A_26 = vector.shape_cast %reduce_sum3A_25 : vector<1xf32> to vector<1x1x1xf32>
    %reduce_sum3A_27 = vector.extract %reduce_sum3A_26[0, 0, 0] : f32 from vector<1x1x1xf32>
    %mul3A_28 = arith.mulf %reduce_sum3A_27, %div3A_21 : f32
    %broadcast_in_dim3A_29 = vector.broadcast %mul3A_28 : f32 to vector<1x1xf32>
    %swap3A = arith.constant 0 : index
    %swap3A_30 = arith.constant 0 : index
    %swap3A_31 = vector.load %arg2[%swap3A, %swap3A_30] : memref<1x1xf32, #tpu.memory_space<vmem>>, vector<1x1xf32>
    tpu.vector_store %arg2[%swap3A, %swap3A_30], %broadcast_in_dim3A_29 {strides = array<i32>} : memref<1x1xf32, #tpu.memory_space<vmem>>, vector<1x1xf32>,
    return
  }
}

</mosaic_0001>

<sc_bundles>
// kernel: kernel.5.cloned.1.call-start
scs
__scs_entry_jumppad:
0x0: {  	(pc) =	sbr.rel $0x88, $3  }
0x1: {  	(tag) =	ssettag $0x0;
	lr =	simm.s32 $0x1  }
0x2: {  	[smem:$0x3F9F] =	sst lr;
	_ =	strace $0xD0000000  }
0x3: {  	_ = 	snop  }
0x4: {  	_ = 	snop  }
0x5: {  	_ = 	snop  }
0x6: {  	_ = 	snop  }
0x7: {  	_ = 	snop  }
__scs_overlays_trampoline_lowered:
0x8: {  	[smem:$0x3FAE] =	sst s0  }
0x9: {  	[smem:$0x3FAF] =	sst s1  }
0xa: {  	[smem:$0x3FB0] =	sst s2  }
0xb: {  	[smem:$0x3FB1] =	sst s3  }
0xc: {  	[smem:$0x3FB2] =	sst s4  }
0xd: {  	[smem:$0x3FB3] =	sst s5  }
0xe: {  	[smem:$0x3FB4] =	sst s6  }
0xf: {  	[smem:$0x3FB5] =	sst s7  }
0x10: {  	[smem:$0x3FB6] =	sst s8  }
0x11: {  	[smem:$0x3FB7] =	sst s9;
	s0 =	simm.s32 @!p0 $0x0  }
0x12: {  	s1 =	sld [smem:$0x3F9D];
	s0 =	simm.s32 @p0 $0x1  }
0x13: {  	[smem:$0x3FB8] =	sst s0;
	s0 =	simm.s32 @!p1 $0x0  }
0x14: {  	s2 =	sld [smem:$0x3F9C];
	s0 =	simm.s32 @p1 $0x1  }
0x15: {  	[smem:$0x3FB9] =	sst s0;
	s0 =	simm.s32 @!p2 $0x0  }
0x16: {  	s3 =	sld [smem:$0x3FDB];
	s0 =	simm.s32 @p2 $0x1  }
0x17: {  	s4 =	simm.s32 $0x1BF5;
	[smem:$0x3FBB] =	sst s0  }
0x18: {  	s0 =	sld [smem:$0x3F9E];
	_ =	swait.ge [sflag:s4], $0x0  }
0x19: {  	s7 =	sld [smem:$0x3F9F]  }
0x1a: {  	s8 =	sadd.s32 $0xFFFFE003, lr  }
0x1b: {  	s9 =	sadd.s32 $0xFFFFFEF7, lr;
	s5 =	simm.s32 $0xFFFFFFFF;
	p2 =	slt.u32 s8, $0xFFFFF086  }
0x1c: {  	p1 =	slt.u32 s9, $0xF7A;
	s5 =	simm.s32 @!p2 $0x0  }
0x1d: {  	s5 =	simm.s32 @p1 $0x1;
	p0 =	seq.s32 s7, s2  }
0x1e: {  	s7 =	smul.u32 @!p0 $0xF7A, s2;
	p2 =	seq.s32 @!p0 s5, $0x0  }
0x1f: {  	s9 =	smul.u32 $0xF7A, s1;
	s8 =	simm.s32 @!p0 $0x1BF5;
	p2 =	por !p2, p0  }
0x20: {  	[sflag:s8] =	ssyncset.s32 @!p0 $0xFFFFF086;
	s6 =	sadd.s32 @!p0 s3, s7;
	s7 =	simm.s32 @!p0 $0x108  }
0x21: {  	s3 =	sadd.s32 s3, s9;
	s6 =	sadd.s32 @!p0 $0x88, s6;
	s7 =	simm.s32 @p2 $0x1082  }
0x22: {  	[simem:s7], [sflag:s8] =	dma.local @!p0 [hbm:s6], $0xF7A  }
0x23: {  	s9 =	sor.u32 $0xD0000000, s2;
	s6 =	simm.s32 $0x108;
	_ =	swait.ge @!p0 [sflag:s8], $0x0  }
0x24: {  	s3 =	sadd.s32 $0x88, s3;
	s6 =	simm.s32 @!p1 $0x1082;
	[sflag:s4] =	ssyncset.s32 $0xFFFFF086  }
0x25: {  	[simem:s6], [sflag:s4] =	dma.local [hbm:s3], $0xF7A  }
0x26: {  	[smem:$0x3F9F] =	sst s1;
	(tag) =	ssettag s2;
	_ =	strace s9  }
0x27: {  	s1 =	sld [smem:$0x3FAF]  }
0x28: {  	s2 =	sld [smem:$0x3FB0]  }
0x29: {  	s4 =	sld [smem:$0x3FB2]  }
0x2a: {  	p0 =	seq.s32 s5, $0x0;
	s5 =	sld [smem:$0x3FB3]  }
0x2b: {  	s6 =	sld [smem:$0x3FB4]  }
0x2c: {  	s7 =	sld [smem:$0x3FB5]  }
0x2d: {  	s3 =	simm.s32 $0x108;
	s8 =	sld [smem:$0x3FB6]  }
0x2e: {  	s3 =	simm.s32 @!p0 $0x1082;
	s9 =	sld [smem:$0x3FB7]  }
0x2f: {  	lr =	sadd.s32 s0, s3;
	s0 =	sld [smem:$0x3FAE]  }
0x30: {  	s3 =	sld [smem:$0x3FB1]  }
0x31: {  	[smem:$0x3FBA] =	sst s10  }
0x32: {  	s10 =	sld [smem:$0x3FB8];
	_ =	sdelay $0x3  }
0x33: {  	p0 =	seq.s32 s10, $0x1;
	s10 =	sld [smem:$0x3FBA];
	_ =	sdelay $0x3  }
0x34: {  	[smem:$0x3FBA] =	sst s10  }
0x35: {  	s10 =	sld [smem:$0x3FB9];
	_ =	sdelay $0x3  }
0x36: {  	p1 =	seq.s32 s10, $0x1;
	s10 =	sld [smem:$0x3FBA];
	_ =	sdelay $0x3  }
0x37: {  	[smem:$0x3FBA] =	sst s10  }
0x38: {  	s10 =	sld [smem:$0x3FBB]  }
0x39: {  	_ = 	snop;
	(pc) =	sbr.ind lr, $3  }
0x3a: {  	_ = 	snop  }
0x3b: {  	_ = 	snop  }
0x3c: {  	p2 =	seq.s32 s10, $0x1;
	s10 =	sld [smem:$0x3FBA]  }
0x3d: {  	_ =	shalt  }
0x3e: {  	_ =	shalt  }
0x3f: {  	_ =	shalt  }
0x40: {  	_ =	shalt  }
0x41: {  	_ =	shalt  }
0x42: {  	_ =	shalt  }
0x43: {  	_ =	shalt  }
0x44: {  	_ =	shalt  }
0x45: {  	_ =	shalt  }
0x46: {  	_ =	shalt  }
0x47: {  	_ =	shalt  }
0x48: {  	_ =	shalt  }
0x49: {  	_ =	shalt  }
0x4a: {  	_ =	shalt  }
0x4b: {  	_ =	shalt  }
0x4c: {  	_ =	shalt  }
0x4d: {  	_ =	shalt  }
0x4e: {  	_ =	shalt  }
0x4f: {  	_ =	shalt  }
0x50: {  	_ =	shalt  }
0x51: {  	_ =	shalt  }
0x52: {  	_ =	shalt  }
0x53: {  	_ =	shalt  }
0x54: {  	_ =	shalt  }
0x55: {  	_ =	shalt  }
0x56: {  	_ =	shalt  }
0x57: {  	_ =	shalt  }
0x58: {  	_ =	shalt  }
0x59: {  	_ =	shalt  }
0x5a: {  	_ =	shalt  }
0x5b: {  	_ =	shalt  }
0x5c: {  	_ =	shalt  }
0x5d: {  	_ =	shalt  }
0x5e: {  	_ =	shalt  }
0x5f: {  	_ =	shalt  }
0x60: {  	_ =	shalt  }
0x61: {  	_ =	shalt  }
0x62: {  	_ =	shalt  }
0x63: {  	_ =	shalt  }
0x64: {  	_ =	shalt  }
0x65: {  	_ =	shalt  }
0x66: {  	_ =	shalt  }
0x67: {  	_ =	shalt  }
0x68: {  	_ =	shalt  }
0x69: {  	_ =	shalt  }
0x6a: {  	_ =	shalt  }
0x6b: {  	_ =	shalt  }
0x6c: {  	_ =	shalt  }
0x6d: {  	_ =	shalt  }
0x6e: {  	_ =	shalt  }
0x6f: {  	_ =	shalt  }
0x70: {  	_ =	shalt  }
0x71: {  	_ =	shalt  }
0x72: {  	_ =	shalt  }
0x73: {  	_ =	shalt  }
0x74: {  	_ =	shalt  }
0x75: {  	_ =	shalt  }
0x76: {  	_ =	shalt  }
0x77: {  	_ =	shalt  }
0x78: {  	_ =	shalt  }
0x79: {  	_ =	shalt  }
0x7a: {  	_ =	shalt  }
0x7b: {  	_ =	shalt  }
0x7c: {  	_ =	shalt  }
0x7d: {  	_ =	shalt  }
0x7e: {  	_ =	shalt  }
0x7f: {  	_ =	shalt  }
0x80: {  	_ =	shalt  }
0x81: {  	_ =	shalt  }
0x82: {  	_ =	shalt  }
0x83: {  	_ =	shalt  }
0x84: {  	_ =	shalt  }
0x85: {  	_ =	shalt  }
0x86: {  	_ =	shalt  }
0x87: {  	_ =	shalt  }
.Lfunc_end0:
.L_simem_size_0:
called_computation_lowered:
.L_overlay_start_0:
0x88: {  	s2 =	sld [smem:$0x3FD9]  }
0x89: {  	s3 =	sld [smem:$0x3FFE];
	_ =	sdelay $0x1  }
0x8a: {  	s1 =	srdreg.scid  }
0x8b: {  	s0 =	sand.u32 $0x1, s1  }
0x8c: {  	s14 =	sshll.u32 s0, $0xA;
	s2 =	sadd.s32 s3, s2  }
0x8d: {  	s2 =	sadd.s32 s2, s14  }
0x8e: {  	[smem:$0x3FC6] =	sst s2  }
0x8f: {  	_ = 	snop  }
0x90: {  	s2 =	sld [smem:$0x3FD0];
	_ =	sdelay $0x2  }
0x91: {  	s15 =	simm.s32 $0xA;
	s4 =	simm.s32 $0x10  }
0x92: {  	[smem:s4], [sflag:s15] =	dma.local [hbm:s2], $0x1  }
0x93: {  	_ =	swait.eq [sflag:s15], $0x1  }
0x94: {  	[sflag:s15] =	ssyncset.done $0x0  }
0x95: {  	[sflag:s15] =	ssyncadd.s32 $0xFFFFFFFF  }
0x96: {  	s16 =	sld [smem:$0x11];
	(tm) =	ssettm $0x1  }
0x97: {  	s17 =	sld [smem:$0x3FFB];
	_ =	sdelay $0x3  }
0x98: {  	_ =	strace s17  }
0x99: {  	s3 =	sld [smem:$0x3FFC];
	_ =	sdelay $0x3  }
0x9a: {  	_ =	strace s3  }
0x9b: {  	s3 =	sld [smem:$0x3FFD];
	_ =	sdelay $0x3  }
0x9c: {  	_ =	strace s3  }
0x9d: {  	_ =	strace $0x8FFFFFFF  }
0x9e: {  	s18 =	sld [smem:$0x3FDB];
	_ =	sdelay $0x1  }
0x9f: {  	s19 =	simm.s32 $_scs_section_size  }
0xa0: {  	s5 =	simm.s32 $_size__tile_overlayer_lowered;
	s6 =	simm.s32 $_tile_overlayer_lowered  }
0xa1: {  	s22 =	simm.s32 $0x1BFF;
	s21 =	sshll.u32 s6, $0x1;
	s3 =	sadd.s32 s19, s18  }
0xa2: {  	s7 =	simm.s32 $0x0;
	s20 =	sshll.u32 s5, $0x1;
	s5 =	sadd.s32 s21, s3  }
0xa3: {  	[timem:s7], [sflag:s22] =	dma.local [hbm:s5], s20  }
0xa4: {  	_ =	swait.ge [sflag:s22], s20  }
0xa5: {  	s4 =	ssub.s32 $0x0, s20;
	[sflag:s22] =	ssyncset.done $0x0  }
0xa6: {  	[sflag:s22] =	ssyncadd.s32 s4;
	_ =	sdelay $0x1  }
0xa7: {  	s23 =	simm.s32 $0x1B8B  }
0xa8: {  	_ =	swait.ge [sflag:s23], $0x1  }
0xa9: {  	[sflag:s23] =	ssyncset.done $0x0  }
0xaa: {  	s25 =	simm.s32 $0x1B8E;
	s24 =	sld [smem:$0x3FFE];
	[sflag:s23] =	ssyncadd.s32 $0xFFFFFFFF  }
0xab: {  	s26 =	simm.s32 $execute0_lowered;
	[smem:$0x3FD2] =	sst s25  }
0xac: {  	s5 =	sshll.u32 s26, $0x1;
	_ =	strace $0x80000046;
	[dreg:$0x1] =	wrdreg $0xFFFFFFFF  }
0xad: {  	s28 =	simm.s32 $_size_execute0_lowered;
	s3 =	sadd.s32 s3, s5;
	[dreg:$0x0] =	wrdreg $0x0  }
0xae: {  	s5 =	sshll.u32 s28, $0x1;
	[dreg:$0x2] =	wrdreg s3  }
0xaf: {  	[dreg:$0x3] =	wrdreg s5  }
0xb0: {  	[dreg:$0x4] =	wrdreg $0xC0  }
0xb1: {  	_ =	task [dreg:s7], $0x5FFFF  }
0xb2: {  	[dreg:$0x1] =	wrdreg $0xFFFFFFFF  }
0xb3: {  	[dreg:$0x0] =	wrdreg $0x60  }
0xb4: {  	[dreg:$0x2] =	wrdreg s24  }
0xb5: {  	[dreg:$0x3] =	wrdreg s16  }
0xb6: {  	[dreg:$0x4] =	wrdreg $0x9  }
0xb7: {  	_ =	task.clear_ibuf [dreg:s7], $0x5FFFF;
	_ =	strace $0x90000046  }
0xb8: {  	s29 =	simm.s32 $0x9;
	_ =	strace $0x80000048  }
0xb9: {  	_ =	swait.ge [sflag:s29], $0x1  }
0xba: {  	[sflag:s29] =	ssyncadd.s32 $0xFFFFFFFF  }
0xbb: {  	_ =	strace $0x90000048  }
0xbc: {  	_ =	sfence  }
0xbd: {  	s30 =	sld [smem:$0x0];
	_ =	sdelay $0x2  }
0xbe: {  	s31 =	sshll.u32 s1, $0xD;
	s1 =	sshrl.u32 s1, $0x2  }
0xbf: {  	s3 =	sand.u32 $0x4000, s31;
	s1 =	sadd.s32 s1, s30  }
0xc0: {  	s0 =	sor.u32 s3, s0;
	s1 =	sshll.u32 s1, $0x11  }
0xc1: {  	s0 =	sor.u32 s1, s0  }
0xc2: {  	s0 =	sadd.s32 $0x8F2B, s0  }
0xc3: {  	[sflag:s0] =	ssyncadd.remote.s32 $0x1  }
0xc4: {  	_ =	sfence.sel $0xFFFF  }
0xc5: {  	[dreg:$0x0] =	wrdreg $0xFFFFFFFF;
	(pc) =	sbr.abs _section_cstart, $3  }
0xc6: {  	[dreg:$0x1] =	wrdreg $0xFFFFFFFF  }
0xc7: {  	_ =	task.clear_ibuf [dreg:s7], $0x2FFFF;
	_ =	strace $0x9FFFFFFF  }
0xc8: {  	(tm) =	ssettm $0x7FFFFFFF  }
0xc9: {  	_ =	shalt  }
tec
execute0_lowered:
.L_overlay_start_1:
0x0: {  	(tag) =	ssettag $0x1  }
0x1: {  	s3 =	rddreg [dreg:$0x0]  }
0x2: {  	s4 =	rddreg [dreg:$0x1];
	s2 =	srdreg.scid  }
0x3: {  	s1 =	stileid.u32;
	s0 =	rddreg [dreg:$0x2]  }
0x4: {  	v0 =	vimm.f32 $0.0e+00;
	v1 =	vimm.s32 $0x0;
	v2 =	vimm.s32 $0x2;
	s11 =	simm.s32 $0xA000;
	s12 =	simm.s32 $0x8000;
	s13 =	simm.s32 $0x9000  }
0x5: {  	v3 =	vimm.s32 $0x4;
	v4 =	vimm.s32 $0x6;
	v5 =	vimm.s32 $0x8;
	s14 =	simm.s32 $0x0;
	s5 =	sand.u32 $0x1, s2;
	s28 =	sshll.u32 s1, $0x8  }
0x6: {  	v6 =	vimm.s32 $0xA;
	v7 =	vimm.s32 $0xC;
	v8 =	vimm.s32 $0xE;
	s6 =	sshrl.u32 s1, $0x2;
	s2 =	simm.s32 $0x0;
	s7 =	sshll.u32 s5, $0x7  }
0x7: {  	v9 =	vimm.s32 $0x10;
	v10 =	vimm.s32 $0x12;
	v11 =	vimm.s32 $0x14;
	s8 =	sand.u32 $0x300, s28;
	s29 =	sshll.u32 s6, $0x12;
	[smem:$0x7FF] =	sst s2  }
0x8: {  	v12 =	vimm.s32 $0x16;
	v13 =	vimm.s32 $0x18;
	v14 =	vimm.s32 $0x1A;
	s9 =	sshll.u32 s6, $0xF;
	s6 =	sshll.u32 s6, $0xD;
	s5 =	ssub.s32 $0x2, s5  }
0x9: {  	v15 =	vimm.s32 $0x1C;
	v16 =	vimm.s32 $0x1E;
	v17 =	vimm.s32 $0x20;
	s7 =	sor.u32 s7, s8;
	_ =	strace $0x80000047;
	s31 =	sshrl.u32 s5, $0x1  }
0xa: {  	v18 =	vimm.s32 $0x22;
	v19 =	vimm.s32 $0x24;
	v20 =	vimm.s32 $0x26;
	s8 =	sor.u32 s29, s7;
	s9 =	sor.u32 s9, s7;
	s6 =	sor.u32 s6, s7  }
0xb: {  	v21 =	vimm.s32 $0x28;
	v22 =	vimm.s32 $0x2A;
	v23 =	vimm.s32 $0x2C;
	s8 =	sshrl.u32 s8, $0x3;
	s30 =	sshrl.u32 s9, $0x3;
	s6 =	sshrl.u32 s6, $0x3  }
0xc: {  	v24 =	vimm.s32 $0x2E;
	v25 =	vimm.s32 $0x30;
	v26 =	vimm.s32 $0x32;
	s9 =	ssub.s32 s5, s31;
	s8 =	sadd.s32 s8, s3;
	s10 =	sadd.s32 s30, s3  }
0xd: {  	v27 =	vimm.s32 $0x34;
	v28 =	vimm.s32 $0x36;
	v29 =	vimm.s32 $0x38;
	s6 =	sadd.s32 s6, s3;
	s4 =	sadd.s32 s4, s30;
	s7 =	smax.u32 s9, $0x1  }
0xe: {  	v30 =	vimm.s32 $0x3A;
	v31 =	vimm.s32 $0x3C;
	v32 =	vimm.s32 $0x3E;
	s9 =	simm.s32 $0x400;
	s3 =	sadd.s32 $0xA00, s8;
	s5 =	sadd.s32 $0x20A00, s10  }
0xf: {  	v33 =	vlaneseq.u32;
	v34 =	vimm.f32 $-2.000000030e+30;
	v35 =	vimm.f32 $1.000000000e+00;
	s6 =	sadd.s32 $0x24A00, s6;
	s8 =	simm.s32 $0x80;
	s10 =	simm.s32 $0x1  }
.LBB2_1:
0x10: {  	[tilespmem:s2], [sflag:$0x1] =	stream.strided.gather [hbm4b:s3+s8], $0x8000, s9, s8, $0x38;
	[tilespmem:$0xA400] =	vst v63  }
0x11: {  	_ =	swait.ge [sflag:s10], $0x8000  }
0x12: {  	[sflag:s10] =	ssyncset.done $0x0  }
0x13: {  	[sflag:s10] =	ssyncadd.s32 $0xFFFF8000  }
0x14: {  	[tilespmem:$0xA000] =	vst v0  }
0x15: {  	[tilespmem:$0xA010] =	vst v0  }
0x16: {  	[tilespmem:$0xA020] =	vst v0  }
0x17: {  	[tilespmem:$0xA030] =	vst v0  }
0x18: {  	[tilespmem:$0xA040] =	vst v0  }
0x19: {  	[tilespmem:$0xA050] =	vst v0  }
0x1a: {  	[tilespmem:$0xA060] =	vst v0  }
0x1b: {  	[tilespmem:$0xA070] =	vst v0  }
0x1c: {  	[tilespmem:$0xA080] =	vst v0  }
0x1d: {  	[tilespmem:$0xA090] =	vst v0  }
0x1e: {  	[tilespmem:$0xA0A0] =	vst v0  }
0x1f: {  	[tilespmem:$0xA0B0] =	vst v0  }
0x20: {  	[tilespmem:$0xA0C0] =	vst v0  }
0x21: {  	[tilespmem:$0xA0D0] =	vst v0  }
0x22: {  	[tilespmem:$0xA0E0] =	vst v0  }
0x23: {  	[tilespmem:$0xA0F0] =	vst v0  }
0x24: {  	[tilespmem:$0xA100] =	vst v0  }
0x25: {  	[tilespmem:$0xA110] =	vst v0  }
0x26: {  	[tilespmem:$0xA120] =	vst v0  }
0x27: {  	[tilespmem:$0xA130] =	vst v0  }
0x28: {  	[tilespmem:$0xA140] =	vst v0  }
0x29: {  	[tilespmem:$0xA150] =	vst v0  }
0x2a: {  	[tilespmem:$0xA160] =	vst v0  }
0x2b: {  	[tilespmem:$0xA170] =	vst v0  }
0x2c: {  	[tilespmem:$0xA180] =	vst v0  }
0x2d: {  	[tilespmem:$0xA190] =	vst v0  }
0x2e: {  	[tilespmem:$0xA1A0] =	vst v0  }
0x2f: {  	[tilespmem:$0xA1B0] =	vst v0  }
0x30: {  	[tilespmem:$0xA1C0] =	vst v0  }
0x31: {  	[tilespmem:$0xA1D0] =	vst v0  }
0x32: {  	[tilespmem:$0xA1E0] =	vst v0  }
0x33: {  	[tilespmem:$0xA1F0] =	vst v0  }
0x34: {  	[tilespmem:$0xA200] =	vst v0  }
0x35: {  	[tilespmem:$0xA210] =	vst v0  }
0x36: {  	[tilespmem:$0xA220] =	vst v0  }
0x37: {  	[tilespmem:$0xA230] =	vst v0  }
0x38: {  	[tilespmem:$0xA240] =	vst v0  }
0x39: {  	[tilespmem:$0xA250] =	vst v0  }
0x3a: {  	[tilespmem:$0xA260] =	vst v0  }
0x3b: {  	[tilespmem:$0xA270] =	vst v0  }
0x3c: {  	[tilespmem:$0xA280] =	vst v0  }
0x3d: {  	[tilespmem:$0xA290] =	vst v0  }
0x3e: {  	[tilespmem:$0xA2A0] =	vst v0  }
0x3f: {  	[tilespmem:$0xA2B0] =	vst v0  }
0x40: {  	[tilespmem:$0xA2C0] =	vst v0  }
0x41: {  	[tilespmem:$0xA2D0] =	vst v0  }
0x42: {  	[tilespmem:$0xA2E0] =	vst v0  }
0x43: {  	[tilespmem:$0xA2F0] =	vst v0  }
0x44: {  	[tilespmem:$0xA300] =	vst v0  }
0x45: {  	[tilespmem:$0xA310] =	vst v0  }
0x46: {  	[tilespmem:$0xA320] =	vst v0  }
0x47: {  	[tilespmem:$0xA330] =	vst v0  }
0x48: {  	[tilespmem:$0xA340] =	vst v0  }
0x49: {  	[tilespmem:$0xA350] =	vst v0  }
0x4a: {  	[tilespmem:$0xA360] =	vst v0  }
0x4b: {  	[tilespmem:$0xA370] =	vst v0  }
0x4c: {  	[tilespmem:$0xA380] =	vst v0  }
0x4d: {  	[tilespmem:$0xA390] =	vst v0  }
0x4e: {  	[tilespmem:$0xA3A0] =	vst v0  }
0x4f: {  	[tilespmem:$0xA3B0] =	vst v0  }
0x50: {  	[tilespmem:$0xA3C0] =	vst v0  }
0x51: {  	[tilespmem:$0xA3D0] =	vst v0  }
0x52: {  	s15 =	simm.s32 $0x8800;
	[tilespmem:$0xA3E0] =	vst v0  }
0x53: {  	s16 =	simm.s32 $0x800;
	s17 =	simm.s32 $0x9800;
	s18 =	simm.s32 $0x0;
	[tilespmem:$0xA3F0] =	vst v0  }
.LBB2_2:
0x54: {  	v36 =	vld [tilespmem:s16+$0xFFFFF800]  }
0x55: {  	v37 =	vld [tilespmem:s16+$0xFFFFFA00]  }
0x56: {  	v38 =	vld [tilespmem:s16+$0xFFFFFC00]  }
0x57: {  	v39 =	vld [tilespmem:s16+$0xFFFFFE00]  }
0x58: {  	v40 =	vld [tilespmem:s16+$0x0]  }
0x59: {  	v41 =	vld [tilespmem:s16+$0x200]  }
0x5a: {  	v42 =	vld [tilespmem:s16+$0x400]  }
0x5b: {  	v43 =	vld [tilespmem:s16+$0x600];
	s19 =	sand.u32 $0x1F0, s18  }
0x5c: {  	v44 =	vld [tilespmem:s19+$0x1000]  }
0x5d: {  	v45 =	vld [tilespmem:s19+$0x1200]  }
0x5e: {  	v47 =	vld [tilespmem:s19+$0x1400]  }
0x5f: {  	v48 =	vld [tilespmem:s19+$0x1600]  }
0x60: {  	v49 =	vld [tilespmem:s19+$0x1800]  }
0x61: {  	v50 =	vld [tilespmem:s19+$0x1A00]  }
0x62: {  	v51 =	vld [tilespmem:s19+$0x1C00]  }
0x63: {  	v52 =	vld [tilespmem:s19+$0x1E00]  }
0x64: {  	v53 =	vld [tilespmem:s19+$0x2000]  }
0x65: {  	v54 =	vld [tilespmem:s19+$0x2200]  }
0x66: {  	v55 =	vld [tilespmem:s19+$0x2400];
	vm0 =	vgt.f32 v37, v36  }
0x67: {  	v56 =	vld [tilespmem:s19+$0x2A00];
	vm15 =	vgt.f32 v39, v38;
	vm1 =	vgt.f32 v41, v40;
	vm2 =	vgt.f32 v43, v42  }
0x68: {  	v58 =	vld [tilespmem:s19+$0x3800];
	v36 =	vsel vm0, v37, v36;
	v62 =	vsel vm0, $0x1, v1;
	v38 =	vsel vm15, v39, v38  }
0x69: {  	v59 =	vld [tilespmem:s19+$0x3C00];
	v46 =	vsel vm15, $0x3, v2;
	v40 =	vsel vm1, v41, v40;
	v63 =	vsel vm2, v43, v42  }
0x6a: {  	v39 =	vld [tilespmem:s19+$0x2600];
	v60 =	vsel vm1, $0x5, v3;
	v57 =	vsel vm2, $0x7, v4;
	vm7 =	vgt.f32 v45, v44  }
0x6b: {  	v42 =	vld [tilespmem:s19+$0x2800];
	vm8 =	vgt.f32 v48, v47;
	vm9 =	vgt.f32 v50, v49;
	vm10 =	vgt.f32 v52, v51  }
0x6c: {  	v43 =	vld [tilespmem:s19+$0x2E00];
	vm14 =	vgt.f32 v54, v53;
	vm4 =	vgt.f32 v38, v36;
	vm5 =	vgt.f32 v63, v40  }
0x6d: {  	v41 =	vsel vm7, $0x9, v5;
	v49 =	vsel vm9, v50, v49;
	v61 =	vsel vm5, v63, v40;
	v40 =	vld [tilespmem:s19+$0x2C00]  }
0x6e: {  	v36 =	vsel vm4, v38, v36;
	v37 =	vsel vm4, v46, v62;
	v63 =	vsel vm8, v48, v47;
	v48 =	vld [tilespmem:s19+$0x3400]  }
0x6f: {  	v62 =	vsel vm5, v57, v60;
	v60 =	vsel vm10, v52, v51;
	v57 =	vld [tilespmem:s19+$0x3600];
	vm6 =	vgt.f32 v61, v36  }
0x70: {  	v38 =	vsel vm6, v61, v36;
	v46 =	vsel vm6, v62, v37;
	v36 =	vld [tilespmem:s19+$0x3000];
	v37 =	vsel vm7, v45, v44  }
0x71: {  	v47 =	vsel vm8, $0xB, v6;
	vm12 =	vgt.f32 v60, v49;
	v44 =	vld [tilespmem:s19+$0x3200];
	vm11 =	vgt.f32 v63, v37  }
0x72: {  	vm15 =	vgt.f32 v39, v55;
	v37 =	vsel vm11, v63, v37;
	v63 =	vsel vm12, v60, v49;
	v49 =	vld [tilespmem:s19+$0x3A00]  }
0x73: {  	v61 =	vsel vm9, $0xD, v7;
	vm4 =	vgt.f32 v56, v42;
	v39 =	vsel vm15, v39, v55;
	v55 =	vld [tilespmem:s19+$0x4200]  }
0x74: {  	v62 =	vsel vm10, $0xF, v8;
	v42 =	vsel vm4, v56, v42;
	v56 =	vld [tilespmem:s19+$0x4600];
	vm13 =	vgt.f32 v63, v37  }
0x75: {  	v41 =	vsel vm11, v47, v41;
	v60 =	vsel vm12, v62, v61;
	v47 =	vsel vm13, v63, v37;
	v37 =	vld [tilespmem:s19+$0x3E00]  }
0x76: {  	vm5 =	vgt.f32 v43, v40;
	v50 =	vsel vm13, v60, v41;
	v41 =	vsel vm14, v54, v53;
	v60 =	vld [tilespmem:s19+$0x4000]  }
0x77: {  	v45 =	vsel vm14, $0x11, v9;
	v40 =	vsel vm5, v43, v40;
	v43 =	vld [tilespmem:s19+$0x4400];
	vm6 =	vgt.f32 v39, v41  }
0x78: {  	v61 =	vsel vm15, $0x13, v10;
	vm7 =	vgt.f32 v40, v42;
	v39 =	vsel vm6, v39, v41;
	v41 =	vld [tilespmem:s19+$0x4800]  }
0x79: {  	v62 =	vsel vm4, $0x15, v11;
	v40 =	vsel vm7, v40, v42;
	v42 =	vsel vm6, v61, v45;
	v61 =	vld [tilespmem:s19+$0x4A00]  }
0x7a: {  	vm10 =	vgt.f32 v57, v48;
	v63 =	vsel vm5, $0x17, v12;
	vm9 =	vgt.f32 v44, v36;
	v45 =	vld [tilespmem:s19+$0x5000]  }
0x7b: {  	v36 =	vsel vm9, v44, v36;
	v44 =	vsel vm10, v57, v48;
	v57 =	vld [tilespmem:s19+$0x5200];
	vm8 =	vgt.f32 v40, v39  }
0x7c: {  	v54 =	vsel vm7, v63, v62;
	v48 =	vsel vm10, $0x1B, v14;
	v51 =	vsel vm8, v40, v39;
	v39 =	vld [tilespmem:s19+$0x4C00]  }
0x7d: {  	vm11 =	vgt.f32 v49, v58;
	vm13 =	vgt.f32 v44, v36;
	v52 =	vsel vm8, v54, v42;
	v42 =	vld [tilespmem:s19+$0x4E00]  }
0x7e: {  	v40 =	vsel vm9, $0x19, v13;
	v49 =	vsel vm11, v49, v58;
	v63 =	vsel vm11, $0x1D, v15;
	v58 =	vld [tilespmem:s19+$0x5400]  }
0x7f: {  	v36 =	vsel vm13, v44, v36;
	v44 =	vld [tilespmem:s19+$0x5600];
	vm12 =	vgt.f32 v37, v59;
	v40 =	vsel vm13, v48, v40  }
0x80: {  	vm4 =	vgt.f32 v55, v60;
	vm5 =	vgt.f32 v56, v43;
	v37 =	vsel vm12, v37, v59  }
0x81: {  	v62 =	vsel vm12, $0x1F, v16;
	v43 =	vsel vm5, v56, v43;
	vm14 =	vgt.f32 v37, v49  }
0x82: {  	v48 =	vld [tilespmem:s19+$0x5C00];
	vm6 =	vgt.f32 v61, v41;
	vm11 =	vgt.f32 v57, v45;
	v37 =	vsel vm14, v37, v49  }
0x83: {  	v59 =	vld [tilespmem:s19+$0x5E00];
	v63 =	vsel vm14, v62, v63;
	v41 =	vsel vm6, v61, v41;
	v56 =	vsel vm6, $0x25, v19  }
0x84: {  	v49 =	vld [tilespmem:s19+$0x5800];
	vm15 =	vgt.f32 v37, v36;
	vm7 =	vgt.f32 v42, v39;
	vm12 =	vgt.f32 v44, v58  }
0x85: {  	v53 =	vsel vm15, v37, v36;
	v54 =	vsel vm15, v63, v40;
	v36 =	vld [tilespmem:s19+$0x5A00];
	v37 =	vsel vm4, v55, v60  }
0x86: {  	v40 =	vsel vm4, $0x21, v17;
	v55 =	vsel vm5, $0x23, v18;
	v39 =	vsel vm7, v42, v39;
	v42 =	vld [tilespmem:s19+$0x6000]  }
0x87: {  	v60 =	vld [tilespmem:s19+$0x6200];
	v61 =	vsel vm7, $0x27, v20;
	v44 =	vsel vm12, v44, v58;
	vm9 =	vgt.f32 v39, v41  }
0x88: {  	vm8 =	vgt.f32 v43, v37;
	vm14 =	vgt.f32 v59, v48;
	v39 =	vsel vm9, v39, v41;
	v41 =	vld [tilespmem:s19+$0x6400]  }
0x89: {  	v37 =	vsel vm8, v43, v37;
	v40 =	vsel vm8, v55, v40;
	v43 =	vsel vm9, v61, v56;
	v61 =	vld [tilespmem:s19+$0x6600]  }
0x8a: {  	v48 =	vsel vm14, v59, v48;
	v59 =	vld [tilespmem:s19+$0x7000];
	v62 =	vsel vm14, $0x2F, v24;
	vm10 =	vgt.f32 v39, v37  }
0x8b: {  	v55 =	vsel vm10, v39, v37;
	v56 =	vsel vm10, v43, v40;
	v37 =	vld [tilespmem:s19+$0x6800];
	v39 =	vsel vm11, v57, v45  }
0x8c: {  	v40 =	vsel vm11, $0x29, v21;
	v43 =	vld [tilespmem:s19+$0x6A00];
	v57 =	vsel vm12, $0x2B, v22;
	vm13 =	vgt.f32 v36, v49  }
0x8d: {  	v45 =	vld [tilespmem:s19+$0x6C00];
	vm15 =	vgt.f32 v44, v39;
	vm6 =	vgt.f32 v60, v42;
	v36 =	vsel vm13, v36, v49  }
0x8e: {  	v49 =	vld [tilespmem:s19+$0x6E00];
	v58 =	vsel vm13, $0x2D, v23;
	v39 =	vsel vm15, v44, v39;
	vm4 =	vgt.f32 v48, v36  }
0x8f: {  	v44 =	vld [tilespmem:s19+$0x7200];
	v40 =	vsel vm15, v57, v40;
	vm7 =	vgt.f32 v61, v41;
	v36 =	vsel vm4, v48, v36  }
0x90: {  	v48 =	vsel vm4, v62, v58;
	v62 =	vld [tilespmem:s19+$0x7400];
	v41 =	vsel vm7, v61, v41;
	vm5 =	vgt.f32 v36, v39  }
0x91: {  	v61 =	vld [tilespmem:s19+$0x7E00];
	vm8 =	vgt.f32 v43, v37;
	v57 =	vsel vm5, v36, v39;
	v58 =	vsel vm5, v48, v40  }
0x92: {  	v36 =	vld [tilespmem:s19+$0x7600];
	v39 =	vsel vm6, v60, v42;
	v40 =	vsel vm6, $0x31, v25;
	v60 =	vsel vm7, $0x33, v26  }
0x93: {  	v42 =	vld [tilespmem:s19+$0x7800];
	v37 =	vsel vm8, v43, v37;
	vm9 =	vgt.f32 v49, v45;
	vm10 =	vgt.f32 v41, v39  }
0x94: {  	v48 =	vld [tilespmem:s19+$0x7A00];
	vm13 =	vgt.f32 v44, v59;
	v43 =	vsel vm9, v49, v45;
	v49 =	vsel vm8, $0x35, v27  }
0x95: {  	v45 =	vld [tilespmem:s19+$0x7C00];
	v63 =	vsel vm9, $0x37, v28;
	v39 =	vsel vm10, v41, v39;
	v40 =	vsel vm10, v60, v40  }
0x96: {  	vm8 =	vgt.f32 v47, v38;
	vm10 =	vgt.f32 v57, v55;
	vm11 =	vgt.f32 v43, v37  }
0x97: {  	vm9 =	vgt.f32 v53, v51;
	v41 =	vsel vm10, v57, v55;
	v37 =	vsel vm11, v43, v37  }
0x98: {  	v49 =	vsel vm11, v63, v49;
	v43 =	vsel vm10, v58, v56;
	vm12 =	vgt.f32 v37, v39  }
0x99: {  	vm14 =	vgt.f32 v36, v62;
	vm15 =	vgt.f32 v48, v42;
	v60 =	vsel vm12, v37, v39  }
0x9a: {  	v63 =	vsel vm12, v49, v40;
	v37 =	vsel vm13, v44, v59;
	vm4 =	vgt.f32 v61, v45  }
0x9b: {  	v36 =	vsel vm14, v36, v62;
	v48 =	vsel vm15, v48, v42;
	v49 =	vsel vm4, v61, v45  }
0x9c: {  	v39 =	vsel vm13, $0x39, v29;
	vm5 =	vgt.f32 v36, v37;
	vm6 =	vgt.f32 v49, v48  }
0x9d: {  	v40 =	vsel vm14, $0x3B, v30;
	v36 =	vsel vm5, v36, v37;
	v62 =	vsel vm6, v49, v48  }
0x9e: {  	v59 =	vsel vm15, $0x3D, v31;
	v61 =	vsel vm4, $0x3F, v32;
	vm7 =	vgt.f32 v62, v36  }
0x9f: {  	v39 =	vsel vm5, v40, v39;
	v45 =	vsel vm6, v61, v59;
	v59 =	vsel vm7, v62, v36  }
0xa0: {  	v37 =	vsel vm8, v50, v46;
	v40 =	vsel vm9, v54, v52;
	vm11 =	vgt.f32 v59, v60  }
0xa1: {  	v48 =	vsel vm8, v47, v38;
	v49 =	vsel vm9, v53, v51;
	v42 =	vsel vm11, v59, v60  }
0xa2: {  	vm12 =	vgt.f32 v49, v48;
	v61 =	vsel vm7, v45, v39;
	vm13 =	vgt.f32 v42, v41  }
0xa3: {  	v48 =	vsel vm12, v49, v48;
	v62 =	vsel vm11, v61, v63;
	v49 =	vsel vm13, v42, v41  }
0xa4: {  	v41 =	vsel vm12, v40, v37;
	v42 =	vsel vm13, v62, v43;
	vm0 =	vgt.f32 v49, v48  }
0xa5: {  	v36 =	vsel vm0, v42, v41  }
0xa6: {  	v37 =	vor.u32 s18, v33;
	v43 =	vshll.u32 v36, $0x9;
	v62 =	vshrl.u32 v36, $0x3  }
0xa7: {  	v44 =	vshll.u32 v36, $0x4;
	v42 =	vadd.s32 v37, v43;
	v45 =	vshll.u32 v62, $0xC  }
0xa8: {  	v43 =	vor.u32 v33, v44;
	v44 =	vadd.s32 v37, v45;
	v45 =	vand.u32 $0x7F, v37  }
0xa9: {  	v4 =	vand.u32 $0x7FFFF180, v44;
	v39 =	vor.u32 $0x200, v45  }
0xaa: {  	v40 =	vor.u32 $0x400, v45;
	v5 =	vor.u32 v4, v39  }
0xab: {  	v41 =	vor.u32 $0x600, v45;
	v6 =	vor.u32 v4, v40  }
0xac: {  	v7 =	vor.u32 v4, v41;
	[tilespmem:v42+s2+$0x0] =	vst.idx.msk $0xffff, v34;
	v42 =	vor.u32 $0x800, v45  }
0xad: {  	[tilespmem:v43+s11+$0x0] =	vst.idx.add.f32.msk $0xffff, v35;
	v8 =	vor.u32 v4, v42;
	v43 =	vor.u32 $0xA00, v45  }
0xae: {  	v9 =	vld.idx.msk [tilespmem:v44+s2+$0x0], $0xffff;
	v10 =	vor.u32 v4, v43;
	v44 =	vor.u32 $0xC00, v45  }
0xaf: {  	v45 =	vor.u32 $0xE00, v45;
	v5 =	vld.idx.msk [tilespmem:v5+s2+$0x0], $0xffff;
	v11 =	vor.u32 v4, v44  }
0xb0: {  	v6 =	vld.idx.msk [tilespmem:v6+s2+$0x0], $0xffff;
	v4 =	vor.u32 v4, v45  }
0xb1: {  	v7 =	vld.idx.msk [tilespmem:v7+s2+$0x0], $0xffff  }
0xb2: {  	v8 =	vld.idx.msk [tilespmem:v8+s2+$0x0], $0xffff  }
0xb3: {  	v10 =	vld.idx.msk [tilespmem:v10+s2+$0x0], $0xffff  }
0xb4: {  	v12 =	vand.u32 $0xFFFFFFF8, v36;
	v11 =	vld.idx.msk [tilespmem:v11+s2+$0x0], $0xffff  }
0xb5: {  	v14 =	vor.u32 $0x7, v36;
	v13 =	vor.u32 $0x6, v12;
	v4 =	vld.idx.msk [tilespmem:v4+s2+$0x0], $0xffff  }
0xb6: {  	vm9 =	veq.s32 v62, $0x0;
	vm10 =	veq.s32 v62, $0x1;
	vm11 =	veq.s32 v62, $0x2  }
0xb7: {  	vm12 =	veq.s32 v62, $0x3;
	vm13 =	veq.s32 v62, $0x4;
	vm14 =	vgt.f32 v5, v9  }
0xb8: {  	vm15 =	vgt.f32 v7, v6;
	v5 =	vsel vm14, v5, v9;
	v9 =	vsel vm14, $0x1, v1  }
0xb9: {  	v6 =	vsel vm15, v7, v6;
	v7 =	vsel vm15, $0x3, v2;
	vm14 =	veq.s32 v62, $0x5  }
0xba: {  	vm6 =	vgt.f32 v6, v5;
	vm4 =	vgt.f32 v10, v8;
	vm5 =	vgt.f32 v4, v11  }
0xbb: {  	v5 =	vsel vm6, v6, v5;
	v8 =	vsel vm4, v10, v8;
	v4 =	vsel vm5, v4, v11  }
0xbc: {  	v6 =	vsel vm6, v7, v9;
	v15 =	vsel vm4, $0x5, v3;
	vm7 =	vgt.f32 v4, v8  }
0xbd: {  	v10 =	vor.u32 v15, v12;
	v11 =	vsel vm5, v14, v13;
	v4 =	vsel vm7, v4, v8  }
0xbe: {  	v6 =	vor.u32 v6, v12;
	v7 =	vsel vm7, v11, v10;
	vm8 =	vgt.f32 v4, v5  }
0xbf: {  	vm15 =	veq.s32 v62, $0x6;
	v4 =	vsel vm8, v4, v5;
	v5 =	vsel vm8, v7, v6  }
0xc0: {  	vm4 =	veq.s32 v62, $0x7;
	v6 =	vsel vm9, v4, v38;
	v7 =	vsel vm9, v5, v46  }
0xc1: {  	v8 =	vsel vm10, v4, v47;
	v9 =	vsel vm10, v5, v50;
	v10 =	vsel vm11, v4, v51  }
0xc2: {  	v11 =	vsel vm11, v5, v52;
	v12 =	vsel vm12, v4, v53;
	v13 =	vsel vm12, v5, v54  }
0xc3: {  	v14 =	vsel vm13, v4, v55;
	v15 =	vsel vm13, v5, v56;
	v46 =	vsel vm14, v4, v57  }
0xc4: {  	v47 =	vsel vm14, v5, v58;
	v52 =	vsel vm15, v4, v60;
	v53 =	vsel vm15, v5, v63  }
0xc5: {  	v4 =	vsel vm4, v4, v59;
	v5 =	vsel vm4, v5, v61;
	vm5 =	vgt.f32 v8, v6  }
0xc6: {  	vm6 =	vgt.f32 v12, v10;
	vm7 =	vgt.f32 v46, v14;
	vm3 =	vgt.f32 v4, v52  }
0xc7: {  	v38 =	vsel vm5, v8, v6;
	v54 =	vsel vm5, v9, v7;
	v50 =	vsel vm6, v12, v10  }
0xc8: {  	v55 =	vsel vm6, v13, v11;
	v63 =	vsel vm7, v46, v14;
	v60 =	vsel vm3, v4, v52  }
0xc9: {  	v61 =	vsel vm7, v47, v15;
	vm8 =	vgt.f32 v50, v38;
	vm9 =	vgt.f32 v60, v63  }
0xca: {  	v62 =	vsel vm3, v5, v53;
	v50 =	vsel vm8, v50, v38;
	v51 =	vsel vm9, v60, v63  }
0xcb: {  	v63 =	vsel vm8, v55, v54;
	v59 =	vsel vm9, v62, v61;
	vm1 =	vgt.f32 v51, v50  }
0xcc: {  	v38 =	vsel vm1, v59, v63  }
0xcd: {  	v54 =	vshll.u32 v38, $0x9;
	v55 =	vshrl.u32 v38, $0x3  }
0xce: {  	v60 =	vshll.u32 v38, $0x4;
	v54 =	vadd.s32 v37, v54;
	v61 =	vshll.u32 v55, $0xC  }
0xcf: {  	v56 =	vor.u32 v33, v60;
	v57 =	vadd.s32 v37, v61  }
0xd0: {  	v58 =	vand.u32 $0x7FFFF180, v57  }
0xd1: {  	v59 =	vor.u32 v58, v39  }
0xd2: {  	v60 =	vor.u32 v58, v40  }
0xd3: {  	v61 =	vor.u32 v58, v43;
	[tilespmem:v54+s2+$0x0] =	vst.idx.msk $0xffff, v34  }
0xd4: {  	v62 =	vor.u32 v58, v44;
	[tilespmem:v56+s11+$0x0] =	vst.idx.add.f32.msk $0xffff, v35  }
0xd5: {  	v54 =	vor.u32 v58, v41;
	v57 =	vld.idx.msk [tilespmem:v57+s2+$0x0], $0xffff  }
0xd6: {  	v56 =	vor.u32 v58, v42;
	v59 =	vld.idx.msk [tilespmem:v59+s2+$0x0], $0xffff  }
0xd7: {  	v58 =	vor.u32 v58, v45;
	v60 =	vld.idx.msk [tilespmem:v60+s2+$0x0], $0xffff  }
0xd8: {  	v61 =	vld.idx.msk [tilespmem:v61+s2+$0x0], $0xffff  }
0xd9: {  	v62 =	vld.idx.msk [tilespmem:v62+s2+$0x0], $0xffff  }
0xda: {  	v54 =	vld.idx.msk [tilespmem:v54+s2+$0x0], $0xffff  }
0xdb: {  	v63 =	vand.u32 $0xFFFFFFF8, v38;
	v56 =	vld.idx.msk [tilespmem:v56+s2+$0x0], $0xffff  }
0xdc: {  	v17 =	vor.u32 $0x7, v38;
	v16 =	vor.u32 $0x6, v63;
	v58 =	vld.idx.msk [tilespmem:v58+s2+$0x0], $0xffff  }
0xdd: {  	vm6 =	veq.s32 v55, $0x0;
	vm7 =	veq.s32 v55, $0x1;
	vm10 =	vgt.f32 v59, v57  }
0xde: {  	vm8 =	veq.s32 v55, $0x2;
	vm9 =	veq.s32 v55, $0x3;
	v57 =	vsel vm10, v59, v57  }
0xdf: {  	v59 =	vsel vm10, $0x1, v1;
	vm10 =	veq.s32 v55, $0x4;
	vm11 =	vgt.f32 v54, v60  }
0xe0: {  	v54 =	vsel vm11, v54, v60;
	vm12 =	vgt.f32 v61, v56;
	v60 =	vsel vm11, $0x3, v2  }
0xe1: {  	vm13 =	vgt.f32 v58, v62;
	vm11 =	veq.s32 v55, $0x5;
	v18 =	vsel vm12, $0x5, v3  }
0xe2: {  	v56 =	vsel vm12, v61, v56;
	v58 =	vsel vm13, v58, v62;
	v16 =	vsel vm13, v17, v16  }
0xe3: {  	vm14 =	vgt.f32 v54, v57;
	v18 =	vor.u32 v18, v63;
	vm15 =	vgt.f32 v58, v56  }
0xe4: {  	v17 =	vsel vm14, v54, v57;
	v62 =	vsel vm14, v60, v59;
	v56 =	vsel vm15, v58, v56  }
0xe5: {  	v54 =	vor.u32 v62, v63;
	v16 =	vsel vm15, v16, v18;
	vm5 =	vgt.f32 v56, v17  }
0xe6: {  	vm12 =	veq.s32 v55, $0x6;
	v17 =	vsel vm5, v56, v17;
	v16 =	vsel vm5, v16, v54  }
0xe7: {  	vm13 =	veq.s32 v55, $0x7;
	v6 =	vsel vm6, v17, v6;
	v7 =	vsel vm6, v16, v7  }
0xe8: {  	v8 =	vsel vm7, v17, v8;
	v9 =	vsel vm7, v16, v9;
	v10 =	vsel vm8, v17, v10  }
0xe9: {  	v11 =	vsel vm8, v16, v11;
	v12 =	vsel vm9, v17, v12;
	v13 =	vsel vm9, v16, v13  }
0xea: {  	v14 =	vsel vm10, v17, v14;
	v15 =	vsel vm10, v16, v15;
	v18 =	vsel vm11, v17, v46  }
0xeb: {  	v47 =	vsel vm11, v16, v47;
	v52 =	vsel vm12, v17, v52;
	v56 =	vsel vm12, v16, v53  }
0xec: {  	v4 =	vsel vm13, v17, v4;
	v5 =	vsel vm13, v16, v5;
	vm14 =	vgt.f32 v8, v6  }
0xed: {  	vm15 =	vgt.f32 v12, v10;
	vm8 =	vgt.f32 v18, v14;
	vm4 =	vgt.f32 v4, v52  }
0xee: {  	v16 =	vsel vm14, v8, v6;
	v17 =	vsel vm14, v9, v7;
	v46 =	vsel vm15, v12, v10  }
0xef: {  	v55 =	vsel vm15, v13, v11;
	v63 =	vsel vm8, v18, v14;
	v60 =	vsel vm4, v4, v52  }
0xf0: {  	v61 =	vsel vm8, v47, v15;
	vm9 =	vgt.f32 v46, v16;
	vm10 =	vgt.f32 v60, v63  }
0xf1: {  	v62 =	vsel vm4, v5, v56;
	v53 =	vsel vm9, v46, v16;
	v54 =	vsel vm10, v60, v63  }
0xf2: {  	v16 =	vsel vm9, v55, v17;
	v17 =	vsel vm10, v62, v61;
	vm2 =	vgt.f32 v54, v53  }
0xf3: {  	v46 =	vsel vm2, v17, v16  }
0xf4: {  	v16 =	vshll.u32 v46, $0x9;
	v17 =	vshrl.u32 v46, $0x3  }
0xf5: {  	v63 =	vshll.u32 v46, $0x4;
	v16 =	vadd.s32 v37, v16;
	v60 =	vshll.u32 v17, $0xC  }
0xf6: {  	v55 =	vor.u32 v33, v63;
	v57 =	vadd.s32 v37, v60  }
0xf7: {  	v58 =	vand.u32 $0x7FFFF180, v57  }
0xf8: {  	v59 =	vor.u32 v58, v39  }
0xf9: {  	v60 =	vor.u32 v58, v40  }
0xfa: {  	v61 =	vor.u32 v58, v43;
	[tilespmem:v16+s2+$0x0] =	vst.idx.msk $0xffff, v34  }
0xfb: {  	v62 =	vor.u32 v58, v44;
	[tilespmem:v55+s11+$0x0] =	vst.idx.add.f32.msk $0xffff, v35  }
0xfc: {  	v16 =	vor.u32 v58, v41;
	v57 =	vld.idx.msk [tilespmem:v57+s2+$0x0], $0xffff  }
0xfd: {  	v55 =	vor.u32 v58, v42;
	v59 =	vld.idx.msk [tilespmem:v59+s2+$0x0], $0xffff  }
0xfe: {  	v58 =	vor.u32 v58, v45;
	v60 =	vld.idx.msk [tilespmem:v60+s2+$0x0], $0xffff  }
0xff: {  	v61 =	vld.idx.msk [tilespmem:v61+s2+$0x0], $0xffff  }
0x100: {  	v62 =	vld.idx.msk [tilespmem:v62+s2+$0x0], $0xffff  }
0x101: {  	v16 =	vld.idx.msk [tilespmem:v16+s2+$0x0], $0xffff  }
0x102: {  	v55 =	vld.idx.msk [tilespmem:v55+s2+$0x0], $0xffff  }
0x103: {  	v58 =	vld.idx.msk [tilespmem:v58+s2+$0x0], $0xffff  }
0x104: {  	v20 =	vor.u32 $0x7, v46;
	v63 =	vand.u32 $0xFFFFFFF8, v46;
	vm10 =	veq.s32 v17, $0x0  }
0x105: {  	vm6 =	veq.s32 v17, $0x6;
	vm7 =	veq.s32 v17, $0x7;
	vm11 =	vgt.f32 v59, v57  }
0x106: {  	v19 =	vor.u32 $0x6, v63;
	v57 =	vsel vm11, v59, v57;
	vm12 =	vgt.f32 v16, v60  }
0x107: {  	v59 =	vsel vm11, $0x1, v1;
	vm11 =	veq.s32 v17, $0x1;
	v16 =	vsel vm12, v16, v60  }
0x108: {  	vm13 =	vgt.f32 v61, v55;
	v60 =	vsel vm12, $0x3, v2;
	vm14 =	vgt.f32 v58, v62  }
0x109: {  	vm12 =	veq.s32 v17, $0x2;
	v21 =	vsel vm13, $0x5, v3;
	v55 =	vsel vm13, v61, v55  }
0x10a: {  	v58 =	vsel vm14, v58, v62;
	v19 =	vsel vm14, v20, v19;
	vm15 =	vgt.f32 v16, v57  }
0x10b: {  	vm13 =	veq.s32 v17, $0x3;
	v21 =	vor.u32 v21, v63;
	vm8 =	vgt.f32 v58, v55  }
0x10c: {  	v16 =	vsel vm15, v16, v57;
	v20 =	vsel vm15, v60, v59;
	v55 =	vsel vm8, v58, v55  }
0x10d: {  	v20 =	vor.u32 v20, v63;
	v19 =	vsel vm8, v19, v21;
	vm9 =	vgt.f32 v55, v16  }
0x10e: {  	vm14 =	veq.s32 v17, $0x4;
	v16 =	vsel vm9, v55, v16;
	v19 =	vsel vm9, v19, v20  }
0x10f: {  	vm15 =	veq.s32 v17, $0x5;
	v6 =	vsel vm10, v16, v6;
	v7 =	vsel vm10, v19, v7  }
0x110: {  	v8 =	vsel vm11, v16, v8;
	v9 =	vsel vm11, v19, v9;
	v10 =	vsel vm12, v16, v10  }
0x111: {  	v11 =	vsel vm12, v19, v11;
	v12 =	vsel vm13, v16, v12;
	v13 =	vsel vm13, v19, v13  }
0x112: {  	v14 =	vsel vm14, v16, v14;
	v15 =	vsel vm14, v19, v15;
	v18 =	vsel vm15, v16, v18  }
0x113: {  	v20 =	vsel vm15, v19, v47;
	v21 =	vsel vm6, v16, v52;
	v52 =	vsel vm6, v19, v56  }
0x114: {  	v4 =	vsel vm7, v16, v4;
	v5 =	vsel vm7, v19, v5;
	vm8 =	vgt.f32 v8, v6  }
0x115: {  	vm9 =	vgt.f32 v12, v10;
	vm10 =	vgt.f32 v18, v14;
	vm5 =	vgt.f32 v4, v21  }
0x116: {  	v16 =	vsel vm8, v8, v6;
	v17 =	vsel vm8, v9, v7;
	v19 =	vsel vm9, v12, v10  }
0x117: {  	v47 =	vsel vm9, v13, v11;
	v61 =	vsel vm10, v18, v14;
	v62 =	vsel vm5, v4, v21  }
0x118: {  	v63 =	vsel vm10, v20, v15;
	vm11 =	vgt.f32 v19, v16;
	vm12 =	vgt.f32 v62, v61  }
0x119: {  	v60 =	vsel vm5, v5, v52;
	v55 =	vsel vm11, v19, v16;
	v56 =	vsel vm12, v62, v61  }
0x11a: {  	v16 =	vsel vm11, v47, v17;
	v17 =	vsel vm12, v60, v63;
	vm3 =	vgt.f32 v56, v55  }
0x11b: {  	v47 =	vsel vm3, v17, v16  }
0x11c: {  	v16 =	vshll.u32 v47, $0x9;
	v17 =	vshrl.u32 v47, $0x3  }
0x11d: {  	v19 =	vshll.u32 v47, $0x4;
	v16 =	vadd.s32 v37, v16;
	v61 =	vshll.u32 v17, $0xC  }
0x11e: {  	v19 =	vor.u32 v33, v19;
	v57 =	vadd.s32 v37, v61  }
0x11f: {  	v58 =	vand.u32 $0x7FFFF180, v57  }
0x120: {  	v59 =	vor.u32 v58, v39  }
0x121: {  	v60 =	vor.u32 v58, v40  }
0x122: {  	v61 =	vor.u32 v58, v43;
	[tilespmem:v16+s2+$0x0] =	vst.idx.msk $0xffff, v34  }
0x123: {  	v62 =	vor.u32 v58, v44;
	[tilespmem:v19+s11+$0x0] =	vst.idx.add.f32.msk $0xffff, v35  }
0x124: {  	v16 =	vor.u32 v58, v41;
	v57 =	vld.idx.msk [tilespmem:v57+s2+$0x0], $0xffff  }
0x125: {  	v19 =	vor.u32 v58, v42;
	v59 =	vld.idx.msk [tilespmem:v59+s2+$0x0], $0xffff  }
0x126: {  	v58 =	vor.u32 v58, v45;
	v60 =	vld.idx.msk [tilespmem:v60+s2+$0x0], $0xffff  }
0x127: {  	v61 =	vld.idx.msk [tilespmem:v61+s2+$0x0], $0xffff  }
0x128: {  	v62 =	vld.idx.msk [tilespmem:v62+s2+$0x0], $0xffff  }
0x129: {  	v16 =	vld.idx.msk [tilespmem:v16+s2+$0x0], $0xffff  }
0x12a: {  	v19 =	vld.idx.msk [tilespmem:v19+s2+$0x0], $0xffff  }
0x12b: {  	v58 =	vld.idx.msk [tilespmem:v58+s2+$0x0], $0xffff  }
0x12c: {  	v63 =	vand.u32 $0xFFFFFFF8, v47;
	v23 =	vor.u32 $0x7, v47;
	vm13 =	vgt.f32 v59, v57  }
0x12d: {  	v22 =	vor.u32 $0x6, v63;
	vm12 =	veq.s32 v17, $0x0;
	v57 =	vsel vm13, v59, v57  }
0x12e: {  	v59 =	vsel vm13, $0x1, v1;
	vm13 =	veq.s32 v17, $0x1;
	vm14 =	vgt.f32 v16, v60  }
0x12f: {  	v16 =	vsel vm14, v16, v60;
	vm15 =	vgt.f32 v61, v19;
	v60 =	vsel vm14, $0x3, v2  }
0x130: {  	vm8 =	vgt.f32 v58, v62;
	vm14 =	veq.s32 v17, $0x2;
	v24 =	vsel vm15, $0x5, v3  }
0x131: {  	v19 =	vsel vm15, v61, v19;
	v58 =	vsel vm8, v58, v62;
	v22 =	vsel vm8, v23, v22  }
0x132: {  	vm9 =	vgt.f32 v16, v57;
	vm15 =	veq.s32 v17, $0x3;
	vm8 =	veq.s32 v17, $0x4  }
0x133: {  	v24 =	vor.u32 v24, v63;
	vm10 =	vgt.f32 v58, v19;
	v16 =	vsel vm9, v16, v57  }
0x134: {  	v23 =	vsel vm9, v60, v59;
	vm9 =	veq.s32 v17, $0x5;
	v19 =	vsel vm10, v58, v19  }
0x135: {  	v23 =	vor.u32 v23, v63;
	v22 =	vsel vm10, v22, v24;
	vm11 =	vgt.f32 v19, v16  }
0x136: {  	vm10 =	veq.s32 v17, $0x6;
	v16 =	vsel vm11, v19, v16;
	v19 =	vsel vm11, v22, v23  }
0x137: {  	vm11 =	veq.s32 v17, $0x7;
	v6 =	vsel vm12, v16, v6;
	v7 =	vsel vm12, v19, v7  }
0x138: {  	v8 =	vsel vm13, v16, v8;
	v9 =	vsel vm13, v19, v9;
	v10 =	vsel vm14, v16, v10  }
0x139: {  	v11 =	vsel vm14, v19, v11;
	v12 =	vsel vm15, v16, v12;
	v13 =	vsel vm15, v19, v13  }
0x13a: {  	v14 =	vsel vm8, v16, v14;
	v15 =	vsel vm8, v19, v15;
	v18 =	vsel vm9, v16, v18  }
0x13b: {  	v20 =	vsel vm9, v19, v20;
	v21 =	vsel vm10, v16, v21;
	v22 =	vsel vm10, v19, v52  }
0x13c: {  	v4 =	vsel vm11, v16, v4;
	v5 =	vsel vm11, v19, v5;
	vm12 =	vgt.f32 v8, v6  }
0x13d: {  	vm13 =	vgt.f32 v12, v10;
	vm14 =	vgt.f32 v18, v14;
	vm6 =	vgt.f32 v4, v21  }
0x13e: {  	v16 =	vsel vm12, v8, v6;
	v17 =	vsel vm12, v9, v7;
	v19 =	vsel vm13, v12, v10  }
0x13f: {  	v23 =	vsel vm13, v13, v11;
	v24 =	vsel vm14, v18, v14;
	v52 =	vsel vm6, v4, v21  }
0x140: {  	v59 =	vsel vm14, v20, v15;
	vm15 =	vgt.f32 v19, v16;
	vm8 =	vgt.f32 v52, v24  }
0x141: {  	v60 =	vsel vm6, v5, v22;
	v57 =	vsel vm15, v19, v16;
	v58 =	vsel vm8, v52, v24  }
0x142: {  	v16 =	vsel vm15, v23, v17;
	v17 =	vsel vm8, v60, v59;
	vm4 =	vgt.f32 v58, v57  }
0x143: {  	v52 =	vsel vm4, v17, v16  }
0x144: {  	v16 =	vshll.u32 v52, $0x9;
	v17 =	vshrl.u32 v52, $0x3  }
0x145: {  	v19 =	vshll.u32 v52, $0x4;
	v16 =	vadd.s32 v37, v16;
	v23 =	vshll.u32 v17, $0xC  }
0x146: {  	v19 =	vor.u32 v33, v19;
	v23 =	vadd.s32 v37, v23  }
0x147: {  	v24 =	vand.u32 $0x7FFFF180, v23  }
0x148: {  	v59 =	vor.u32 v24, v39  }
0x149: {  	v60 =	vor.u32 v24, v40  }
0x14a: {  	v61 =	vor.u32 v24, v41;
	[tilespmem:v16+s2+$0x0] =	vst.idx.msk $0xffff, v34  }
0x14b: {  	v62 =	vor.u32 v24, v42;
	[tilespmem:v19+s11+$0x0] =	vst.idx.add.f32.msk $0xffff, v35  }
0x14c: {  	v16 =	vor.u32 v24, v44;
	v23 =	vld.idx.msk [tilespmem:v23+s2+$0x0], $0xffff  }
0x14d: {  	v19 =	vor.u32 v24, v45;
	v59 =	vld.idx.msk [tilespmem:v59+s2+$0x0], $0xffff  }
0x14e: {  	v24 =	vor.u32 v24, v43;
	v60 =	vld.idx.msk [tilespmem:v60+s2+$0x0], $0xffff  }
0x14f: {  	v61 =	vld.idx.msk [tilespmem:v61+s2+$0x0], $0xffff  }
0x150: {  	v62 =	vld.idx.msk [tilespmem:v62+s2+$0x0], $0xffff  }
0x151: {  	v16 =	vld.idx.msk [tilespmem:v16+s2+$0x0], $0xffff  }
0x152: {  	v19 =	vld.idx.msk [tilespmem:v19+s2+$0x0], $0xffff  }
0x153: {  	v63 =	vand.u32 $0xFFFFFFF8, v52;
	v24 =	vld.idx.msk [tilespmem:v24+s2+$0x0], $0xffff  }
0x154: {  	v48 =	vsel vm0, v49, v48;
	v49 =	vor.u32 $0x6, v63;
	vm5 =	veq.s32 v17, $0x0  }
0x155: {  	vm6 =	veq.s32 v17, $0x1;
	vm7 =	veq.s32 v17, $0x2;
	vm10 =	vgt.f32 v59, v23  }
0x156: {  	vm8 =	veq.s32 v17, $0x3;
	vm11 =	vgt.f32 v61, v60;
	v23 =	vsel vm10, v59, v23  }
0x157: {  	v59 =	vsel vm10, $0x1, v1;
	vm10 =	veq.s32 v17, $0x5;
	vm9 =	vgt.f32 v19, v16  }
0x158: {  	vm12 =	vgt.f32 v24, v62;
	v16 =	vsel vm9, v19, v16;
	v19 =	vor.u32 $0x7, v52  }
0x159: {  	v24 =	vsel vm12, v24, v62;
	v62 =	vsel vm12, $0x5, v3;
	vm12 =	veq.s32 v17, $0x7  }
0x15a: {  	v19 =	vsel vm9, v19, v49;
	v49 =	vsel vm11, v61, v60;
	v60 =	vsel vm11, $0x3, v2  }
0x15b: {  	vm14 =	vgt.f32 v16, v24;
	vm9 =	veq.s32 v17, $0x4;
	vm13 =	vgt.f32 v49, v23  }
0x15c: {  	vm11 =	veq.s32 v17, $0x6;
	v16 =	vsel vm14, v16, v24;
	v23 =	vsel vm13, v49, v23  }
0x15d: {  	v59 =	vsel vm13, v60, v59;
	v49 =	vor.u32 v62, v63;
	vm15 =	vgt.f32 v16, v23  }
0x15e: {  	v24 =	vor.u32 v59, v63;
	v19 =	vsel vm14, v19, v49;
	v16 =	vsel vm15, v16, v23  }
0x15f: {  	v17 =	vsub.f32 $0.0e+00, v48;
	v19 =	vsel vm15, v19, v24;
	v6 =	vsel vm5, v16, v6  }
0x160: {  	v7 =	vsel vm5, v19, v7;
	v8 =	vsel vm6, v16, v8;
	v9 =	vsel vm6, v19, v9  }
0x161: {  	v10 =	vsel vm7, v16, v10;
	v11 =	vsel vm7, v19, v11;
	v12 =	vsel vm8, v16, v12  }
0x162: {  	v13 =	vsel vm8, v19, v13;
	v14 =	vsel vm9, v16, v14;
	v15 =	vsel vm9, v19, v15  }
0x163: {  	v18 =	vsel vm10, v16, v18;
	v20 =	vsel vm10, v19, v20;
	v21 =	vsel vm11, v16, v21  }
0x164: {  	v22 =	vsel vm11, v19, v22;
	v4 =	vsel vm12, v16, v4;
	v16 =	vmul.f32 $1.442695020e+00, v17  }
0x165: {  	v5 =	vsel vm12, v19, v5;
	vm13 =	vgt.f32 v8, v6;
	vm14 =	vgt.f32 v12, v10  }
0x166: {  	vm15 =	vgt.f32 v18, v14;
	vm9 =	vgt.f32 v4, v21;
	(erf) = vpow2.f32 v16  }
0x167: {  	v17 =	vsel vm13, v8, v6;
	v19 =	vsel vm13, v9, v7;
	v23 =	vsel vm14, v12, v10  }
0x168: {  	v16 =	vsel vm14, v13, v11;
	v24 =	vsel vm15, v18, v14;
	v48 =	vsel vm9, v4, v21  }
0x169: {  	v49 =	vsel vm15, v20, v15;
	vm10 =	vgt.f32 v23, v17;
	vm11 =	vgt.f32 v48, v24  }
0x16a: {  	v59 =	vsel vm9, v5, v22;
	v62 =	vsel vm10, v23, v17;
	v63 =	vsel vm11, v48, v24  }
0x16b: {  	v16 =	vsel vm10, v16, v19;
	v17 =	vsel vm11, v59, v49;
	vm0 =	vgt.f32 v63, v62  }
0x16c: {  	v48 =	vsel vm0, v17, v16  }
0x16d: {  	v24 =	vsel vm1, v51, v50;
	v16 =	vshll.u32 v48, $0x9;
	v17 =	vshrl.u32 v48, $0x3  }
0x16e: {  	v19 =	vshll.u32 v48, $0x4;
	v16 =	vadd.s32 v37, v16;
	v23 =	vshll.u32 v17, $0xC  }
0x16f: {  	v24 =	vsub.f32 $0.0e+00, v24;
	v19 =	vor.u32 v33, v19;
	v23 =	vadd.s32 v37, v23;
	v60 =	vpop (erf)  }
0x170: {  	v49 =	vand.u32 $0x7FFFF180, v23;
	v50 =	vadd.f32 $1.000000000e+00, v60  }
0x171: {  	v24 =	vmul.f32 $1.442695020e+00, v24;
	v61 =	vor.u32 v49, v39  }
0x172: {  	v60 =	vor.u32 v49, v40;
	(erf) = vrcp.f32 v50  }
0x173: {  	[tilespmem:v16+s2+$0x0] =	vst.idx.msk $0xffff, v34;
	v16 =	vor.u32 v49, v41;
	(erf) = vpow2.f32 v24  }
0x174: {  	[tilespmem:v19+s11+$0x0] =	vst.idx.add.f32.msk $0xffff, v35;
	v19 =	vor.u32 v49, v42  }
0x175: {  	v23 =	vld.idx.msk [tilespmem:v23+s2+$0x0], $0xffff;
	v24 =	vor.u32 v49, v43  }
0x176: {  	v50 =	vld.idx.msk [tilespmem:v61+s2+$0x0], $0xffff;
	v61 =	vor.u32 v49, v44;
	v49 =	vor.u32 v49, v45  }
0x177: {  	v59 =	vld.idx.msk [tilespmem:v60+s2+$0x0], $0xffff  }
0x178: {  	v53 =	vsel vm2, v54, v53;
	v16 =	vld.idx.msk [tilespmem:v16+s2+$0x0], $0xffff  }
0x179: {  	v53 =	vsub.f32 $0.0e+00, v53;
	v19 =	vld.idx.msk [tilespmem:v19+s2+$0x0], $0xffff  }
0x17a: {  	v24 =	vld.idx.msk [tilespmem:v24+s2+$0x0], $0xffff  }
0x17b: {  	v53 =	vmul.f32 $1.442695020e+00, v53;
	v54 =	vsel vm3, v56, v55;
	v60 =	vld.idx.msk [tilespmem:v49+s2+$0x0], $0xffff;
	v49 =	vpop (erf)  }
0x17c: {  	v25 =	vsel vm4, v58, v57;
	vm9 =	veq.s32 v17, $0x0;
	vm10 =	veq.s32 v17, $0x1;
	v51 =	vld.idx.msk [tilespmem:v61+s2+$0x0], $0xffff;
	v61 =	vpop (erf)  }
0x17d: {  	vm11 =	veq.s32 v17, $0x2;
	vm12 =	vgt.f32 v50, v23;
	v57 =	vadd.f32 $1.000000000e+00, v61  }
0x17e: {  	vm4 =	veq.s32 v17, $0x7;
	v23 =	vsel vm12, v50, v23;
	vm13 =	vgt.f32 v16, v59  }
0x17f: {  	v16 =	vsel vm13, v16, v59;
	v59 =	vor.u32 $0x7, v48;
	(erf) = vrcp.f32 v57  }
0x180: {  	vm14 =	vgt.f32 v24, v19;
	v61 =	vsel vm13, $0x3, v2;
	(erf) = vpow2.f32 v53  }
0x181: {  	vm6 =	vgt.f32 v16, v23;
	vm13 =	veq.s32 v17, $0x4;
	v19 =	vsel vm14, v24, v19  }
0x182: {  	v24 =	vand.u32 $0xFFFFFFF8, v48;
	vm15 =	vgt.f32 v60, v51;
	v16 =	vsel vm6, v16, v23  }
0x183: {  	v23 =	vsel vm14, $0x5, v3;
	v58 =	vor.u32 $0x6, v24;
	v51 =	vsel vm15, v60, v51  }
0x184: {  	v60 =	vsel vm12, $0x1, v1;
	v23 =	vor.u32 v23, v24;
	vm7 =	vgt.f32 v51, v19  }
0x185: {  	v50 =	vsel vm15, v59, v58;
	v53 =	vsel vm6, v61, v60;
	v19 =	vsel vm7, v51, v19  }
0x186: {  	v24 =	vor.u32 v53, v24;
	v23 =	vsel vm7, v50, v23;
	vm8 =	vgt.f32 v19, v16  }
0x187: {  	vm14 =	veq.s32 v17, $0x5;
	v16 =	vsel vm8, v19, v16;
	v19 =	vsel vm8, v23, v24  }
0x188: {  	vm12 =	veq.s32 v17, $0x3;
	v51 =	vsel vm9, v19, v7;
	v7 =	vsel vm10, v16, v8;
	v50 =	vpop (erf)  }
0x189: {  	v53 =	vsel vm10, v19, v9;
	v8 =	vsel vm11, v16, v10;
	v10 =	vsub.f32 $0.0e+00, v54;
	v9 =	vpop (erf)  }
0x18a: {  	vm15 =	veq.s32 v17, $0x6;
	v6 =	vsel vm9, v16, v6;
	v9 =	vadd.f32 $1.000000000e+00, v9  }
0x18b: {  	v55 =	vsel vm11, v19, v11;
	v11 =	vsel vm12, v16, v12;
	v10 =	vmul.f32 $1.442695020e+00, v10  }
0x18c: {  	v56 =	vsel vm12, v19, v13;
	v12 =	vsel vm13, v16, v14;
	(erf) = vrcp.f32 v9  }
0x18d: {  	v57 =	vsel vm13, v19, v15;
	v59 =	vsel vm14, v19, v20;
	(erf) = vpow2.f32 v10  }
0x18e: {  	v60 =	vsel vm15, v19, v22;
	v4 =	vsel vm4, v16, v4;
	vm5 =	vgt.f32 v7, v6  }
0x18f: {  	v61 =	vsel vm4, v19, v5;
	vm6 =	vgt.f32 v11, v8;
	v5 =	vsel vm5, v7, v6  }
0x190: {  	v13 =	vsel vm5, v53, v51;
	v9 =	vsel vm14, v16, v18;
	v10 =	vsel vm15, v16, v21  }
0x191: {  	v14 =	vsel vm6, v11, v8;
	vm7 =	vgt.f32 v9, v12;
	vm8 =	vgt.f32 v4, v10  }
0x192: {  	vm9 =	vgt.f32 v14, v5;
	v16 =	vsel vm7, v9, v12;
	v18 =	vsel vm8, v4, v10  }
0x193: {  	v15 =	vsel vm6, v56, v55;
	v5 =	vsel vm9, v14, v5;
	vm10 =	vgt.f32 v18, v16  }
0x194: {  	v17 =	vsel vm7, v59, v57;
	v19 =	vsel vm8, v61, v60;
	v14 =	vsel vm10, v18, v16  }
0x195: {  	v13 =	vsel vm9, v15, v13;
	v15 =	vsel vm10, v19, v17;
	vm11 =	vgt.f32 v14, v5;
	v58 =	vpop (erf)  }
0x196: {  	v17 =	vsub.f32 $0.0e+00, v25;
	v54 =	vsel vm11, v15, v13;
	v16 =	vpop (erf)  }
0x197: {  	v15 =	vshll.u32 v54, $0x9;
	v13 =	vadd.f32 $1.000000000e+00, v16  }
0x198: {  	v15 =	vadd.s32 v37, v15;
	v16 =	vmul.f32 $1.442695020e+00, v17;
	v17 =	vshrl.u32 v54, $0x3  }
0x199: {  	v18 =	vshll.u32 v17, $0xC;
	(erf) = vrcp.f32 v13;
	v13 =	vshll.u32 v54, $0x4  }
0x19a: {  	(erf) = vpow2.f32 v16;
	v13 =	vor.u32 v33, v13;
	v16 =	vadd.s32 v37, v18  }
0x19b: {  	v18 =	vand.u32 $0x7FFFF180, v16  }
0x19c: {  	v19 =	vor.u32 v18, v39  }
0x19d: {  	v20 =	vor.u32 v18, v40  }
0x19e: {  	[tilespmem:v15+s2+$0x0] =	vst.idx.msk $0xffff, v34;
	v15 =	vor.u32 v18, v41  }
0x19f: {  	v21 =	vor.u32 v18, v43;
	[tilespmem:v13+s11+$0x0] =	vst.idx.add.f32.msk $0xffff, v35  }
0x1a0: {  	v13 =	vor.u32 v18, v42;
	v16 =	vld.idx.msk [tilespmem:v16+s2+$0x0], $0xffff  }
0x1a1: {  	v23 =	vor.u32 v18, v44;
	v18 =	vor.u32 v18, v45;
	v19 =	vld.idx.msk [tilespmem:v19+s2+$0x0], $0xffff  }
0x1a2: {  	v22 =	vsel vm0, v63, v62;
	v20 =	vld.idx.msk [tilespmem:v20+s2+$0x0], $0xffff;
	v62 =	vpop (erf)  }
0x1a3: {  	v22 =	vsub.f32 $0.0e+00, v22;
	v15 =	vld.idx.msk [tilespmem:v15+s2+$0x0], $0xffff;
	v24 =	vpop (erf)  }
0x1a4: {  	v21 =	vld.idx.msk [tilespmem:v21+s2+$0x0], $0xffff;
	v24 =	vadd.f32 $1.000000000e+00, v24  }
0x1a5: {  	v22 =	vmul.f32 $1.442695020e+00, v22;
	v13 =	vld.idx.msk [tilespmem:v13+s2+$0x0], $0xffff  }
0x1a6: {  	v18 =	vld.idx.msk [tilespmem:v18+s2+$0x0], $0xffff;
	(erf) = vrcp.f32 v24  }
0x1a7: {  	vm12 =	vgt.f32 v19, v16;
	(erf) = vpow2.f32 v22;
	v22 =	vld.idx.msk [tilespmem:v23+s2+$0x0], $0xffff  }
0x1a8: {  	vm13 =	vgt.f32 v15, v20;
	v16 =	vsel vm12, v19, v16;
	v19 =	vimm.s32 $0x0  }
0x1a9: {  	v19 =	vsel vm13, $0xFFFFFFFF, v19  }
0x1aa: {  	[tilespmem:$0x1FFA0] =	vst v19;
	vm14 =	vgt.f32 v21, v13;
	v19 =	vimm.s32 $0x0  }
0x1ab: {  	v19 =	vsel vm14, $0xFFFFFFFF, v19  }
0x1ac: {  	[tilespmem:$0x1FFC0] =	vst v19;
	v19 =	vimm.s32 $0x0;
	vm15 =	vgt.f32 v18, v22  }
0x1ad: {  	v15 =	vsel vm13, v15, v20;
	v19 =	vsel vm15, $0xFFFFFFFF, v19  }
0x1ae: {  	v5 =	vsel vm11, v14, v5;
	vm1 =	vgt.f32 v15, v16;
	[tilespmem:$0x1FFB0] =	vst v19;
	v19 =	vimm.s32 $0x0  }
0x1af: {  	v13 =	vsel vm14, v21, v13;
	v18 =	vsel vm15, v18, v22;
	v19 =	vsel vm1, $0xFFFFFFFF, v19  }
0x1b0: {  	v5 =	vsub.f32 $0.0e+00, v5;
	vm0 =	vgt.f32 v18, v13;
	[tilespmem:$0x1FFD0] =	vst v19;
	v19 =	vimm.s32 $0x0  }
0x1b1: {  	v63 =	vimm.s32 $0x0;
	v19 =	vsel vm0, $0xFFFFFFFF, v19  }
0x1b2: {  	v14 =	vimm.s32 $0x0;
	v5 =	vmul.f32 $1.442695020e+00, v5;
	vm11 =	veq.s32 v17, $0x0  }
0x1b3: {  	vm7 =	veq.s32 v17, $0x3;
	v15 =	vsel vm1, v15, v16;
	v13 =	vsel vm0, v18, v13  }
0x1b4: {  	vm8 =	veq.s32 v17, $0x5;
	vm9 =	veq.s32 v17, $0x6;
	vm0 =	vgt.f32 v13, v15;
	[tilespmem:$0x1FFE0] =	vst v19;
	v19 =	vpop (erf)  }
0x1b5: {  	vm10 =	veq.s32 v17, $0x7;
	v40 =	vsel vm12, $0xFFFFFFFF, v63;
	v14 =	vsel vm0, $0xFFFFFFFF, v14;
	v16 =	vpop (erf)  }
0x1b6: {  	vm12 =	veq.s32 v17, $0x1;
	v13 =	vsel vm0, v13, v15;
	[tilespmem:$0x1FFF0] =	vst v14;
	v14 =	vadd.f32 $1.000000000e+00, v16  }
0x1b7: {  	vm13 =	veq.s32 v17, $0x2;
	vm14 =	veq.s32 v17, $0x4;
	v9 =	vsel vm8, v13, v9  }
0x1b8: {  	v10 =	vsel vm9, v13, v10;
	v4 =	vsel vm10, v13, v4;
	(erf) = vrcp.f32 v14  }
0x1b9: {  	vm5 =	vgt.f32 v4, v10;
	(erf) = vpow2.f32 v5;
	v5 =	vsel vm11, v13, v6  }
0x1ba: {  	v6 =	vsel vm12, v13, v7;
	v7 =	vsel vm13, v13, v8;
	v8 =	vsel vm7, v13, v11  }
0x1bb: {  	v11 =	vsel vm14, v13, v12;
	vm15 =	vgt.f32 v6, v5;
	vm3 =	vgt.f32 v8, v7  }
0x1bc: {  	vm4 =	vgt.f32 v9, v11;
	v5 =	vsel vm15, v6, v5;
	v6 =	vsel vm3, v8, v7  }
0x1bd: {  	v4 =	vsel vm5, v4, v10;
	v7 =	vsel vm4, v9, v11;
	vm2 =	vgt.f32 v6, v5  }
0x1be: {  	vm1 =	vgt.f32 v4, v7;
	v5 =	vsel vm2, v6, v5  }
0x1bf: {  	v4 =	vsel vm1, v4, v7  }
0x1c0: {  	vm0 =	vgt.f32 v4, v5  }
0x1c1: {  	v4 =	vsel vm0, v4, v5;
	v5 =	vpop (erf)  }
0x1c2: {  	v4 =	vsub.f32 $0.0e+00, v4;
	v6 =	vpop (erf)  }
0x1c3: {  	v6 =	vadd.f32 $1.000000000e+00, v6  }
0x1c4: {  	v4 =	vmul.f32 $1.442695020e+00, v4  }
0x1c5: {  	(erf) = vrcp.f32 v6  }
0x1c6: {  	(erf) = vpow2.f32 v4;
	_ =	sdelay $0x7  }
0x1c7: {  	v4 =	vpop (erf)  }
0x1c8: {  	v6 =	vpop (erf)  }
0x1c9: {  	v7 =	vadd.f32 v50, v49;
	v6 =	vadd.f32 $1.000000000e+00, v6  }
0x1ca: {  	[tilespmem:$0x1FF90] =	vst v40  }
0x1cb: {  	(erf) = vrcp.f32 v6;
	v6 =	vadd.f32 v58, v7;
	v7 =	vld [tilespmem:$0x1FF90]  }
0x1cc: {  	v11 =	vld [tilespmem:$0x1FFA0]  }
0x1cd: {  	v12 =	vld [tilespmem:$0x1FFB0];
	_ =	sdelay $0x2  }
0x1ce: {  	v10 =	vor.u32 $0x7, v54;
	vm6 =	vnez.u8 v7  }
0x1cf: {  	v8 =	vand.u32 $0xFFFFFFF8, v54;
	v7 =	vsel vm6, $0x1, v1;
	vm6 =	vnez.u8 v11  }
0x1d0: {  	v9 =	vor.u32 $0x6, v8;
	v11 =	vsel vm6, $0x3, v2;
	vm6 =	vnez.u8 v12  }
0x1d1: {  	v9 =	vsel vm6, v10, v9;
	v10 =	vld [tilespmem:$0x1FFC0]  }
0x1d2: {  	v12 =	vld [tilespmem:$0x1FFD0];
	_ =	sdelay $0x3  }
0x1d3: {  	vm6 =	vnez.u8 v10  }
0x1d4: {  	v10 =	vsel vm6, $0x5, v3;
	vm6 =	vnez.u8 v12  }
0x1d5: {  	v6 =	vadd.f32 v62, v6;
	v7 =	vsel vm6, v11, v7;
	v11 =	vld [tilespmem:$0x1FFE0]  }
0x1d6: {  	v10 =	vor.u32 v10, v8;
	v7 =	vor.u32 v7, v8;
	v8 =	vld [tilespmem:$0x1FFF0]  }
0x1d7: {  	v6 =	vadd.f32 v19, v6;
	_ =	sdelay $0x1  }
0x1d8: {  	v6 =	vadd.f32 v5, v6  }
0x1d9: {  	vm6 =	vnez.u8 v11  }
0x1da: {  	v6 =	vadd.f32 v4, v6;
	v9 =	vsel vm6, v9, v10;
	vm6 =	vnez.u8 v8  }
0x1db: {  	v11 =	vpop (erf);
	v7 =	vsel vm6, v9, v7  }
0x1dc: {  	v6 =	vadd.f32 v11, v6;
	v8 =	vsel vm11, v7, v51;
	v9 =	vsel vm12, v7, v53  }
0x1dd: {  	v10 =	vsel vm13, v7, v55;
	v12 =	vsel vm7, v7, v56;
	v13 =	vsel vm14, v7, v57  }
0x1de: {  	v14 =	vsel vm8, v7, v59;
	v15 =	vsel vm9, v7, v60;
	v7 =	vsel vm10, v7, v61  }
0x1df: {  	v6 =	vmax.f32 v6, $9.999999710e-10;
	v8 =	vsel vm15, v9, v8;
	v9 =	vsel vm3, v12, v10  }
0x1e0: {  	v10 =	vsel vm4, v14, v13;
	v7 =	vsel vm5, v7, v15;
	(erf) = vrcp.f32 v6  }
0x1e1: {  	v6 =	vsel vm2, v9, v8;
	v7 =	vsel vm1, v7, v10  }
0x1e2: {  	v6 =	vsel vm0, v7, v6  }
0x1e3: {  	v7 =	vshll.u32 v6, $0x9  }
0x1e4: {  	v8 =	vshll.u32 v6, $0x4;
	v7 =	vadd.s32 v37, v7  }
0x1e5: {  	v8 =	vor.u32 v33, v8;
	_ =	sdelay $0x3  }
0x1e6: {  	[tilespmem:v7+s2+$0x0] =	vst.idx.msk $0xffff, v34;
	v7 =	vpop (erf)  }
0x1e7: {  	[tilespmem:v8+s11+$0x0] =	vst.idx.add.f32.msk $0xffff, v35;
	v8 =	vmul.f32 v7, v49  }
0x1e8: {  	[tilespmem:s15+$0xFFFFF800] =	vst v36  }
0x1e9: {  	[tilespmem:s17+$0xFFFFF800] =	vst v8;
	v8 =	vmul.f32 v7, v50  }
0x1ea: {  	[tilespmem:s15+$0xFFFFFA00] =	vst v38  }
0x1eb: {  	[tilespmem:s17+$0xFFFFFA00] =	vst v8;
	v8 =	vmul.f32 v7, v58  }
0x1ec: {  	[tilespmem:s15+$0xFFFFFC00] =	vst v46  }
0x1ed: {  	[tilespmem:s17+$0xFFFFFC00] =	vst v8;
	v8 =	vmul.f32 v7, v62  }
0x1ee: {  	[tilespmem:s15+$0xFFFFFE00] =	vst v47  }
0x1ef: {  	v25 =	vimm.s32 $0x30;
	[tilespmem:s17+$0xFFFFFE00] =	vst v8;
	v8 =	vmul.f32 v7, v19  }
0x1f0: {  	v24 =	vimm.s32 $0x2E;
	v23 =	vimm.s32 $0x2C;
	v20 =	vimm.s32 $0x26;
	[tilespmem:s15+$0x0] =	vst v52  }
0x1f1: {  	v21 =	vimm.s32 $0x28;
	v17 =	vimm.s32 $0x20;
	v5 =	vmul.f32 v7, v5;
	[tilespmem:s17+$0x0] =	vst v8  }
0x1f2: {  	p0 =	sne.s32 s18, $0x1F0;
	v22 =	vimm.s32 $0x2A;
	v18 =	vimm.s32 $0x22;
	v16 =	vimm.s32 $0x1E;
	[tilespmem:s15+$0x200] =	vst v48  }
.Ltmp0:
0x1f3: {  	v12 =	vimm.s32 $0x16;
	v14 =	vimm.s32 $0x1A;
	v4 =	vmul.f32 v7, v4;
	[tilespmem:s17+$0x200] =	vst v5;
	(pc) =	sbr.rel @p0 .LBB2_2-.Ltmp0, $4  }
0x1f4: {  	v13 =	vimm.s32 $0x18;
	v15 =	vimm.s32 $0x1C;
	v9 =	vimm.s32 $0x10;
	[tilespmem:s15+$0x400] =	vst v54  }
0x1f5: {  	v10 =	vimm.s32 $0x12;
	v19 =	vimm.s32 $0x24;
	[tilespmem:s17+$0x400] =	vst v4;
	v4 =	vmul.f32 v7, v11  }
0x1f6: {  	s16 =	sadd.s32 $0x10, s16;
	v8 =	vimm.s32 $0xE;
	v5 =	vimm.s32 $0x8;
	v11 =	vimm.s32 $0x14;
	[tilespmem:s15+$0x600] =	vst v6  }
0x1f7: {  	s18 =	sadd.s32 $0x10, s18;
	v7 =	vimm.s32 $0xC;
	v6 =	vimm.s32 $0xA;
	s15 =	sadd.s32 $0x10, s15;
	[tilespmem:s17+$0x600] =	vst v4;
	v4 =	vimm.s32 $0x6;
	s17 =	sadd.s32 $0x10, s17  }
0x1f8: {  	[hbm4b:s4+s8] =	stream.strided.scatter [tilespmem:s12], [sflag:$0x1], $0x1000, s9, s8, $0x38;
	[tilespmem:$0xA400] =	vst v63  }
0x1f9: {  	_ =	swait.ge [sflag:s10], $0x1000  }
0x1fa: {  	[sflag:s10] =	ssyncset.done $0x0  }
0x1fb: {  	[sflag:s10] =	ssyncadd.s32 $0xFFFFF000  }
0x1fc: {  	[hbm4b:s5+s8] =	stream.strided.scatter [tilespmem:s13], [sflag:$0x1], $0x1000, s9, s8, $0x38;
	[tilespmem:$0xA400] =	vst v63  }
0x1fd: {  	s14 =	sadd.s32 $0x1, s14;
	_ =	swait.ge [sflag:s10], $0x1000  }
0x1fe: {  	p0 =	sne.s32 s14, s7;
	[sflag:s10] =	ssyncset.done $0x0  }
.Ltmp1:
0x1ff: {  	[sflag:s10] =	ssyncadd.s32 $0xFFFFF000;
	(pc) =	sbr.rel @p0 .LBB2_1-.Ltmp1, $4  }
0x200: {  	[hbm4b:s6+s8] =	stream.strided.scatter [tilespmem:s11], [sflag:$0x1], $0x400, s9, s8, $0x38;
	[tilespmem:$0xA400] =	vst v63  }
0x201: {  	_ =	swait.ge [sflag:s10], $0x400  }
0x202: {  	[sflag:s10] =	ssyncset.done $0x0  }
0x203: {  	[sflag:s10] =	ssyncadd.s32 $0xFFFFFC00  }
0x204: {  	_ =	sfence.sel $0x180000  }
0x205: {  	[bflag:$0x0] =	sbarrier.arrive $0xFFFF  }
0x206: {  	p0 =	sne.s32 s1, $0x0;
	_ =	strace $0x90000047  }
0x207: {  	s0 =	sadd.s32 @!p0 $0x100000, s0;
	[bflag:$0x2] =	sbarrier.arrive $0xFFFF  }
0x208: {  	[sflag:s0] =	ssyncadd.tile.s32 @!p0 $0x1;
	_ =	shalt  }
.Lfunc_end2:
_tile_overlayer_lowered:
.L_overlay_start_2:
0x209: {  	(tag) =	ssettag $0x2  }
0x20a: {  	s0 =	rddreg [dreg:$0x0];
	s2 =	stileid.u32  }
0x20b: {  	s1 =	rddreg [dreg:$0x1];
	p0 =	sne.s32 s2, $0x0  }
0x20c: {  	s3 =	rddreg [dreg:$0x2];
	[bflag:$0x3] =	sbarrier.arrive $0xFFFF;
	s2 =	simm.s32 @!p0 $0x1C01  }
0x20d: {  	[timem:s3], [sflag:s2] =	dma.local @!p0 [hbm:s0], s1  }
0x20e: {  	s0 =	simm.s32 @!p0 $0x1  }
0x20f: {  	_ =	swait.ge @!p0 [sflag:s0], s1  }
0x210: {  	s1 =	ssub.s32 @!p0 $0x0, s1;
	[sflag:s0] =	ssyncset.done @!p0 $0x0  }
0x211: {  	[sflag:s0] =	ssyncadd.s32 @!p0 s1  }
0x212: {  	[bflag:$0x3] =	sbarrier.arrive $0xFFFF  }
0x213: {  	_ =	shalt  }

</sc_bundles>
